<compile_context>
chip_gen: v7x
topology: tpu7x:2x2x1
jax: 0.10.2.dev20260603
libtpu: 0.0.44.dev20260713+nightly
codegen_flags: <defaults>
</compile_context>

<pallas_src>
import jax
import jax.numpy as jnp
from jax import lax
from jax.experimental import pallas as pl
from jax.experimental.pallas import tpu as pltpu
from jax.experimental.pallas import tpu_sc as plsc

N = 10000
E = 320000
D = 128

NC = 2
NS = 16
NW = NC * NS
LANES = 16

CHUNK = 128
NCHUNK = E // CHUNK
BASE = NCHUNK // NW
REM = NCHUNK % NW
RPT = 640
NPAD = NS * RPT


def _worker_span():
    cid = lax.axis_index("c")
    sid = lax.axis_index("s")
    wid = sid * NC + cid
    nw = BASE + jnp.where(wid < REM, 1, 0)
    a0 = wid * BASE + jnp.minimum(wid, REM)
    return cid, sid, a0, nw


def _deg_body(ei_hbm, ew_hbm, pd_hbm, colA, colB, ewA, ewB, zb_v, deg_s,
              siA, siB):
    cid, sid, a0, nw = _worker_span()

    def _fire(c_idx, col_v, ew_v, sem):
        pltpu.async_copy(ei_hbm.at[1, pl.ds(c_idx * CHUNK, CHUNK)], col_v, sem)
        pltpu.async_copy(ew_hbm.at[pl.ds(c_idx * CHUNK, CHUNK)], ew_v, sem)

    def _wait(col_v, ew_v, sem):
        pltpu.make_async_copy(ei_hbm.at[1, pl.ds(0, CHUNK)], col_v, sem).wait()
        pltpu.make_async_copy(ew_hbm.at[pl.ds(0, CHUNK)], ew_v, sem).wait()

    @pl.loop(0, RPT // LANES)
    def _(i):
        zb_v[pl.ds(i * LANES, LANES)] = jnp.zeros((LANES,), jnp.float32)

    pltpu.sync_copy(zb_v, deg_s.at[pl.ds(sid * RPT, RPT)])
    plsc.subcore_barrier()

    _fire(a0, colA, ewA, siA)

    @pl.when(nw > 1)
    def _():
        _fire(a0 + 1, colB, ewB, siB)

    @pl.loop(0, (nw + 1) // 2)
    def _(p):
        i = 2 * p
        _wait(colA, ewA, siA)
        pltpu.sync_copy(ewA, deg_s.at[colA], add=True)

        @pl.when(i + 2 < nw)
        def _():
            _fire(a0 + i + 2, colA, ewA, siA)

        @pl.when(i + 1 < nw)
        def _():
            _wait(colB, ewB, siB)
            pltpu.sync_copy(ewB, deg_s.at[colB], add=True)

            @pl.when(i + 3 < nw)
            def _():
                _fire(a0 + i + 3, colB, ewB, siB)

    plsc.subcore_barrier()
    pltpu.sync_copy(deg_s.at[pl.ds(sid * RPT, RPT)],
                    pd_hbm.at[cid, pl.ds(sid * RPT, RPT)])


def _deg_partials(ei, ew):
    return pl.kernel(
        _deg_body,
        out_type=jax.ShapeDtypeStruct((NC, NPAD), jnp.float32),
        mesh=plsc.VectorSubcoreMesh(core_axis_name="c", subcore_axis_name="s"),
        compiler_params=pltpu.CompilerParams(needs_layout_passes=False),
        scratch_types=[
            pltpu.VMEM((CHUNK,), jnp.int32),
            pltpu.VMEM((CHUNK,), jnp.int32),
            pltpu.VMEM((CHUNK,), jnp.float32),
            pltpu.VMEM((CHUNK,), jnp.float32),
            pltpu.VMEM((RPT,), jnp.float32),
            pltpu.VMEM_SHARED((NPAD,), jnp.float32),
            pltpu.SemaphoreType.DMA,
            pltpu.SemaphoreType.DMA,
        ],
    )(ei, ew)


def _agg_body(g_hbm, ei_hbm, ew_hbm, p_hbm,
              rowA, rowB, colA, colB, ewA, ewB, rowsA, rowsB, acc_s,
              sgA, sgB, siA, siB, scA, scB, ssA, ssB):
    cid, sid, a0, nw = _worker_span()

    def _fire_re(c_idx, row_v, ew_v, sem):
        pltpu.async_copy(ei_hbm.at[0, pl.ds(c_idx * CHUNK, CHUNK)], row_v, sem)
        pltpu.async_copy(ew_hbm.at[pl.ds(c_idx * CHUNK, CHUNK)], ew_v, sem)

    def _wait_re(row_v, ew_v, sem):
        pltpu.make_async_copy(ei_hbm.at[0, pl.ds(0, CHUNK)], row_v, sem).wait()
        pltpu.make_async_copy(ew_hbm.at[pl.ds(0, CHUNK)], ew_v, sem).wait()

    def _fire_col(c_idx, col_v, sem):
        pltpu.async_copy(ei_hbm.at[1, pl.ds(c_idx * CHUNK, CHUNK)], col_v, sem)

    @pl.loop(0, CHUNK)
    def _(i):
        for j in range(D // LANES):
            rowsA[i, pl.ds(j * LANES, LANES)] = jnp.zeros((LANES,), jnp.float32)

    for k in range(RPT // CHUNK):
        pltpu.sync_copy(rowsA, acc_s.at[pl.ds(sid * RPT + k * CHUNK, CHUNK)])
    plsc.subcore_barrier()

    def _scale_fire(ew_v, col_v, rows_v, csem, ssem):
        @pl.loop(0, CHUNK, unroll=4)
        def _(e):
            s = plsc.load_gather(ew_v, [jnp.full((LANES,), e, jnp.int32)])
            for j in range(D // LANES):
                rows_v[e, pl.ds(j * LANES, LANES)] = (
                    rows_v[e, pl.ds(j * LANES, LANES)] * s)

        pltpu.make_async_copy(ei_hbm.at[1, pl.ds(0, CHUNK)], col_v,
                              csem).wait()
        pltpu.async_copy(rows_v, acc_s.at[col_v], ssem, add=True)

    _fire_re(a0, rowA, ewA, siA)
    _fire_col(a0, colA, scA)
    _wait_re(rowA, ewA, siA)
    pltpu.async_copy(g_hbm.at[rowA], rowsA, sgA)

    @pl.when(nw > 1)
    def _():
        _fire_re(a0 + 1, rowB, ewB, siB)

    @pl.loop(0, (nw + 1) // 2)
    def _(p):
        i = 2 * p
        pltpu.make_async_copy(g_hbm.at[rowA], rowsA, sgA).wait()

        @pl.when(i + 1 < nw)
        def _():
            _wait_re(rowB, ewB, siB)

            @pl.when(p > 0)
            def _():
                pltpu.make_async_copy(rowsB, acc_s.at[colB], ssB).wait()

            _fire_col(a0 + i + 1, colB, scB)
            pltpu.async_copy(g_hbm.at[rowB], rowsB, sgB)

        _scale_fire(ewA, colA, rowsA, scA, ssA)

        @pl.when(i + 2 < nw)
        def _():
            _fire_re(a0 + i + 2, rowA, ewA, siA)

        @pl.when(i + 1 < nw)
        def _():
            pltpu.make_async_copy(g_hbm.at[rowB], rowsB, sgB).wait()
            _scale_fire(ewB, colB, rowsB, scB, ssB)

            @pl.when(i + 3 < nw)
            def _():
                _fire_re(a0 + i + 3, rowB, ewB, siB)

        @pl.when(i + 2 < nw)
        def _():
            pltpu.make_async_copy(rowsA, acc_s.at[colA], ssA).wait()
            _fire_col(a0 + i + 2, colA, scA)
            _wait_re(rowA, ewA, siA)
            pltpu.async_copy(g_hbm.at[rowA], rowsA, sgA)

    pltpu.make_async_copy(rowsA, acc_s.at[colA], ssA).wait()

    @pl.when(nw > 1)
    def _():
        pltpu.make_async_copy(rowsB, acc_s.at[colB], ssB).wait()

    plsc.subcore_barrier()
    pltpu.sync_copy(acc_s.at[pl.ds(sid * RPT, RPT)],
                    p_hbm.at[cid, pl.ds(sid * RPT, RPT)])


def _aggregate(g, ei, ew):
    return pl.kernel(
        _agg_body,
        out_type=jax.ShapeDtypeStruct((NC, NPAD, D), jnp.float32),
        mesh=plsc.VectorSubcoreMesh(core_axis_name="c", subcore_axis_name="s"),
        compiler_params=pltpu.CompilerParams(needs_layout_passes=False),
        scratch_types=[
            pltpu.VMEM((CHUNK,), jnp.int32),
            pltpu.VMEM((CHUNK,), jnp.int32),
            pltpu.VMEM((CHUNK,), jnp.int32),
            pltpu.VMEM((CHUNK,), jnp.int32),
            pltpu.VMEM((CHUNK,), jnp.float32),
            pltpu.VMEM((CHUNK,), jnp.float32),
            pltpu.VMEM((CHUNK, D), jnp.float32),
            pltpu.VMEM((CHUNK, D), jnp.float32),
            pltpu.VMEM_SHARED((NPAD, D), jnp.float32),
            pltpu.SemaphoreType.DMA,
            pltpu.SemaphoreType.DMA,
            pltpu.SemaphoreType.DMA,
            pltpu.SemaphoreType.DMA,
            pltpu.SemaphoreType.DMA,
            pltpu.SemaphoreType.DMA,
            pltpu.SemaphoreType.DMA,
            pltpu.SemaphoreType.DMA,
        ],
    )(g, ei, ew)


def _mm_body(x_ref, w_ref, h_ref):
    h_ref[...] = jnp.dot(x_ref[...], w_ref[...],
                         preferred_element_type=jnp.float32)


def _matmul(x, W):
    blk = 400
    grid = N // blk
    return pl.pallas_call(
        _mm_body,
        grid=(grid,),
        in_specs=[
            pl.BlockSpec((blk, D), lambda i: (i, 0)),
            pl.BlockSpec((D, D), lambda i: (0, 0)),
        ],
        out_specs=pl.BlockSpec((blk, D), lambda i: (i, 0)),
        out_shape=jax.ShapeDtypeStruct((N, D), jnp.float32),
    )(x, W)


def _scale_body(h_ref, pd_ref, g_ref):
    deg = 1.0 + pd_ref[0] + pd_ref[1]
    dis = lax.rsqrt(deg)
    g_ref[...] = dis * h_ref[...]


def _scale_g(h, pd):
    blk = 400
    grid = N // blk
    return pl.pallas_call(
        _scale_body,
        grid=(grid,),
        in_specs=[
            pl.BlockSpec((blk, D), lambda i: (i, 0)),
            pl.BlockSpec((NC, blk, 1), lambda i: (0, i, 0)),
        ],
        out_specs=pl.BlockSpec((blk, D), lambda i: (i, 0)),
        out_shape=jax.ShapeDtypeStruct((N, D), jnp.float32),
    )(h, pd.reshape(NC, NPAD, 1))


def _fin_body(g_ref, p_ref, pd_ref, b_ref, o_ref):
    deg = 1.0 + pd_ref[0] + pd_ref[1]
    dis = lax.rsqrt(deg)
    o_ref[...] = dis * (g_ref[...] + p_ref[0] + p_ref[1]) + b_ref[...]


def _finalize(g, p, pd, b):
    blk = 400
    grid = N // blk
    return pl.pallas_call(
        _fin_body,
        grid=(grid,),
        in_specs=[
            pl.BlockSpec((blk, D), lambda i: (i, 0)),
            pl.BlockSpec((NC, blk, D), lambda i: (0, i, 0)),
            pl.BlockSpec((NC, blk, 1), lambda i: (0, i, 0)),
            pl.BlockSpec((1, D), lambda i: (0, 0)),
        ],
        out_specs=pl.BlockSpec((blk, D), lambda i: (i, 0)),
        out_shape=jax.ShapeDtypeStruct((N, D), jnp.float32),
    )(g, p, pd.reshape(NC, NPAD, 1), b.reshape(1, D))


def kernel(x, edge_index, edge_weight, W, b):
    h = _matmul(x, W)
    pd = _deg_partials(edge_index, edge_weight)
    g = _scale_g(h, pd)
    p = _aggregate(g, edge_index, edge_weight)
    return _finalize(g, p, pd, b)

# --- scband reference (transcript-rebuilt; emitter-appended) ---
"""Pipeline reference for scband-conv-wrapper-14697378087194 (READ-ONLY COPY).

The authoritative reference and input builder live on the scoring server;
editing this copy changes nothing except your own understanding.
"""

import jax, jax.numpy as jnp
import numpy as np

N = 10000
E = 320000
D = 128


def setup_inputs(seed: int = 0) -> dict:
    key = jax.random.key(seed)
    k1, k2, k3, k4 = jax.random.split(key, 4)
    x = jax.random.normal(k1, (N, D), dtype=jnp.float32)
    edge_index = jax.random.randint(k2, (2, E), 0, N, dtype=jnp.int32)
    edge_weight = jax.random.uniform(k3, (E,), dtype=jnp.float32)
    # GCNConv linear weight (glorot) and bias, per init_kwargs dim=128
    limit = float(np.sqrt(6.0 / (D + D)))
    W = jax.random.uniform(k4, (D, D), dtype=jnp.float32, minval=-limit, maxval=limit)
    b = jnp.zeros((D,), dtype=jnp.float32)
    return {"x": x, "edge_index": edge_index, "edge_weight": edge_weight, "W": W, "b": b}


def reference(x, edge_index, edge_weight, W, b):
    # Faithful PyG GCNConv(dim, dim, cached=False, add_self_loops=True, normalize=True)
    row = edge_index[0]
    col = edge_index[1]
    # add self loops with weight 1.0
    loop = jnp.arange(N, dtype=edge_index.dtype)
    row = jnp.concatenate([row, loop])
    col = jnp.concatenate([col, loop])
    ew = jnp.concatenate([edge_weight, jnp.ones((N,), dtype=jnp.float32)])
    # symmetric normalization: deg computed at destination (col)
    deg = jnp.zeros((N,), dtype=jnp.float32).at[col].add(ew)
    deg_inv_sqrt = jnp.where(deg > 0, jax.lax.rsqrt(jnp.where(deg > 0, deg, 1.0)), 0.0)
    norm = deg_inv_sqrt[row] * ew * deg_inv_sqrt[col]
    # linear transform (no bias inside lin), then message passing (gather + scatter-add)
    h = x @ W
    msg = h[row] * norm[:, None]
    out = jnp.zeros((N, D), dtype=jnp.float32).at[col].add(msg)
    return out + b

if __name__ == "__main__":
    import jax
    _d = setup_inputs()
    print(jax.jit(kernel)(*tuple(_d.values())))

</pallas_src>

<mosaic_0001>
#map = affine_map<(d0, d1) -> (0, 0)>
#map1 = affine_map<(d0, d1) -> (0)>
module attributes {stable_mosaic.version = 14 : i64} {
  func.func @_deg_body(%arg0: i32, %arg1: i32, %arg2: memref<2x320000xi32, #tpu.memory_space<hbm>>, %arg3: memref<320000xf32, #tpu.memory_space<hbm>>, %arg4: memref<2x10240xf32, #tpu.memory_space<hbm>>, %arg5: memref<128xi32, #tpu.memory_space<vmem>>, %arg6: memref<128xi32, #tpu.memory_space<vmem>>, %arg7: memref<128xf32, #tpu.memory_space<vmem>>, %arg8: memref<128xf32, #tpu.memory_space<vmem>>, %arg9: memref<640xf32, #tpu.memory_space<vmem>>, %arg10: memref<10240xf32, #tpu.memory_space<vmem_shared>>, %arg11: memref<!tpu.dma_semaphore, #tpu.memory_space<semaphore_mem>>, %arg12: memref<!tpu.dma_semaphore, #tpu.memory_space<semaphore_mem>>) attributes {dimension_semantics = [#tpu.dimension_semantics<core_parallel>, #tpu.dimension_semantics<subcore_parallel>], iteration_bounds = array<i64: 2, 16>, scalar_prefetch = 0 : i64, scratch_operands = 8 : i64, tpu.core_type = #tpu.core_type<sc_vector_subcore>, window_params = [{transform_indices = #map}, {transform_indices = #map1}, {transform_indices = #map}]} {
    %mul3A = arith.constant 2 : i32
    %mul3A_0 = arith.muli %arg1, %mul3A : i32
    %add3A = arith.addi %mul3A_0, %arg0 : i32
    %lt3A = arith.constant 4 : i32
    %lt3A_1 = arith.cmpi slt, %add3A, %lt3A : i32
    %jit3A = arith.constant 1 : i32
    %jit3A_2 = arith.constant 0 : i32
    %select_n3A = arith.select %lt3A_1, %jit3A, %jit3A_2 : i32
    %add3A_3 = arith.constant 78 : i32
    %add3A_4 = arith.addi %add3A_3, %select_n3A : i32
    %mul3A_5 = arith.constant 78 : i32
    %mul3A_6 = arith.muli %add3A, %mul3A_5 : i32
    %min3A = arith.constant 4 : i32
    %min3A_7 = arith.minsi %add3A, %min3A : i32
    %add3A_8 = arith.addi %mul3A_6, %min3A_7 : i32
    %scan3A = arith.constant 0 : i32
    %scan3A_9 = arith.constant 40 : i32
    %scan3A_10 = arith.addi %scan3A, %scan3A_9 : i32
    %scan3A_11 = arith.constant 1 : i32
    scf.for %scan3A_70 = %scan3A to %scan3A_10 step %scan3A_11  : i32 {
      %mul3A_71 = arith.constant 1 : i32
      %mul3A_72 = arith.muli %scan3A_70, %mul3A_71 : i32
      %add3A_73 = arith.constant 0 : i32
      %add3A_74 = arith.addi %add3A_73, %mul3A_72 : i32
      %broadcast_in_dim3A = arith.constant 0.000000e+00 : f32
      %broadcast_in_dim3A_75 = vector.broadcast %broadcast_in_dim3A : f32 to vector<16xf32>
      %mul3A_76 = arith.constant 16 : i32
      %mul3A_77 = arith.muli %add3A_74, %mul3A_76 : i32
      %swap3A = arith.index_cast %mul3A_77 : i32 to index
      %swap3A_78 = tpu.vector_load %arg9[%swap3A] {strides = array<i32>} : memref<640xf32, #tpu.memory_space<vmem>>, vector<16xf32>,
      tpu.vector_store %arg9[%swap3A], %broadcast_in_dim3A_75 {strides = array<i32>} : memref<640xf32, #tpu.memory_space<vmem>>, vector<16xf32>,
    }
    %scan3A_12 = arith.constant 40 : i32
    %mul3A_13 = arith.constant 640 : i32
    %mul3A_14 = arith.muli %arg1, %mul3A_13 : i32
    "tpu.region"() ({
      %run_scoped3A = tpu.sem_alloc : memref<!tpu.dma_semaphore, #tpu.memory_space<semaphore_mem>>
      %dma_start3A_70 = tpu.memref_slice %arg10[%mul3A_14] : memref<10240xf32, #tpu.memory_space<vmem_shared>> -> memref<640xf32, #tpu.memory_space<vmem_shared>>
      %dma_start3A_71 = tpu.memref_slice %arg10[%mul3A_14] : memref<10240xf32, #tpu.memory_space<vmem_shared>> -> memref<640xf32, #tpu.memory_space<vmem_shared>>
      tpu.enqueue_dma source(%arg9 : memref<640xf32, #tpu.memory_space<vmem>>) target(%dma_start3A_71 : memref<640xf32, #tpu.memory_space<vmem_shared>>) target_semaphore(%run_scoped3A : memref<!tpu.dma_semaphore, #tpu.memory_space<semaphore_mem>>)
      %dma_wait3A = tpu.memref_slice %arg10[%mul3A_14] : memref<10240xf32, #tpu.memory_space<vmem_shared>> -> memref<640xf32, #tpu.memory_space<vmem_shared>>
      %dma_wait3A_72 = tpu.memref_slice %arg10[%mul3A_14] : memref<10240xf32, #tpu.memory_space<vmem_shared>> -> memref<640xf32, #tpu.memory_space<vmem_shared>>
      tpu.wait_dma2 semaphore(%run_scoped3A : memref<!tpu.dma_semaphore, #tpu.memory_space<semaphore_mem>>) src(%arg9 : memref<640xf32, #tpu.memory_space<vmem>>) dst(%dma_wait3A_72 : memref<640xf32, #tpu.memory_space<vmem_shared>>)
      tpu.yield
    }) : () -> ()
    %barrier3A = arith.constant 0 : index
    tpu.barrier barrier_id(%barrier3A)
    %mul3A_15 = arith.constant 128 : i32
    %mul3A_16 = arith.muli %add3A_8, %mul3A_15 : i32
    %dma_start3A = arith.constant 1 : i32
    %dma_start3A_17 = tpu.memref_slice %arg2[%dma_start3A, %mul3A_16] : memref<2x320000xi32, #tpu.memory_space<hbm>> -> memref<1x128xi32, #tpu.memory_space<hbm>>
    %dma_start3A_18 = tpu.memref_squeeze %dma_start3A_17 : memref<1x128xi32, #tpu.memory_space<hbm>> -> memref<128xi32, #tpu.memory_space<hbm>>
    %dma_start3A_19 = tpu.memref_slice %arg2[%dma_start3A, %mul3A_16] : memref<2x320000xi32, #tpu.memory_space<hbm>> -> memref<1x128xi32, #tpu.memory_space<hbm>>
    %dma_start3A_20 = tpu.memref_squeeze %dma_start3A_19 : memref<1x128xi32, #tpu.memory_space<hbm>> -> memref<128xi32, #tpu.memory_space<hbm>>
    tpu.enqueue_dma source(%dma_start3A_20 : memref<128xi32, #tpu.memory_space<hbm>>) target(%arg5 : memref<128xi32, #tpu.memory_space<vmem>>) target_semaphore(%arg11 : memref<!tpu.dma_semaphore, #tpu.memory_space<semaphore_mem>>)
    %mul3A_21 = arith.constant 128 : i32
    %mul3A_22 = arith.muli %add3A_8, %mul3A_21 : i32
    %dma_start3A_23 = tpu.memref_slice %arg3[%mul3A_22] : memref<320000xf32, #tpu.memory_space<hbm>> -> memref<128xf32, #tpu.memory_space<hbm>>
    %dma_start3A_24 = tpu.memref_slice %arg3[%mul3A_22] : memref<320000xf32, #tpu.memory_space<hbm>> -> memref<128xf32, #tpu.memory_space<hbm>>
    tpu.enqueue_dma source(%dma_start3A_24 : memref<128xf32, #tpu.memory_space<hbm>>) target(%arg7 : memref<128xf32, #tpu.memory_space<vmem>>) target_semaphore(%arg11 : memref<!tpu.dma_semaphore, #tpu.memory_space<semaphore_mem>>)
    %gt3A = arith.constant 1 : i32
    %gt3A_25 = arith.cmpi sgt, %add3A_4, %gt3A : i32
    %convert_element_type3A = arith.extui %gt3A_25 : i1 to i32
    %cond3A = arith.constant 0 : i32
    %cond3A_26 = arith.cmpi ne, %convert_element_type3A, %cond3A : i32
    scf.if %cond3A_26 {
      %add3A_70 = arith.constant 1 : i32
      %add3A_71 = arith.addi %add3A_8, %add3A_70 : i32
      %mul3A_72 = arith.constant 128 : i32
      %mul3A_73 = arith.muli %add3A_71, %mul3A_72 : i32
      %dma_start3A_74 = arith.constant 1 : i32
      %dma_start3A_75 = tpu.memref_slice %arg2[%dma_start3A_74, %mul3A_73] : memref<2x320000xi32, #tpu.memory_space<hbm>> -> memref<1x128xi32, #tpu.memory_space<hbm>>
      %dma_start3A_76 = tpu.memref_squeeze %dma_start3A_75 : memref<1x128xi32, #tpu.memory_space<hbm>> -> memref<128xi32, #tpu.memory_space<hbm>>
      %dma_start3A_77 = tpu.memref_slice %arg2[%dma_start3A_74, %mul3A_73] : memref<2x320000xi32, #tpu.memory_space<hbm>> -> memref<1x128xi32, #tpu.memory_space<hbm>>
      %dma_start3A_78 = tpu.memref_squeeze %dma_start3A_77 : memref<1x128xi32, #tpu.memory_space<hbm>> -> memref<128xi32, #tpu.memory_space<hbm>>
      tpu.enqueue_dma source(%dma_start3A_78 : memref<128xi32, #tpu.memory_space<hbm>>) target(%arg6 : memref<128xi32, #tpu.memory_space<vmem>>) target_semaphore(%arg12 : memref<!tpu.dma_semaphore, #tpu.memory_space<semaphore_mem>>)
      %mul3A_79 = arith.constant 128 : i32
      %mul3A_80 = arith.muli %add3A_71, %mul3A_79 : i32
      %dma_start3A_81 = tpu.memref_slice %arg3[%mul3A_80] : memref<320000xf32, #tpu.memory_space<hbm>> -> memref<128xf32, #tpu.memory_space<hbm>>
      %dma_start3A_82 = tpu.memref_slice %arg3[%mul3A_80] : memref<320000xf32, #tpu.memory_space<hbm>> -> memref<128xf32, #tpu.memory_space<hbm>>
      tpu.enqueue_dma source(%dma_start3A_82 : memref<128xf32, #tpu.memory_space<hbm>>) target(%arg8 : memref<128xf32, #tpu.memory_space<vmem>>) target_semaphore(%arg12 : memref<!tpu.dma_semaphore, #tpu.memory_space<semaphore_mem>>)
    } else {
    }
    %add3A_27 = arith.constant 1 : i32
    %add3A_28 = arith.addi %add3A_4, %add3A_27 : i32
    %jit3A_29 = arith.constant 2 : i32
    %div3A = arith.divsi %add3A_28, %jit3A_29 : i32
    %sign3A = arith.constant 0 : i32
    %sign3A_30 = arith.cmpi sgt, %add3A_28, %sign3A : i32
    %sign3A_31 = arith.extui %sign3A_30 : i1 to i32
    %sign3A_32 = arith.constant 0 : i32
    %sign3A_33 = arith.cmpi slt, %add3A_28, %sign3A_32 : i32
    %sign3A_34 = arith.extui %sign3A_33 : i1 to i32
    %sign3A_35 = arith.subi %sign3A_31, %sign3A_34 : i32
    %sign3A_36 = arith.constant 0 : i32
    %sign3A_37 = arith.cmpi sgt, %jit3A_29, %sign3A_36 : i32
    %sign3A_38 = arith.extui %sign3A_37 : i1 to i32
    %sign3A_39 = arith.constant 0 : i32
    %sign3A_40 = arith.cmpi slt, %jit3A_29, %sign3A_39 : i32
    %sign3A_41 = arith.extui %sign3A_40 : i1 to i32
    %sign3A_42 = arith.subi %sign3A_38, %sign3A_41 : i32
    %ne3A = arith.cmpi ne, %sign3A_35, %sign3A_42 : i32
    %rem3A = arith.remsi %add3A_28, %jit3A_29 : i32
    %ne3A_43 = arith.constant 0 : i32
    %ne3A_44 = arith.cmpi ne, %rem3A, %ne3A_43 : i32
    %and3A = arith.andi %ne3A, %ne3A_44 : i1
    %sub3A = arith.constant 1 : i32
    %sub3A_45 = arith.subi %div3A, %sub3A : i32
    %select_n3A_46 = arith.select %and3A, %sub3A_45, %div3A : i32
    %sub3A_47 = arith.constant 0 : i32
    %sub3A_48 = arith.subi %select_n3A_46, %sub3A_47 : i32
    %sub3A_49 = arith.constant 1 : i32
    %sub3A_50 = arith.constant 1 : i32
    %sub3A_51 = arith.subi %sub3A_49, %sub3A_50 : i32
    %add3A_52 = arith.addi %sub3A_48, %sub3A_51 : i32
    %div3A_53 = arith.constant 1 : i32
    %div3A_54 = arith.divsi %add3A_52, %div3A_53 : i32
    %while3A = arith.constant 1 : i32
    %while3A_55 = arith.constant 0 : i32
    %while3A_56 = arith.constant 0 : i32
    %while3A_57 = arith.subi %div3A_54, %while3A_56 : i32
    %while3A_58 = arith.addi %while3A_56, %while3A_57 : i32
    %while3A_59 = arith.constant 1 : i32
    %while3A_60 = arith.divsi %while3A_57, %while3A_59 : i32
    %while3A_61 = arith.muli %while3A_60, %while3A_59 : i32
    %while3A_62 = arith.addi %while3A_56, %while3A_61 : i32
    %while3A_63 = arith.constant 1 : i32
    scf.for %while3A_70 = %while3A_56 to %while3A_62 step %while3A_63  : i32 {
      %mul3A_71 = arith.muli %while3A_70, %while3A : i32
      %add3A_72 = arith.addi %while3A_55, %mul3A_71 : i32
      %mul3A_73 = arith.constant 2 : i32
      %mul3A_74 = arith.muli %mul3A_73, %add3A_72 : i32
      %dma_wait3A = arith.constant 1 : i32
      %dma_wait3A_75 = arith.constant 0 : i32
      %dma_wait3A_76 = tpu.memref_slice %arg2[%dma_wait3A, %dma_wait3A_75] : memref<2x320000xi32, #tpu.memory_space<hbm>> -> memref<1x128xi32, #tpu.memory_space<hbm>>
      %dma_wait3A_77 = tpu.memref_squeeze %dma_wait3A_76 : memref<1x128xi32, #tpu.memory_space<hbm>> -> memref<128xi32, #tpu.memory_space<hbm>>
      %dma_wait3A_78 = arith.constant 0 : i32
      %dma_wait3A_79 = tpu.memref_slice %arg2[%dma_wait3A, %dma_wait3A_78] : memref<2x320000xi32, #tpu.memory_space<hbm>> -> memref<1x128xi32, #tpu.memory_space<hbm>>
      %dma_wait3A_80 = tpu.memref_squeeze %dma_wait3A_79 : memref<1x128xi32, #tpu.memory_space<hbm>> -> memref<128xi32, #tpu.memory_space<hbm>>
      tpu.wait_dma2 semaphore(%arg11 : memref<!tpu.dma_semaphore, #tpu.memory_space<semaphore_mem>>) src(%dma_wait3A_80 : memref<128xi32, #tpu.memory_space<hbm>>) dst(%arg5 : memref<128xi32, #tpu.memory_space<vmem>>)
      %dma_wait3A_81 = arith.constant 0 : i32
      %dma_wait3A_82 = tpu.memref_slice %arg3[%dma_wait3A_81] : memref<320000xf32, #tpu.memory_space<hbm>> -> memref<128xf32, #tpu.memory_space<hbm>>
      %dma_wait3A_83 = arith.constant 0 : i32
      %dma_wait3A_84 = tpu.memref_slice %arg3[%dma_wait3A_83] : memref<320000xf32, #tpu.memory_space<hbm>> -> memref<128xf32, #tpu.memory_space<hbm>>
      tpu.wait_dma2 semaphore(%arg11 : memref<!tpu.dma_semaphore, #tpu.memory_space<semaphore_mem>>) src(%dma_wait3A_84 : memref<128xf32, #tpu.memory_space<hbm>>) dst(%arg7 : memref<128xf32, #tpu.memory_space<vmem>>)
      "tpu.region"() ({
        %run_scoped3A = tpu.sem_alloc : memref<!tpu.dma_semaphore, #tpu.memory_space<semaphore_mem>>
        %dma_start3A_97 = arith.constant 0 : i32
        %dma_start3A_98 = tpu.memref_slice %arg10[%dma_start3A_97] : memref<10240xf32, #tpu.memory_space<vmem_shared>> -> memref<10240xf32, #tpu.memory_space<vmem_shared>>
        tpu.enqueue_indirect_dma source(%arg7 : memref<128xf32, #tpu.memory_space<vmem>>) target(%dma_start3A_98 : memref<10240xf32, #tpu.memory_space<vmem_shared>>) offsets(%arg5 : memref<128xi32, #tpu.memory_space<vmem>>) semaphore(%run_scoped3A : memref<!tpu.dma_semaphore, #tpu.memory_space<semaphore_mem>>) {add = true}
        %dma_wait3A_99 = arith.constant 0 : i32
        %dma_wait3A_100 = tpu.memref_slice %arg10[%dma_wait3A_99] : memref<10240xf32, #tpu.memory_space<vmem_shared>> -> memref<10240xf32, #tpu.memory_space<vmem_shared>>
        tpu.wait_indirect_dma semaphore(%run_scoped3A : memref<!tpu.dma_semaphore, #tpu.memory_space<semaphore_mem>>) src(%arg7 : memref<128xf32, #tpu.memory_space<vmem>>) dst(%dma_wait3A_100 : memref<10240xf32, #tpu.memory_space<vmem_shared>>)
        tpu.yield
      }) : () -> ()
      %add3A_85 = arith.constant 2 : i32
      %add3A_86 = arith.addi %mul3A_74, %add3A_85 : i32
      %lt3A_87 = arith.cmpi slt, %add3A_86, %add3A_4 : i32
      %convert_element_type3A_88 = arith.extui %lt3A_87 : i1 to i32
      %cond3A_89 = arith.constant 0 : i32
      %cond3A_90 = arith.cmpi ne, %convert_element_type3A_88, %cond3A_89 : i32
      scf.if %cond3A_90 {
        %add3A_97 = arith.addi %add3A_8, %mul3A_74 : i32
        %add3A_98 = arith.constant 2 : i32
        %add3A_99 = arith.addi %add3A_97, %add3A_98 : i32
        %mul3A_100 = arith.constant 128 : i32
        %mul3A_101 = arith.muli %add3A_99, %mul3A_100 : i32
        %dma_start3A_102 = arith.constant 1 : i32
        %dma_start3A_103 = tpu.memref_slice %arg2[%dma_start3A_102, %mul3A_101] : memref<2x320000xi32, #tpu.memory_space<hbm>> -> memref<1x128xi32, #tpu.memory_space<hbm>>
        %dma_start3A_104 = tpu.memref_squeeze %dma_start3A_103 : memref<1x128xi32, #tpu.memory_space<hbm>> -> memref<128xi32, #tpu.memory_space<hbm>>
        %dma_start3A_105 = tpu.memref_slice %arg2[%dma_start3A_102, %mul3A_101] : memref<2x320000xi32, #tpu.memory_space<hbm>> -> memref<1x128xi32, #tpu.memory_space<hbm>>
        %dma_start3A_106 = tpu.memref_squeeze %dma_start3A_105 : memref<1x128xi32, #tpu.memory_space<hbm>> -> memref<128xi32, #tpu.memory_space<hbm>>
        tpu.enqueue_dma source(%dma_start3A_106 : memref<128xi32, #tpu.memory_space<hbm>>) target(%arg5 : memref<128xi32, #tpu.memory_space<vmem>>) target_semaphore(%arg11 : memref<!tpu.dma_semaphore, #tpu.memory_space<semaphore_mem>>)
        %mul3A_107 = arith.constant 128 : i32
        %mul3A_108 = arith.muli %add3A_99, %mul3A_107 : i32
        %dma_start3A_109 = tpu.memref_slice %arg3[%mul3A_108] : memref<320000xf32, #tpu.memory_space<hbm>> -> memref<128xf32, #tpu.memory_space<hbm>>
        %dma_start3A_110 = tpu.memref_slice %arg3[%mul3A_108] : memref<320000xf32, #tpu.memory_space<hbm>> -> memref<128xf32, #tpu.memory_space<hbm>>
        tpu.enqueue_dma source(%dma_start3A_110 : memref<128xf32, #tpu.memory_space<hbm>>) target(%arg7 : memref<128xf32, #tpu.memory_space<vmem>>) target_semaphore(%arg11 : memref<!tpu.dma_semaphore, #tpu.memory_space<semaphore_mem>>)
      } else {
      }
      %add3A_91 = arith.constant 1 : i32
      %add3A_92 = arith.addi %mul3A_74, %add3A_91 : i32
      %lt3A_93 = arith.cmpi slt, %add3A_92, %add3A_4 : i32
      %convert_element_type3A_94 = arith.extui %lt3A_93 : i1 to i32
      %cond3A_95 = arith.constant 0 : i32
      %cond3A_96 = arith.cmpi ne, %convert_element_type3A_94, %cond3A_95 : i32
      scf.if %cond3A_96 {
        %dma_wait3A_97 = arith.constant 1 : i32
        %dma_wait3A_98 = arith.constant 0 : i32
        %dma_wait3A_99 = tpu.memref_slice %arg2[%dma_wait3A_97, %dma_wait3A_98] : memref<2x320000xi32, #tpu.memory_space<hbm>> -> memref<1x128xi32, #tpu.memory_space<hbm>>
        %dma_wait3A_100 = tpu.memref_squeeze %dma_wait3A_99 : memref<1x128xi32, #tpu.memory_space<hbm>> -> memref<128xi32, #tpu.memory_space<hbm>>
        %dma_wait3A_101 = arith.constant 0 : i32
        %dma_wait3A_102 = tpu.memref_slice %arg2[%dma_wait3A_97, %dma_wait3A_101] : memref<2x320000xi32, #tpu.memory_space<hbm>> -> memref<1x128xi32, #tpu.memory_space<hbm>>
        %dma_wait3A_103 = tpu.memref_squeeze %dma_wait3A_102 : memref<1x128xi32, #tpu.memory_space<hbm>> -> memref<128xi32, #tpu.memory_space<hbm>>
        tpu.wait_dma2 semaphore(%arg12 : memref<!tpu.dma_semaphore, #tpu.memory_space<semaphore_mem>>) src(%dma_wait3A_103 : memref<128xi32, #tpu.memory_space<hbm>>) dst(%arg6 : memref<128xi32, #tpu.memory_space<vmem>>)
        %dma_wait3A_104 = arith.constant 0 : i32
        %dma_wait3A_105 = tpu.memref_slice %arg3[%dma_wait3A_104] : memref<320000xf32, #tpu.memory_space<hbm>> -> memref<128xf32, #tpu.memory_space<hbm>>
        %dma_wait3A_106 = arith.constant 0 : i32
        %dma_wait3A_107 = tpu.memref_slice %arg3[%dma_wait3A_106] : memref<320000xf32, #tpu.memory_space<hbm>> -> memref<128xf32, #tpu.memory_space<hbm>>
        tpu.wait_dma2 semaphore(%arg12 : memref<!tpu.dma_semaphore, #tpu.memory_space<semaphore_mem>>) src(%dma_wait3A_107 : memref<128xf32, #tpu.memory_space<hbm>>) dst(%arg8 : memref<128xf32, #tpu.memory_space<vmem>>)
        "tpu.region"() ({
          %run_scoped3A = tpu.sem_alloc : memref<!tpu.dma_semaphore, #tpu.memory_space<semaphore_mem>>
          %dma_start3A_114 = arith.constant 0 : i32
          %dma_start3A_115 = tpu.memref_slice %arg10[%dma_start3A_114] : memref<10240xf32, #tpu.memory_space<vmem_shared>> -> memref<10240xf32, #tpu.memory_space<vmem_shared>>
          tpu.enqueue_indirect_dma source(%arg8 : memref<128xf32, #tpu.memory_space<vmem>>) target(%dma_start3A_115 : memref<10240xf32, #tpu.memory_space<vmem_shared>>) offsets(%arg6 : memref<128xi32, #tpu.memory_space<vmem>>) semaphore(%run_scoped3A : memref<!tpu.dma_semaphore, #tpu.memory_space<semaphore_mem>>) {add = true}
          %dma_wait3A_116 = arith.constant 0 : i32
          %dma_wait3A_117 = tpu.memref_slice %arg10[%dma_wait3A_116] : memref<10240xf32, #tpu.memory_space<vmem_shared>> -> memref<10240xf32, #tpu.memory_space<vmem_shared>>
          tpu.wait_indirect_dma semaphore(%run_scoped3A : memref<!tpu.dma_semaphore, #tpu.memory_space<semaphore_mem>>) src(%arg8 : memref<128xf32, #tpu.memory_space<vmem>>) dst(%dma_wait3A_117 : memref<10240xf32, #tpu.memory_space<vmem_shared>>)
          tpu.yield
        }) : () -> ()
        %add3A_108 = arith.constant 3 : i32
        %add3A_109 = arith.addi %mul3A_74, %add3A_108 : i32
        %lt3A_110 = arith.cmpi slt, %add3A_109, %add3A_4 : i32
        %convert_element_type3A_111 = arith.extui %lt3A_110 : i1 to i32
        %cond3A_112 = arith.constant 0 : i32
        %cond3A_113 = arith.cmpi ne, %convert_element_type3A_111, %cond3A_112 : i32
        scf.if %cond3A_113 {
          %add3A_114 = arith.addi %add3A_8, %mul3A_74 : i32
          %add3A_115 = arith.constant 3 : i32
          %add3A_116 = arith.addi %add3A_114, %add3A_115 : i32
          %mul3A_117 = arith.constant 128 : i32
          %mul3A_118 = arith.muli %add3A_116, %mul3A_117 : i32
          %dma_start3A_119 = arith.constant 1 : i32
          %dma_start3A_120 = tpu.memref_slice %arg2[%dma_start3A_119, %mul3A_118] : memref<2x320000xi32, #tpu.memory_space<hbm>> -> memref<1x128xi32, #tpu.memory_space<hbm>>
          %dma_start3A_121 = tpu.memref_squeeze %dma_start3A_120 : memref<1x128xi32, #tpu.memory_space<hbm>> -> memref<128xi32, #tpu.memory_space<hbm>>
          %dma_start3A_122 = tpu.memref_slice %arg2[%dma_start3A_119, %mul3A_118] : memref<2x320000xi32, #tpu.memory_space<hbm>> -> memref<1x128xi32, #tpu.memory_space<hbm>>
          %dma_start3A_123 = tpu.memref_squeeze %dma_start3A_122 : memref<1x128xi32, #tpu.memory_space<hbm>> -> memref<128xi32, #tpu.memory_space<hbm>>
          tpu.enqueue_dma source(%dma_start3A_123 : memref<128xi32, #tpu.memory_space<hbm>>) target(%arg6 : memref<128xi32, #tpu.memory_space<vmem>>) target_semaphore(%arg12 : memref<!tpu.dma_semaphore, #tpu.memory_space<semaphore_mem>>)
          %mul3A_124 = arith.constant 128 : i32
          %mul3A_125 = arith.muli %add3A_116, %mul3A_124 : i32
          %dma_start3A_126 = tpu.memref_slice %arg3[%mul3A_125] : memref<320000xf32, #tpu.memory_space<hbm>> -> memref<128xf32, #tpu.memory_space<hbm>>
          %dma_start3A_127 = tpu.memref_slice %arg3[%mul3A_125] : memref<320000xf32, #tpu.memory_space<hbm>> -> memref<128xf32, #tpu.memory_space<hbm>>
          tpu.enqueue_dma source(%dma_start3A_127 : memref<128xf32, #tpu.memory_space<hbm>>) target(%arg8 : memref<128xf32, #tpu.memory_space<vmem>>) target_semaphore(%arg12 : memref<!tpu.dma_semaphore, #tpu.memory_space<semaphore_mem>>)
        } else {
        }
      } else {
      }
    }
    %while3A_64 = arith.constant 1 : i32
    scf.for %while3A_70 = %while3A_62 to %while3A_58 step %while3A_64  : i32 {
      %mul3A_71 = arith.muli %while3A_70, %while3A : i32
      %add3A_72 = arith.addi %while3A_55, %mul3A_71 : i32
      %mul3A_73 = arith.constant 2 : i32
      %mul3A_74 = arith.muli %mul3A_73, %add3A_72 : i32
      %dma_wait3A = arith.constant 1 : i32
      %dma_wait3A_75 = arith.constant 0 : i32
      %dma_wait3A_76 = tpu.memref_slice %arg2[%dma_wait3A, %dma_wait3A_75] : memref<2x320000xi32, #tpu.memory_space<hbm>> -> memref<1x128xi32, #tpu.memory_space<hbm>>
      %dma_wait3A_77 = tpu.memref_squeeze %dma_wait3A_76 : memref<1x128xi32, #tpu.memory_space<hbm>> -> memref<128xi32, #tpu.memory_space<hbm>>
      %dma_wait3A_78 = arith.constant 0 : i32
      %dma_wait3A_79 = tpu.memref_slice %arg2[%dma_wait3A, %dma_wait3A_78] : memref<2x320000xi32, #tpu.memory_space<hbm>> -> memref<1x128xi32, #tpu.memory_space<hbm>>
      %dma_wait3A_80 = tpu.memref_squeeze %dma_wait3A_79 : memref<1x128xi32, #tpu.memory_space<hbm>> -> memref<128xi32, #tpu.memory_space<hbm>>
      tpu.wait_dma2 semaphore(%arg11 : memref<!tpu.dma_semaphore, #tpu.memory_space<semaphore_mem>>) src(%dma_wait3A_80 : memref<128xi32, #tpu.memory_space<hbm>>) dst(%arg5 : memref<128xi32, #tpu.memory_space<vmem>>)
      %dma_wait3A_81 = arith.constant 0 : i32
      %dma_wait3A_82 = tpu.memref_slice %arg3[%dma_wait3A_81] : memref<320000xf32, #tpu.memory_space<hbm>> -> memref<128xf32, #tpu.memory_space<hbm>>
      %dma_wait3A_83 = arith.constant 0 : i32
      %dma_wait3A_84 = tpu.memref_slice %arg3[%dma_wait3A_83] : memref<320000xf32, #tpu.memory_space<hbm>> -> memref<128xf32, #tpu.memory_space<hbm>>
      tpu.wait_dma2 semaphore(%arg11 : memref<!tpu.dma_semaphore, #tpu.memory_space<semaphore_mem>>) src(%dma_wait3A_84 : memref<128xf32, #tpu.memory_space<hbm>>) dst(%arg7 : memref<128xf32, #tpu.memory_space<vmem>>)
      "tpu.region"() ({
        %run_scoped3A = tpu.sem_alloc : memref<!tpu.dma_semaphore, #tpu.memory_space<semaphore_mem>>
        %dma_start3A_97 = arith.constant 0 : i32
        %dma_start3A_98 = tpu.memref_slice %arg10[%dma_start3A_97] : memref<10240xf32, #tpu.memory_space<vmem_shared>> -> memref<10240xf32, #tpu.memory_space<vmem_shared>>
        tpu.enqueue_indirect_dma source(%arg7 : memref<128xf32, #tpu.memory_space<vmem>>) target(%dma_start3A_98 : memref<10240xf32, #tpu.memory_space<vmem_shared>>) offsets(%arg5 : memref<128xi32, #tpu.memory_space<vmem>>) semaphore(%run_scoped3A : memref<!tpu.dma_semaphore, #tpu.memory_space<semaphore_mem>>) {add = true}
        %dma_wait3A_99 = arith.constant 0 : i32
        %dma_wait3A_100 = tpu.memref_slice %arg10[%dma_wait3A_99] : memref<10240xf32, #tpu.memory_space<vmem_shared>> -> memref<10240xf32, #tpu.memory_space<vmem_shared>>
        tpu.wait_indirect_dma semaphore(%run_scoped3A : memref<!tpu.dma_semaphore, #tpu.memory_space<semaphore_mem>>) src(%arg7 : memref<128xf32, #tpu.memory_space<vmem>>) dst(%dma_wait3A_100 : memref<10240xf32, #tpu.memory_space<vmem_shared>>)
        tpu.yield
      }) : () -> ()
      %add3A_85 = arith.constant 2 : i32
      %add3A_86 = arith.addi %mul3A_74, %add3A_85 : i32
      %lt3A_87 = arith.cmpi slt, %add3A_86, %add3A_4 : i32
      %convert_element_type3A_88 = arith.extui %lt3A_87 : i1 to i32
      %cond3A_89 = arith.constant 0 : i32
      %cond3A_90 = arith.cmpi ne, %convert_element_type3A_88, %cond3A_89 : i32
      scf.if %cond3A_90 {
        %add3A_97 = arith.addi %add3A_8, %mul3A_74 : i32
        %add3A_98 = arith.constant 2 : i32
        %add3A_99 = arith.addi %add3A_97, %add3A_98 : i32
        %mul3A_100 = arith.constant 128 : i32
        %mul3A_101 = arith.muli %add3A_99, %mul3A_100 : i32
        %dma_start3A_102 = arith.constant 1 : i32
        %dma_start3A_103 = tpu.memref_slice %arg2[%dma_start3A_102, %mul3A_101] : memref<2x320000xi32, #tpu.memory_space<hbm>> -> memref<1x128xi32, #tpu.memory_space<hbm>>
        %dma_start3A_104 = tpu.memref_squeeze %dma_start3A_103 : memref<1x128xi32, #tpu.memory_space<hbm>> -> memref<128xi32, #tpu.memory_space<hbm>>
        %dma_start3A_105 = tpu.memref_slice %arg2[%dma_start3A_102, %mul3A_101] : memref<2x320000xi32, #tpu.memory_space<hbm>> -> memref<1x128xi32, #tpu.memory_space<hbm>>
        %dma_start3A_106 = tpu.memref_squeeze %dma_start3A_105 : memref<1x128xi32, #tpu.memory_space<hbm>> -> memref<128xi32, #tpu.memory_space<hbm>>
        tpu.enqueue_dma source(%dma_start3A_106 : memref<128xi32, #tpu.memory_space<hbm>>) target(%arg5 : memref<128xi32, #tpu.memory_space<vmem>>) target_semaphore(%arg11 : memref<!tpu.dma_semaphore, #tpu.memory_space<semaphore_mem>>)
        %mul3A_107 = arith.constant 128 : i32
        %mul3A_108 = arith.muli %add3A_99, %mul3A_107 : i32
        %dma_start3A_109 = tpu.memref_slice %arg3[%mul3A_108] : memref<320000xf32, #tpu.memory_space<hbm>> -> memref<128xf32, #tpu.memory_space<hbm>>
        %dma_start3A_110 = tpu.memref_slice %arg3[%mul3A_108] : memref<320000xf32, #tpu.memory_space<hbm>> -> memref<128xf32, #tpu.memory_space<hbm>>
        tpu.enqueue_dma source(%dma_start3A_110 : memref<128xf32, #tpu.memory_space<hbm>>) target(%arg7 : memref<128xf32, #tpu.memory_space<vmem>>) target_semaphore(%arg11 : memref<!tpu.dma_semaphore, #tpu.memory_space<semaphore_mem>>)
      } else {
      }
      %add3A_91 = arith.constant 1 : i32
      %add3A_92 = arith.addi %mul3A_74, %add3A_91 : i32
      %lt3A_93 = arith.cmpi slt, %add3A_92, %add3A_4 : i32
      %convert_element_type3A_94 = arith.extui %lt3A_93 : i1 to i32
      %cond3A_95 = arith.constant 0 : i32
      %cond3A_96 = arith.cmpi ne, %convert_element_type3A_94, %cond3A_95 : i32
      scf.if %cond3A_96 {
        %dma_wait3A_97 = arith.constant 1 : i32
        %dma_wait3A_98 = arith.constant 0 : i32
        %dma_wait3A_99 = tpu.memref_slice %arg2[%dma_wait3A_97, %dma_wait3A_98] : memref<2x320000xi32, #tpu.memory_space<hbm>> -> memref<1x128xi32, #tpu.memory_space<hbm>>
        %dma_wait3A_100 = tpu.memref_squeeze %dma_wait3A_99 : memref<1x128xi32, #tpu.memory_space<hbm>> -> memref<128xi32, #tpu.memory_space<hbm>>
        %dma_wait3A_101 = arith.constant 0 : i32
        %dma_wait3A_102 = tpu.memref_slice %arg2[%dma_wait3A_97, %dma_wait3A_101] : memref<2x320000xi32, #tpu.memory_space<hbm>> -> memref<1x128xi32, #tpu.memory_space<hbm>>
        %dma_wait3A_103 = tpu.memref_squeeze %dma_wait3A_102 : memref<1x128xi32, #tpu.memory_space<hbm>> -> memref<128xi32, #tpu.memory_space<hbm>>
        tpu.wait_dma2 semaphore(%arg12 : memref<!tpu.dma_semaphore, #tpu.memory_space<semaphore_mem>>) src(%dma_wait3A_103 : memref<128xi32, #tpu.memory_space<hbm>>) dst(%arg6 : memref<128xi32, #tpu.memory_space<vmem>>)
        %dma_wait3A_104 = arith.constant 0 : i32
        %dma_wait3A_105 = tpu.memref_slice %arg3[%dma_wait3A_104] : memref<320000xf32, #tpu.memory_space<hbm>> -> memref<128xf32, #tpu.memory_space<hbm>>
        %dma_wait3A_106 = arith.constant 0 : i32
        %dma_wait3A_107 = tpu.memref_slice %arg3[%dma_wait3A_106] : memref<320000xf32, #tpu.memory_space<hbm>> -> memref<128xf32, #tpu.memory_space<hbm>>
        tpu.wait_dma2 semaphore(%arg12 : memref<!tpu.dma_semaphore, #tpu.memory_space<semaphore_mem>>) src(%dma_wait3A_107 : memref<128xf32, #tpu.memory_space<hbm>>) dst(%arg8 : memref<128xf32, #tpu.memory_space<vmem>>)
        "tpu.region"() ({
          %run_scoped3A = tpu.sem_alloc : memref<!tpu.dma_semaphore, #tpu.memory_space<semaphore_mem>>
          %dma_start3A_114 = arith.constant 0 : i32
          %dma_start3A_115 = tpu.memref_slice %arg10[%dma_start3A_114] : memref<10240xf32, #tpu.memory_space<vmem_shared>> -> memref<10240xf32, #tpu.memory_space<vmem_shared>>
          tpu.enqueue_indirect_dma source(%arg8 : memref<128xf32, #tpu.memory_space<vmem>>) target(%dma_start3A_115 : memref<10240xf32, #tpu.memory_space<vmem_shared>>) offsets(%arg6 : memref<128xi32, #tpu.memory_space<vmem>>) semaphore(%run_scoped3A : memref<!tpu.dma_semaphore, #tpu.memory_space<semaphore_mem>>) {add = true}
          %dma_wait3A_116 = arith.constant 0 : i32
          %dma_wait3A_117 = tpu.memref_slice %arg10[%dma_wait3A_116] : memref<10240xf32, #tpu.memory_space<vmem_shared>> -> memref<10240xf32, #tpu.memory_space<vmem_shared>>
          tpu.wait_indirect_dma semaphore(%run_scoped3A : memref<!tpu.dma_semaphore, #tpu.memory_space<semaphore_mem>>) src(%arg8 : memref<128xf32, #tpu.memory_space<vmem>>) dst(%dma_wait3A_117 : memref<10240xf32, #tpu.memory_space<vmem_shared>>)
          tpu.yield
        }) : () -> ()
        %add3A_108 = arith.constant 3 : i32
        %add3A_109 = arith.addi %mul3A_74, %add3A_108 : i32
        %lt3A_110 = arith.cmpi slt, %add3A_109, %add3A_4 : i32
        %convert_element_type3A_111 = arith.extui %lt3A_110 : i1 to i32
        %cond3A_112 = arith.constant 0 : i32
        %cond3A_113 = arith.cmpi ne, %convert_element_type3A_111, %cond3A_112 : i32
        scf.if %cond3A_113 {
          %add3A_114 = arith.addi %add3A_8, %mul3A_74 : i32
          %add3A_115 = arith.constant 3 : i32
          %add3A_116 = arith.addi %add3A_114, %add3A_115 : i32
          %mul3A_117 = arith.constant 128 : i32
          %mul3A_118 = arith.muli %add3A_116, %mul3A_117 : i32
          %dma_start3A_119 = arith.constant 1 : i32
          %dma_start3A_120 = tpu.memref_slice %arg2[%dma_start3A_119, %mul3A_118] : memref<2x320000xi32, #tpu.memory_space<hbm>> -> memref<1x128xi32, #tpu.memory_space<hbm>>
          %dma_start3A_121 = tpu.memref_squeeze %dma_start3A_120 : memref<1x128xi32, #tpu.memory_space<hbm>> -> memref<128xi32, #tpu.memory_space<hbm>>
          %dma_start3A_122 = tpu.memref_slice %arg2[%dma_start3A_119, %mul3A_118] : memref<2x320000xi32, #tpu.memory_space<hbm>> -> memref<1x128xi32, #tpu.memory_space<hbm>>
          %dma_start3A_123 = tpu.memref_squeeze %dma_start3A_122 : memref<1x128xi32, #tpu.memory_space<hbm>> -> memref<128xi32, #tpu.memory_space<hbm>>
          tpu.enqueue_dma source(%dma_start3A_123 : memref<128xi32, #tpu.memory_space<hbm>>) target(%arg6 : memref<128xi32, #tpu.memory_space<vmem>>) target_semaphore(%arg12 : memref<!tpu.dma_semaphore, #tpu.memory_space<semaphore_mem>>)
          %mul3A_124 = arith.constant 128 : i32
          %mul3A_125 = arith.muli %add3A_116, %mul3A_124 : i32
          %dma_start3A_126 = tpu.memref_slice %arg3[%mul3A_125] : memref<320000xf32, #tpu.memory_space<hbm>> -> memref<128xf32, #tpu.memory_space<hbm>>
          %dma_start3A_127 = tpu.memref_slice %arg3[%mul3A_125] : memref<320000xf32, #tpu.memory_space<hbm>> -> memref<128xf32, #tpu.memory_space<hbm>>
          tpu.enqueue_dma source(%dma_start3A_127 : memref<128xf32, #tpu.memory_space<hbm>>) target(%arg8 : memref<128xf32, #tpu.memory_space<vmem>>) target_semaphore(%arg12 : memref<!tpu.dma_semaphore, #tpu.memory_space<semaphore_mem>>)
        } else {
        }
      } else {
      }
    }
    %barrier3A_65 = arith.constant 0 : index
    tpu.barrier barrier_id(%barrier3A_65)
    %mul3A_66 = arith.constant 640 : i32
    %mul3A_67 = arith.muli %arg1, %mul3A_66 : i32
    %mul3A_68 = arith.constant 640 : i32
    %mul3A_69 = arith.muli %arg1, %mul3A_68 : i32
    "tpu.region"() ({
      %run_scoped3A = tpu.sem_alloc : memref<!tpu.dma_semaphore, #tpu.memory_space<semaphore_mem>>
      %dma_start3A_70 = tpu.memref_slice %arg4[%arg0, %mul3A_69] : memref<2x10240xf32, #tpu.memory_space<hbm>> -> memref<1x640xf32, #tpu.memory_space<hbm>>
      %dma_start3A_71 = tpu.memref_squeeze %dma_start3A_70 : memref<1x640xf32, #tpu.memory_space<hbm>> -> memref<640xf32, #tpu.memory_space<hbm>>
      %dma_start3A_72 = tpu.memref_slice %arg10[%mul3A_67] : memref<10240xf32, #tpu.memory_space<vmem_shared>> -> memref<640xf32, #tpu.memory_space<vmem_shared>>
      tpu.enqueue_dma source(%dma_start3A_72 : memref<640xf32, #tpu.memory_space<vmem_shared>>) target(%dma_start3A_71 : memref<640xf32, #tpu.memory_space<hbm>>) target_semaphore(%run_scoped3A : memref<!tpu.dma_semaphore, #tpu.memory_space<semaphore_mem>>)
      %dma_wait3A = tpu.memref_slice %arg4[%arg0, %mul3A_69] : memref<2x10240xf32, #tpu.memory_space<hbm>> -> memref<1x640xf32, #tpu.memory_space<hbm>>
      %dma_wait3A_73 = tpu.memref_squeeze %dma_wait3A : memref<1x640xf32, #tpu.memory_space<hbm>> -> memref<640xf32, #tpu.memory_space<hbm>>
      %dma_wait3A_74 = tpu.memref_slice %arg10[%mul3A_67] : memref<10240xf32, #tpu.memory_space<vmem_shared>> -> memref<640xf32, #tpu.memory_space<vmem_shared>>
      tpu.wait_dma2 semaphore(%run_scoped3A : memref<!tpu.dma_semaphore, #tpu.memory_space<semaphore_mem>>) src(%dma_wait3A_74 : memref<640xf32, #tpu.memory_space<vmem_shared>>) dst(%dma_wait3A_73 : memref<640xf32, #tpu.memory_space<hbm>>)
      tpu.yield
    }) : () -> ()
    return
  }
}

#map = affine_map<(d0, d1) -> (0, 0)>
#map1 = affine_map<(d0, d1) -> (0)>
#map2 = affine_map<(d0, d1) -> (0, 0, 0)>
module attributes {stable_mosaic.version = 14 : i64} {
  func.func @_agg_body(%arg0: i32, %arg1: i32, %arg2: memref<10000x128xf32, #tpu.memory_space<hbm>>, %arg3: memref<2x320000xi32, #tpu.memory_space<hbm>>, %arg4: memref<320000xf32, #tpu.memory_space<hbm>>, %arg5: memref<2x10240x128xf32, #tpu.memory_space<hbm>>, %arg6: memref<128xi32, #tpu.memory_space<vmem>>, %arg7: memref<128xi32, #tpu.memory_space<vmem>>, %arg8: memref<128xi32, #tpu.memory_space<vmem>>, %arg9: memref<128xi32, #tpu.memory_space<vmem>>, %arg10: memref<128xf32, #tpu.memory_space<vmem>>, %arg11: memref<128xf32, #tpu.memory_space<vmem>>, %arg12: memref<128x128xf32, #tpu.memory_space<vmem>>, %arg13: memref<128x128xf32, #tpu.memory_space<vmem>>, %arg14: memref<10240x128xf32, #tpu.memory_space<vmem_shared>>, %arg15: memref<!tpu.dma_semaphore, #tpu.memory_space<semaphore_mem>>, %arg16: memref<!tpu.dma_semaphore, #tpu.memory_space<semaphore_mem>>, %arg17: memref<!tpu.dma_semaphore, #tpu.memory_space<semaphore_mem>>, %arg18: memref<!tpu.dma_semaphore, #tpu.memory_space<semaphore_mem>>, %arg19: memref<!tpu.dma_semaphore, #tpu.memory_space<semaphore_mem>>, %arg20: memref<!tpu.dma_semaphore, #tpu.memory_space<semaphore_mem>>, %arg21: memref<!tpu.dma_semaphore, #tpu.memory_space<semaphore_mem>>, %arg22: memref<!tpu.dma_semaphore, #tpu.memory_space<semaphore_mem>>) attributes {dimension_semantics = [#tpu.dimension_semantics<core_parallel>, #tpu.dimension_semantics<subcore_parallel>], iteration_bounds = array<i64: 2, 16>, scalar_prefetch = 0 : i64, scratch_operands = 17 : i64, tpu.core_type = #tpu.core_type<sc_vector_subcore>, window_params = [{transform_indices = #map}, {transform_indices = #map}, {transform_indices = #map1}, {transform_indices = #map2}]} {
    %mul3A = arith.constant 2 : i32
    %mul3A_0 = arith.muli %arg1, %mul3A : i32
    %add3A = arith.addi %mul3A_0, %arg0 : i32
    %lt3A = arith.constant 4 : i32
    %lt3A_1 = arith.cmpi slt, %add3A, %lt3A : i32
    %jit3A = arith.constant 1 : i32
    %jit3A_2 = arith.constant 0 : i32
    %select_n3A = arith.select %lt3A_1, %jit3A, %jit3A_2 : i32
    %add3A_3 = arith.constant 78 : i32
    %add3A_4 = arith.addi %add3A_3, %select_n3A : i32
    %mul3A_5 = arith.constant 78 : i32
    %mul3A_6 = arith.muli %add3A, %mul3A_5 : i32
    %min3A = arith.constant 4 : i32
    %min3A_7 = arith.minsi %add3A, %min3A : i32
    %add3A_8 = arith.addi %mul3A_6, %min3A_7 : i32
    %scan3A = arith.constant 0 : i32
    %scan3A_9 = arith.constant 128 : i32
    %scan3A_10 = arith.addi %scan3A, %scan3A_9 : i32
    %scan3A_11 = arith.constant 1 : i32
    scf.for %scan3A_116 = %scan3A to %scan3A_10 step %scan3A_11  : i32 {
      %mul3A_117 = arith.constant 1 : i32
      %mul3A_118 = arith.muli %scan3A_116, %mul3A_117 : i32
      %add3A_119 = arith.constant 0 : i32
      %add3A_120 = arith.addi %add3A_119, %mul3A_118 : i32
      %broadcast_in_dim3A = arith.constant 0.000000e+00 : f32
      %broadcast_in_dim3A_121 = vector.broadcast %broadcast_in_dim3A : f32 to vector<16xf32>
      %swap3A = arith.index_cast %add3A_120 : i32 to index
      %swap3A_122 = arith.constant 0 : index
      %swap3A_123 = tpu.vector_load %arg12[%swap3A, %swap3A_122] {strides = array<i32>} : memref<128x128xf32, #tpu.memory_space<vmem>>, vector<16xf32>,
      tpu.vector_store %arg12[%swap3A, %swap3A_122], %broadcast_in_dim3A_121 {strides = array<i32>} : memref<128x128xf32, #tpu.memory_space<vmem>>, vector<16xf32>,
      %broadcast_in_dim3A_124 = arith.constant 0.000000e+00 : f32
      %broadcast_in_dim3A_125 = vector.broadcast %broadcast_in_dim3A_124 : f32 to vector<16xf32>
      %swap3A_126 = arith.index_cast %add3A_120 : i32 to index
      %swap3A_127 = arith.constant 16 : index
      %swap3A_128 = tpu.vector_load %arg12[%swap3A_126, %swap3A_127] {strides = array<i32>} : memref<128x128xf32, #tpu.memory_space<vmem>>, vector<16xf32>,
      tpu.vector_store %arg12[%swap3A_126, %swap3A_127], %broadcast_in_dim3A_125 {strides = array<i32>} : memref<128x128xf32, #tpu.memory_space<vmem>>, vector<16xf32>,
      %broadcast_in_dim3A_129 = arith.constant 0.000000e+00 : f32
      %broadcast_in_dim3A_130 = vector.broadcast %broadcast_in_dim3A_129 : f32 to vector<16xf32>
      %swap3A_131 = arith.index_cast %add3A_120 : i32 to index
      %swap3A_132 = arith.constant 32 : index
      %swap3A_133 = tpu.vector_load %arg12[%swap3A_131, %swap3A_132] {strides = array<i32>} : memref<128x128xf32, #tpu.memory_space<vmem>>, vector<16xf32>,
      tpu.vector_store %arg12[%swap3A_131, %swap3A_132], %broadcast_in_dim3A_130 {strides = array<i32>} : memref<128x128xf32, #tpu.memory_space<vmem>>, vector<16xf32>,
      %broadcast_in_dim3A_134 = arith.constant 0.000000e+00 : f32
      %broadcast_in_dim3A_135 = vector.broadcast %broadcast_in_dim3A_134 : f32 to vector<16xf32>
      %swap3A_136 = arith.index_cast %add3A_120 : i32 to index
      %swap3A_137 = arith.constant 48 : index
      %swap3A_138 = tpu.vector_load %arg12[%swap3A_136, %swap3A_137] {strides = array<i32>} : memref<128x128xf32, #tpu.memory_space<vmem>>, vector<16xf32>,
      tpu.vector_store %arg12[%swap3A_136, %swap3A_137], %broadcast_in_dim3A_135 {strides = array<i32>} : memref<128x128xf32, #tpu.memory_space<vmem>>, vector<16xf32>,
      %broadcast_in_dim3A_139 = arith.constant 0.000000e+00 : f32
      %broadcast_in_dim3A_140 = vector.broadcast %broadcast_in_dim3A_139 : f32 to vector<16xf32>
      %swap3A_141 = arith.index_cast %add3A_120 : i32 to index
      %swap3A_142 = arith.constant 64 : index
      %swap3A_143 = tpu.vector_load %arg12[%swap3A_141, %swap3A_142] {strides = array<i32>} : memref<128x128xf32, #tpu.memory_space<vmem>>, vector<16xf32>,
      tpu.vector_store %arg12[%swap3A_141, %swap3A_142], %broadcast_in_dim3A_140 {strides = array<i32>} : memref<128x128xf32, #tpu.memory_space<vmem>>, vector<16xf32>,
      %broadcast_in_dim3A_144 = arith.constant 0.000000e+00 : f32
      %broadcast_in_dim3A_145 = vector.broadcast %broadcast_in_dim3A_144 : f32 to vector<16xf32>
      %swap3A_146 = arith.index_cast %add3A_120 : i32 to index
      %swap3A_147 = arith.constant 80 : index
      %swap3A_148 = tpu.vector_load %arg12[%swap3A_146, %swap3A_147] {strides = array<i32>} : memref<128x128xf32, #tpu.memory_space<vmem>>, vector<16xf32>,
      tpu.vector_store %arg12[%swap3A_146, %swap3A_147], %broadcast_in_dim3A_145 {strides = array<i32>} : memref<128x128xf32, #tpu.memory_space<vmem>>, vector<16xf32>,
      %broadcast_in_dim3A_149 = arith.constant 0.000000e+00 : f32
      %broadcast_in_dim3A_150 = vector.broadcast %broadcast_in_dim3A_149 : f32 to vector<16xf32>
      %swap3A_151 = arith.index_cast %add3A_120 : i32 to index
      %swap3A_152 = arith.constant 96 : index
      %swap3A_153 = tpu.vector_load %arg12[%swap3A_151, %swap3A_152] {strides = array<i32>} : memref<128x128xf32, #tpu.memory_space<vmem>>, vector<16xf32>,
      tpu.vector_store %arg12[%swap3A_151, %swap3A_152], %broadcast_in_dim3A_150 {strides = array<i32>} : memref<128x128xf32, #tpu.memory_space<vmem>>, vector<16xf32>,
      %broadcast_in_dim3A_154 = arith.constant 0.000000e+00 : f32
      %broadcast_in_dim3A_155 = vector.broadcast %broadcast_in_dim3A_154 : f32 to vector<16xf32>
      %swap3A_156 = arith.index_cast %add3A_120 : i32 to index
      %swap3A_157 = arith.constant 112 : index
      %swap3A_158 = tpu.vector_load %arg12[%swap3A_156, %swap3A_157] {strides = array<i32>} : memref<128x128xf32, #tpu.memory_space<vmem>>, vector<16xf32>,
      tpu.vector_store %arg12[%swap3A_156, %swap3A_157], %broadcast_in_dim3A_155 {strides = array<i32>} : memref<128x128xf32, #tpu.memory_space<vmem>>, vector<16xf32>,
    }
    %scan3A_12 = arith.constant 128 : i32
    %mul3A_13 = arith.constant 640 : i32
    %mul3A_14 = arith.muli %arg1, %mul3A_13 : i32
    %add3A_15 = arith.constant 0 : i32
    %add3A_16 = arith.addi %mul3A_14, %add3A_15 : i32
    "tpu.region"() ({
      %run_scoped3A = tpu.sem_alloc : memref<!tpu.dma_semaphore, #tpu.memory_space<semaphore_mem>>
      %dma_start3A_116 = arith.constant 0 : i32
      %dma_start3A_117 = tpu.memref_slice %arg14[%add3A_16, %dma_start3A_116] : memref<10240x128xf32, #tpu.memory_space<vmem_shared>> -> memref<128x128xf32, #tpu.memory_space<vmem_shared>>
      %dma_start3A_118 = arith.constant 0 : i32
      %dma_start3A_119 = tpu.memref_slice %arg14[%add3A_16, %dma_start3A_118] : memref<10240x128xf32, #tpu.memory_space<vmem_shared>> -> memref<128x128xf32, #tpu.memory_space<vmem_shared>>
      tpu.enqueue_dma source(%arg12 : memref<128x128xf32, #tpu.memory_space<vmem>>) target(%dma_start3A_119 : memref<128x128xf32, #tpu.memory_space<vmem_shared>>) target_semaphore(%run_scoped3A : memref<!tpu.dma_semaphore, #tpu.memory_space<semaphore_mem>>)
      %dma_wait3A_120 = arith.constant 0 : i32
      %dma_wait3A_121 = tpu.memref_slice %arg14[%add3A_16, %dma_wait3A_120] : memref<10240x128xf32, #tpu.memory_space<vmem_shared>> -> memref<128x128xf32, #tpu.memory_space<vmem_shared>>
      %dma_wait3A_122 = arith.constant 0 : i32
      %dma_wait3A_123 = tpu.memref_slice %arg14[%add3A_16, %dma_wait3A_122] : memref<10240x128xf32, #tpu.memory_space<vmem_shared>> -> memref<128x128xf32, #tpu.memory_space<vmem_shared>>
      tpu.wait_dma2 semaphore(%run_scoped3A : memref<!tpu.dma_semaphore, #tpu.memory_space<semaphore_mem>>) src(%arg12 : memref<128x128xf32, #tpu.memory_space<vmem>>) dst(%dma_wait3A_123 : memref<128x128xf32, #tpu.memory_space<vmem_shared>>)
      tpu.yield
    }) : () -> ()
    %mul3A_17 = arith.constant 640 : i32
    %mul3A_18 = arith.muli %arg1, %mul3A_17 : i32
    %add3A_19 = arith.constant 128 : i32
    %add3A_20 = arith.addi %mul3A_18, %add3A_19 : i32
    "tpu.region"() ({
      %run_scoped3A = tpu.sem_alloc : memref<!tpu.dma_semaphore, #tpu.memory_space<semaphore_mem>>
      %dma_start3A_116 = arith.constant 0 : i32
      %dma_start3A_117 = tpu.memref_slice %arg14[%add3A_20, %dma_start3A_116] : memref<10240x128xf32, #tpu.memory_space<vmem_shared>> -> memref<128x128xf32, #tpu.memory_space<vmem_shared>>
      %dma_start3A_118 = arith.constant 0 : i32
      %dma_start3A_119 = tpu.memref_slice %arg14[%add3A_20, %dma_start3A_118] : memref<10240x128xf32, #tpu.memory_space<vmem_shared>> -> memref<128x128xf32, #tpu.memory_space<vmem_shared>>
      tpu.enqueue_dma source(%arg12 : memref<128x128xf32, #tpu.memory_space<vmem>>) target(%dma_start3A_119 : memref<128x128xf32, #tpu.memory_space<vmem_shared>>) target_semaphore(%run_scoped3A : memref<!tpu.dma_semaphore, #tpu.memory_space<semaphore_mem>>)
      %dma_wait3A_120 = arith.constant 0 : i32
      %dma_wait3A_121 = tpu.memref_slice %arg14[%add3A_20, %dma_wait3A_120] : memref<10240x128xf32, #tpu.memory_space<vmem_shared>> -> memref<128x128xf32, #tpu.memory_space<vmem_shared>>
      %dma_wait3A_122 = arith.constant 0 : i32
      %dma_wait3A_123 = tpu.memref_slice %arg14[%add3A_20, %dma_wait3A_122] : memref<10240x128xf32, #tpu.memory_space<vmem_shared>> -> memref<128x128xf32, #tpu.memory_space<vmem_shared>>
      tpu.wait_dma2 semaphore(%run_scoped3A : memref<!tpu.dma_semaphore, #tpu.memory_space<semaphore_mem>>) src(%arg12 : memref<128x128xf32, #tpu.memory_space<vmem>>) dst(%dma_wait3A_123 : memref<128x128xf32, #tpu.memory_space<vmem_shared>>)
      tpu.yield
    }) : () -> ()
    %mul3A_21 = arith.constant 640 : i32
    %mul3A_22 = arith.muli %arg1, %mul3A_21 : i32
    %add3A_23 = arith.constant 256 : i32
    %add3A_24 = arith.addi %mul3A_22, %add3A_23 : i32
    "tpu.region"() ({
      %run_scoped3A = tpu.sem_alloc : memref<!tpu.dma_semaphore, #tpu.memory_space<semaphore_mem>>
      %dma_start3A_116 = arith.constant 0 : i32
      %dma_start3A_117 = tpu.memref_slice %arg14[%add3A_24, %dma_start3A_116] : memref<10240x128xf32, #tpu.memory_space<vmem_shared>> -> memref<128x128xf32, #tpu.memory_space<vmem_shared>>
      %dma_start3A_118 = arith.constant 0 : i32
      %dma_start3A_119 = tpu.memref_slice %arg14[%add3A_24, %dma_start3A_118] : memref<10240x128xf32, #tpu.memory_space<vmem_shared>> -> memref<128x128xf32, #tpu.memory_space<vmem_shared>>
      tpu.enqueue_dma source(%arg12 : memref<128x128xf32, #tpu.memory_space<vmem>>) target(%dma_start3A_119 : memref<128x128xf32, #tpu.memory_space<vmem_shared>>) target_semaphore(%run_scoped3A : memref<!tpu.dma_semaphore, #tpu.memory_space<semaphore_mem>>)
      %dma_wait3A_120 = arith.constant 0 : i32
      %dma_wait3A_121 = tpu.memref_slice %arg14[%add3A_24, %dma_wait3A_120] : memref<10240x128xf32, #tpu.memory_space<vmem_shared>> -> memref<128x128xf32, #tpu.memory_space<vmem_shared>>
      %dma_wait3A_122 = arith.constant 0 : i32
      %dma_wait3A_123 = tpu.memref_slice %arg14[%add3A_24, %dma_wait3A_122] : memref<10240x128xf32, #tpu.memory_space<vmem_shared>> -> memref<128x128xf32, #tpu.memory_space<vmem_shared>>
      tpu.wait_dma2 semaphore(%run_scoped3A : memref<!tpu.dma_semaphore, #tpu.memory_space<semaphore_mem>>) src(%arg12 : memref<128x128xf32, #tpu.memory_space<vmem>>) dst(%dma_wait3A_123 : memref<128x128xf32, #tpu.memory_space<vmem_shared>>)
      tpu.yield
    }) : () -> ()
    %mul3A_25 = arith.constant 640 : i32
    %mul3A_26 = arith.muli %arg1, %mul3A_25 : i32
    %add3A_27 = arith.constant 384 : i32
    %add3A_28 = arith.addi %mul3A_26, %add3A_27 : i32
    "tpu.region"() ({
      %run_scoped3A = tpu.sem_alloc : memref<!tpu.dma_semaphore, #tpu.memory_space<semaphore_mem>>
      %dma_start3A_116 = arith.constant 0 : i32
      %dma_start3A_117 = tpu.memref_slice %arg14[%add3A_28, %dma_start3A_116] : memref<10240x128xf32, #tpu.memory_space<vmem_shared>> -> memref<128x128xf32, #tpu.memory_space<vmem_shared>>
      %dma_start3A_118 = arith.constant 0 : i32
      %dma_start3A_119 = tpu.memref_slice %arg14[%add3A_28, %dma_start3A_118] : memref<10240x128xf32, #tpu.memory_space<vmem_shared>> -> memref<128x128xf32, #tpu.memory_space<vmem_shared>>
      tpu.enqueue_dma source(%arg12 : memref<128x128xf32, #tpu.memory_space<vmem>>) target(%dma_start3A_119 : memref<128x128xf32, #tpu.memory_space<vmem_shared>>) target_semaphore(%run_scoped3A : memref<!tpu.dma_semaphore, #tpu.memory_space<semaphore_mem>>)
      %dma_wait3A_120 = arith.constant 0 : i32
      %dma_wait3A_121 = tpu.memref_slice %arg14[%add3A_28, %dma_wait3A_120] : memref<10240x128xf32, #tpu.memory_space<vmem_shared>> -> memref<128x128xf32, #tpu.memory_space<vmem_shared>>
      %dma_wait3A_122 = arith.constant 0 : i32
      %dma_wait3A_123 = tpu.memref_slice %arg14[%add3A_28, %dma_wait3A_122] : memref<10240x128xf32, #tpu.memory_space<vmem_shared>> -> memref<128x128xf32, #tpu.memory_space<vmem_shared>>
      tpu.wait_dma2 semaphore(%run_scoped3A : memref<!tpu.dma_semaphore, #tpu.memory_space<semaphore_mem>>) src(%arg12 : memref<128x128xf32, #tpu.memory_space<vmem>>) dst(%dma_wait3A_123 : memref<128x128xf32, #tpu.memory_space<vmem_shared>>)
      tpu.yield
    }) : () -> ()
    %mul3A_29 = arith.constant 640 : i32
    %mul3A_30 = arith.muli %arg1, %mul3A_29 : i32
    %add3A_31 = arith.constant 512 : i32
    %add3A_32 = arith.addi %mul3A_30, %add3A_31 : i32
    "tpu.region"() ({
      %run_scoped3A = tpu.sem_alloc : memref<!tpu.dma_semaphore, #tpu.memory_space<semaphore_mem>>
      %dma_start3A_116 = arith.constant 0 : i32
      %dma_start3A_117 = tpu.memref_slice %arg14[%add3A_32, %dma_start3A_116] : memref<10240x128xf32, #tpu.memory_space<vmem_shared>> -> memref<128x128xf32, #tpu.memory_space<vmem_shared>>
      %dma_start3A_118 = arith.constant 0 : i32
      %dma_start3A_119 = tpu.memref_slice %arg14[%add3A_32, %dma_start3A_118] : memref<10240x128xf32, #tpu.memory_space<vmem_shared>> -> memref<128x128xf32, #tpu.memory_space<vmem_shared>>
      tpu.enqueue_dma source(%arg12 : memref<128x128xf32, #tpu.memory_space<vmem>>) target(%dma_start3A_119 : memref<128x128xf32, #tpu.memory_space<vmem_shared>>) target_semaphore(%run_scoped3A : memref<!tpu.dma_semaphore, #tpu.memory_space<semaphore_mem>>)
      %dma_wait3A_120 = arith.constant 0 : i32
      %dma_wait3A_121 = tpu.memref_slice %arg14[%add3A_32, %dma_wait3A_120] : memref<10240x128xf32, #tpu.memory_space<vmem_shared>> -> memref<128x128xf32, #tpu.memory_space<vmem_shared>>
      %dma_wait3A_122 = arith.constant 0 : i32
      %dma_wait3A_123 = tpu.memref_slice %arg14[%add3A_32, %dma_wait3A_122] : memref<10240x128xf32, #tpu.memory_space<vmem_shared>> -> memref<128x128xf32, #tpu.memory_space<vmem_shared>>
      tpu.wait_dma2 semaphore(%run_scoped3A : memref<!tpu.dma_semaphore, #tpu.memory_space<semaphore_mem>>) src(%arg12 : memref<128x128xf32, #tpu.memory_space<vmem>>) dst(%dma_wait3A_123 : memref<128x128xf32, #tpu.memory_space<vmem_shared>>)
      tpu.yield
    }) : () -> ()
    %barrier3A = arith.constant 0 : index
    tpu.barrier barrier_id(%barrier3A)
    %mul3A_33 = arith.constant 128 : i32
    %mul3A_34 = arith.muli %add3A_8, %mul3A_33 : i32
    %dma_start3A = arith.constant 0 : i32
    %dma_start3A_35 = tpu.memref_slice %arg3[%dma_start3A, %mul3A_34] : memref<2x320000xi32, #tpu.memory_space<hbm>> -> memref<1x128xi32, #tpu.memory_space<hbm>>
    %dma_start3A_36 = tpu.memref_squeeze %dma_start3A_35 : memref<1x128xi32, #tpu.memory_space<hbm>> -> memref<128xi32, #tpu.memory_space<hbm>>
    %dma_start3A_37 = tpu.memref_slice %arg3[%dma_start3A, %mul3A_34] : memref<2x320000xi32, #tpu.memory_space<hbm>> -> memref<1x128xi32, #tpu.memory_space<hbm>>
    %dma_start3A_38 = tpu.memref_squeeze %dma_start3A_37 : memref<1x128xi32, #tpu.memory_space<hbm>> -> memref<128xi32, #tpu.memory_space<hbm>>
    tpu.enqueue_dma source(%dma_start3A_38 : memref<128xi32, #tpu.memory_space<hbm>>) target(%arg6 : memref<128xi32, #tpu.memory_space<vmem>>) target_semaphore(%arg17 : memref<!tpu.dma_semaphore, #tpu.memory_space<semaphore_mem>>)
    %mul3A_39 = arith.constant 128 : i32
    %mul3A_40 = arith.muli %add3A_8, %mul3A_39 : i32
    %dma_start3A_41 = tpu.memref_slice %arg4[%mul3A_40] : memref<320000xf32, #tpu.memory_space<hbm>> -> memref<128xf32, #tpu.memory_space<hbm>>
    %dma_start3A_42 = tpu.memref_slice %arg4[%mul3A_40] : memref<320000xf32, #tpu.memory_space<hbm>> -> memref<128xf32, #tpu.memory_space<hbm>>
    tpu.enqueue_dma source(%dma_start3A_42 : memref<128xf32, #tpu.memory_space<hbm>>) target(%arg10 : memref<128xf32, #tpu.memory_space<vmem>>) target_semaphore(%arg17 : memref<!tpu.dma_semaphore, #tpu.memory_space<semaphore_mem>>)
    %mul3A_43 = arith.constant 128 : i32
    %mul3A_44 = arith.muli %add3A_8, %mul3A_43 : i32
    %dma_start3A_45 = arith.constant 1 : i32
    %dma_start3A_46 = tpu.memref_slice %arg3[%dma_start3A_45, %mul3A_44] : memref<2x320000xi32, #tpu.memory_space<hbm>> -> memref<1x128xi32, #tpu.memory_space<hbm>>
    %dma_start3A_47 = tpu.memref_squeeze %dma_start3A_46 : memref<1x128xi32, #tpu.memory_space<hbm>> -> memref<128xi32, #tpu.memory_space<hbm>>
    %dma_start3A_48 = tpu.memref_slice %arg3[%dma_start3A_45, %mul3A_44] : memref<2x320000xi32, #tpu.memory_space<hbm>> -> memref<1x128xi32, #tpu.memory_space<hbm>>
    %dma_start3A_49 = tpu.memref_squeeze %dma_start3A_48 : memref<1x128xi32, #tpu.memory_space<hbm>> -> memref<128xi32, #tpu.memory_space<hbm>>
    tpu.enqueue_dma source(%dma_start3A_49 : memref<128xi32, #tpu.memory_space<hbm>>) target(%arg8 : memref<128xi32, #tpu.memory_space<vmem>>) target_semaphore(%arg19 : memref<!tpu.dma_semaphore, #tpu.memory_space<semaphore_mem>>)
    %dma_wait3A = arith.constant 0 : i32
    %dma_wait3A_50 = arith.constant 0 : i32
    %dma_wait3A_51 = tpu.memref_slice %arg3[%dma_wait3A, %dma_wait3A_50] : memref<2x320000xi32, #tpu.memory_space<hbm>> -> memref<1x128xi32, #tpu.memory_space<hbm>>
    %dma_wait3A_52 = tpu.memref_squeeze %dma_wait3A_51 : memref<1x128xi32, #tpu.memory_space<hbm>> -> memref<128xi32, #tpu.memory_space<hbm>>
    %dma_wait3A_53 = arith.constant 0 : i32
    %dma_wait3A_54 = tpu.memref_slice %arg3[%dma_wait3A, %dma_wait3A_53] : memref<2x320000xi32, #tpu.memory_space<hbm>> -> memref<1x128xi32, #tpu.memory_space<hbm>>
    %dma_wait3A_55 = tpu.memref_squeeze %dma_wait3A_54 : memref<1x128xi32, #tpu.memory_space<hbm>> -> memref<128xi32, #tpu.memory_space<hbm>>
    tpu.wait_dma2 semaphore(%arg17 : memref<!tpu.dma_semaphore, #tpu.memory_space<semaphore_mem>>) src(%dma_wait3A_55 : memref<128xi32, #tpu.memory_space<hbm>>) dst(%arg6 : memref<128xi32, #tpu.memory_space<vmem>>)
    %dma_wait3A_56 = arith.constant 0 : i32
    %dma_wait3A_57 = tpu.memref_slice %arg4[%dma_wait3A_56] : memref<320000xf32, #tpu.memory_space<hbm>> -> memref<128xf32, #tpu.memory_space<hbm>>
    %dma_wait3A_58 = arith.constant 0 : i32
    %dma_wait3A_59 = tpu.memref_slice %arg4[%dma_wait3A_58] : memref<320000xf32, #tpu.memory_space<hbm>> -> memref<128xf32, #tpu.memory_space<hbm>>
    tpu.wait_dma2 semaphore(%arg17 : memref<!tpu.dma_semaphore, #tpu.memory_space<semaphore_mem>>) src(%dma_wait3A_59 : memref<128xf32, #tpu.memory_space<hbm>>) dst(%arg10 : memref<128xf32, #tpu.memory_space<vmem>>)
    %dma_start3A_60 = arith.constant 0 : i32
    %dma_start3A_61 = arith.constant 0 : i32
    %dma_start3A_62 = tpu.memref_slice %arg2[%dma_start3A_60, %dma_start3A_61] : memref<10000x128xf32, #tpu.memory_space<hbm>> -> memref<10000x128xf32, #tpu.memory_space<hbm>>
    tpu.enqueue_indirect_dma source(%dma_start3A_62 : memref<10000x128xf32, #tpu.memory_space<hbm>>) target(%arg12 : memref<128x128xf32, #tpu.memory_space<vmem>>) offsets(%arg6 : memref<128xi32, #tpu.memory_space<vmem>>) semaphore(%arg15 : memref<!tpu.dma_semaphore, #tpu.memory_space<semaphore_mem>>)
    %gt3A = arith.constant 1 : i32
    %gt3A_63 = arith.cmpi sgt, %add3A_4, %gt3A : i32
    %convert_element_type3A = arith.extui %gt3A_63 : i1 to i32
    %cond3A = arith.constant 0 : i32
    %cond3A_64 = arith.cmpi ne, %convert_element_type3A, %cond3A : i32
    scf.if %cond3A_64 {
      %add3A_116 = arith.constant 1 : i32
      %add3A_117 = arith.addi %add3A_8, %add3A_116 : i32
      %mul3A_118 = arith.constant 128 : i32
      %mul3A_119 = arith.muli %add3A_117, %mul3A_118 : i32
      %dma_start3A_120 = arith.constant 0 : i32
      %dma_start3A_121 = tpu.memref_slice %arg3[%dma_start3A_120, %mul3A_119] : memref<2x320000xi32, #tpu.memory_space<hbm>> -> memref<1x128xi32, #tpu.memory_space<hbm>>
      %dma_start3A_122 = tpu.memref_squeeze %dma_start3A_121 : memref<1x128xi32, #tpu.memory_space<hbm>> -> memref<128xi32, #tpu.memory_space<hbm>>
      %dma_start3A_123 = tpu.memref_slice %arg3[%dma_start3A_120, %mul3A_119] : memref<2x320000xi32, #tpu.memory_space<hbm>> -> memref<1x128xi32, #tpu.memory_space<hbm>>
      %dma_start3A_124 = tpu.memref_squeeze %dma_start3A_123 : memref<1x128xi32, #tpu.memory_space<hbm>> -> memref<128xi32, #tpu.memory_space<hbm>>
      tpu.enqueue_dma source(%dma_start3A_124 : memref<128xi32, #tpu.memory_space<hbm>>) target(%arg7 : memref<128xi32, #tpu.memory_space<vmem>>) target_semaphore(%arg18 : memref<!tpu.dma_semaphore, #tpu.memory_space<semaphore_mem>>)
      %mul3A_125 = arith.constant 128 : i32
      %mul3A_126 = arith.muli %add3A_117, %mul3A_125 : i32
      %dma_start3A_127 = tpu.memref_slice %arg4[%mul3A_126] : memref<320000xf32, #tpu.memory_space<hbm>> -> memref<128xf32, #tpu.memory_space<hbm>>
      %dma_start3A_128 = tpu.memref_slice %arg4[%mul3A_126] : memref<320000xf32, #tpu.memory_space<hbm>> -> memref<128xf32, #tpu.memory_space<hbm>>
      tpu.enqueue_dma source(%dma_start3A_128 : memref<128xf32, #tpu.memory_space<hbm>>) target(%arg11 : memref<128xf32, #tpu.memory_space<vmem>>) target_semaphore(%arg18 : memref<!tpu.dma_semaphore, #tpu.memory_space<semaphore_mem>>)
    } else {
    }
    %add3A_65 = arith.constant 1 : i32
    %add3A_66 = arith.addi %add3A_4, %add3A_65 : i32
    %jit3A_67 = arith.constant 2 : i32
    %div3A = arith.divsi %add3A_66, %jit3A_67 : i32
    %sign3A = arith.constant 0 : i32
    %sign3A_68 = arith.cmpi sgt, %add3A_66, %sign3A : i32
    %sign3A_69 = arith.extui %sign3A_68 : i1 to i32
    %sign3A_70 = arith.constant 0 : i32
    %sign3A_71 = arith.cmpi slt, %add3A_66, %sign3A_70 : i32
    %sign3A_72 = arith.extui %sign3A_71 : i1 to i32
    %sign3A_73 = arith.subi %sign3A_69, %sign3A_72 : i32
    %sign3A_74 = arith.constant 0 : i32
    %sign3A_75 = arith.cmpi sgt, %jit3A_67, %sign3A_74 : i32
    %sign3A_76 = arith.extui %sign3A_75 : i1 to i32
    %sign3A_77 = arith.constant 0 : i32
    %sign3A_78 = arith.cmpi slt, %jit3A_67, %sign3A_77 : i32
    %sign3A_79 = arith.extui %sign3A_78 : i1 to i32
    %sign3A_80 = arith.subi %sign3A_76, %sign3A_79 : i32
    %ne3A = arith.cmpi ne, %sign3A_73, %sign3A_80 : i32
    %rem3A = arith.remsi %add3A_66, %jit3A_67 : i32
    %ne3A_81 = arith.constant 0 : i32
    %ne3A_82 = arith.cmpi ne, %rem3A, %ne3A_81 : i32
    %and3A = arith.andi %ne3A, %ne3A_82 : i1
    %sub3A = arith.constant 1 : i32
    %sub3A_83 = arith.subi %div3A, %sub3A : i32
    %select_n3A_84 = arith.select %and3A, %sub3A_83, %div3A : i32
    %sub3A_85 = arith.constant 0 : i32
    %sub3A_86 = arith.subi %select_n3A_84, %sub3A_85 : i32
    %sub3A_87 = arith.constant 1 : i32
    %sub3A_88 = arith.constant 1 : i32
    %sub3A_89 = arith.subi %sub3A_87, %sub3A_88 : i32
    %add3A_90 = arith.addi %sub3A_86, %sub3A_89 : i32
    %div3A_91 = arith.constant 1 : i32
    %div3A_92 = arith.divsi %add3A_90, %div3A_91 : i32
    %while3A = arith.constant 1 : i32
    %while3A_93 = arith.constant 0 : i32
    %while3A_94 = arith.constant 0 : i32
    %while3A_95 = arith.subi %div3A_92, %while3A_94 : i32
    %while3A_96 = arith.addi %while3A_94, %while3A_95 : i32
    %while3A_97 = arith.constant 1 : i32
    %while3A_98 = arith.divsi %while3A_95, %while3A_97 : i32
    %while3A_99 = arith.muli %while3A_98, %while3A_97 : i32
    %while3A_100 = arith.addi %while3A_94, %while3A_99 : i32
    %while3A_101 = arith.constant 1 : i32
    scf.for %while3A_116 = %while3A_94 to %while3A_100 step %while3A_101  : i32 {
      %mul3A_117 = arith.muli %while3A_116, %while3A : i32
      %add3A_118 = arith.addi %while3A_93, %mul3A_117 : i32
      %mul3A_119 = arith.constant 2 : i32
      %mul3A_120 = arith.muli %mul3A_119, %add3A_118 : i32
      %dma_wait3A_121 = arith.constant 0 : i32
      %dma_wait3A_122 = arith.constant 0 : i32
      %dma_wait3A_123 = tpu.memref_slice %arg2[%dma_wait3A_121, %dma_wait3A_122] : memref<10000x128xf32, #tpu.memory_space<hbm>> -> memref<10000x128xf32, #tpu.memory_space<hbm>>
      tpu.wait_indirect_dma semaphore(%arg15 : memref<!tpu.dma_semaphore, #tpu.memory_space<semaphore_mem>>) src(%dma_wait3A_123 : memref<10000x128xf32, #tpu.memory_space<hbm>>) dst(%arg12 : memref<128x128xf32, #tpu.memory_space<vmem>>)
      %add3A_124 = arith.constant 1 : i32
      %add3A_125 = arith.addi %mul3A_120, %add3A_124 : i32
      %lt3A_126 = arith.cmpi slt, %add3A_125, %add3A_4 : i32
      %convert_element_type3A_127 = arith.extui %lt3A_126 : i1 to i32
      %cond3A_128 = arith.constant 0 : i32
      %cond3A_129 = arith.cmpi ne, %convert_element_type3A_127, %cond3A_128 : i32
      scf.if %cond3A_129 {
        %dma_wait3A_163 = arith.constant 0 : i32
        %dma_wait3A_164 = arith.constant 0 : i32
        %dma_wait3A_165 = tpu.memref_slice %arg3[%dma_wait3A_163, %dma_wait3A_164] : memref<2x320000xi32, #tpu.memory_space<hbm>> -> memref<1x128xi32, #tpu.memory_space<hbm>>
        %dma_wait3A_166 = tpu.memref_squeeze %dma_wait3A_165 : memref<1x128xi32, #tpu.memory_space<hbm>> -> memref<128xi32, #tpu.memory_space<hbm>>
        %dma_wait3A_167 = arith.constant 0 : i32
        %dma_wait3A_168 = tpu.memref_slice %arg3[%dma_wait3A_163, %dma_wait3A_167] : memref<2x320000xi32, #tpu.memory_space<hbm>> -> memref<1x128xi32, #tpu.memory_space<hbm>>
        %dma_wait3A_169 = tpu.memref_squeeze %dma_wait3A_168 : memref<1x128xi32, #tpu.memory_space<hbm>> -> memref<128xi32, #tpu.memory_space<hbm>>
        tpu.wait_dma2 semaphore(%arg18 : memref<!tpu.dma_semaphore, #tpu.memory_space<semaphore_mem>>) src(%dma_wait3A_169 : memref<128xi32, #tpu.memory_space<hbm>>) dst(%arg7 : memref<128xi32, #tpu.memory_space<vmem>>)
        %dma_wait3A_170 = arith.constant 0 : i32
        %dma_wait3A_171 = tpu.memref_slice %arg4[%dma_wait3A_170] : memref<320000xf32, #tpu.memory_space<hbm>> -> memref<128xf32, #tpu.memory_space<hbm>>
        %dma_wait3A_172 = arith.constant 0 : i32
        %dma_wait3A_173 = tpu.memref_slice %arg4[%dma_wait3A_172] : memref<320000xf32, #tpu.memory_space<hbm>> -> memref<128xf32, #tpu.memory_space<hbm>>
        tpu.wait_dma2 semaphore(%arg18 : memref<!tpu.dma_semaphore, #tpu.memory_space<semaphore_mem>>) src(%dma_wait3A_173 : memref<128xf32, #tpu.memory_space<hbm>>) dst(%arg11 : memref<128xf32, #tpu.memory_space<vmem>>)
        %gt3A_174 = arith.constant 0 : i32
        %gt3A_175 = arith.cmpi sgt, %add3A_118, %gt3A_174 : i32
        %convert_element_type3A_176 = arith.extui %gt3A_175 : i1 to i32
        %cond3A_177 = arith.constant 0 : i32
        %cond3A_178 = arith.cmpi ne, %convert_element_type3A_176, %cond3A_177 : i32
        scf.if %cond3A_178 {
          %dma_wait3A_192 = arith.constant 0 : i32
          %dma_wait3A_193 = arith.constant 0 : i32
          %dma_wait3A_194 = tpu.memref_slice %arg14[%dma_wait3A_192, %dma_wait3A_193] : memref<10240x128xf32, #tpu.memory_space<vmem_shared>> -> memref<10240x128xf32, #tpu.memory_space<vmem_shared>>
          tpu.wait_indirect_dma semaphore(%arg22 : memref<!tpu.dma_semaphore, #tpu.memory_space<semaphore_mem>>) src(%arg13 : memref<128x128xf32, #tpu.memory_space<vmem>>) dst(%dma_wait3A_194 : memref<10240x128xf32, #tpu.memory_space<vmem_shared>>)
        } else {
        }
        %add3A_179 = arith.addi %add3A_8, %mul3A_120 : i32
        %add3A_180 = arith.constant 1 : i32
        %add3A_181 = arith.addi %add3A_179, %add3A_180 : i32
        %mul3A_182 = arith.constant 128 : i32
        %mul3A_183 = arith.muli %add3A_181, %mul3A_182 : i32
        %dma_start3A_184 = arith.constant 1 : i32
        %dma_start3A_185 = tpu.memref_slice %arg3[%dma_start3A_184, %mul3A_183] : memref<2x320000xi32, #tpu.memory_space<hbm>> -> memref<1x128xi32, #tpu.memory_space<hbm>>
        %dma_start3A_186 = tpu.memref_squeeze %dma_start3A_185 : memref<1x128xi32, #tpu.memory_space<hbm>> -> memref<128xi32, #tpu.memory_space<hbm>>
        %dma_start3A_187 = tpu.memref_slice %arg3[%dma_start3A_184, %mul3A_183] : memref<2x320000xi32, #tpu.memory_space<hbm>> -> memref<1x128xi32, #tpu.memory_space<hbm>>
        %dma_start3A_188 = tpu.memref_squeeze %dma_start3A_187 : memref<1x128xi32, #tpu.memory_space<hbm>> -> memref<128xi32, #tpu.memory_space<hbm>>
        tpu.enqueue_dma source(%dma_start3A_188 : memref<128xi32, #tpu.memory_space<hbm>>) target(%arg9 : memref<128xi32, #tpu.memory_space<vmem>>) target_semaphore(%arg20 : memref<!tpu.dma_semaphore, #tpu.memory_space<semaphore_mem>>)
        %dma_start3A_189 = arith.constant 0 : i32
        %dma_start3A_190 = arith.constant 0 : i32
        %dma_start3A_191 = tpu.memref_slice %arg2[%dma_start3A_189, %dma_start3A_190] : memref<10000x128xf32, #tpu.memory_space<hbm>> -> memref<10000x128xf32, #tpu.memory_space<hbm>>
        tpu.enqueue_indirect_dma source(%dma_start3A_191 : memref<10000x128xf32, #tpu.memory_space<hbm>>) target(%arg13 : memref<128x128xf32, #tpu.memory_space<vmem>>) offsets(%arg7 : memref<128xi32, #tpu.memory_space<vmem>>) semaphore(%arg16 : memref<!tpu.dma_semaphore, #tpu.memory_space<semaphore_mem>>)
      } else {
      }
      %scan3A_130 = arith.constant 0 : i32
      %scan3A_131 = arith.constant 128 : i32
      %scan3A_132 = arith.addi %scan3A_130, %scan3A_131 : i32
      %scan3A_133 = arith.constant 4 : i32
      scf.for %scan3A_163 = %scan3A_130 to %scan3A_132 step %scan3A_133  : i32 {
        %mul3A_164 = arith.constant 1 : i32
        %mul3A_165 = arith.muli %scan3A_163, %mul3A_164 : i32
        %add3A_166 = arith.constant 0 : i32
        %add3A_167 = arith.addi %add3A_166, %mul3A_165 : i32
        %broadcast_in_dim3A = vector.broadcast %add3A_167 : i32 to vector<16xi32>
        %gather3A = tpu.vector_load_idx %arg10[%broadcast_in_dim3A] : memref<128xf32, #tpu.memory_space<vmem>>[vector<16xi32>], vector<16xf32>,
        %get3A = arith.index_cast %add3A_167 : i32 to index
        %get3A_168 = arith.constant 0 : index
        %get3A_169 = tpu.vector_load %arg12[%get3A, %get3A_168] {strides = array<i32>} : memref<128x128xf32, #tpu.memory_space<vmem>>, vector<16xf32>,
        %mul3A_170 = arith.mulf %get3A_169, %gather3A : vector<16xf32>
        %swap3A = arith.index_cast %add3A_167 : i32 to index
        %swap3A_171 = arith.constant 0 : index
        %swap3A_172 = tpu.vector_load %arg12[%swap3A, %swap3A_171] {strides = array<i32>} : memref<128x128xf32, #tpu.memory_space<vmem>>, vector<16xf32>,
        tpu.vector_store %arg12[%swap3A, %swap3A_171], %mul3A_170 {strides = array<i32>} : memref<128x128xf32, #tpu.memory_space<vmem>>, vector<16xf32>,
        %get3A_173 = arith.index_cast %add3A_167 : i32 to index
        %get3A_174 = arith.constant 16 : index
        %get3A_175 = tpu.vector_load %arg12[%get3A_173, %get3A_174] {strides = array<i32>} : memref<128x128xf32, #tpu.memory_space<vmem>>, vector<16xf32>,
        %mul3A_176 = arith.mulf %get3A_175, %gather3A : vector<16xf32>
        %swap3A_177 = arith.index_cast %add3A_167 : i32 to index
        %swap3A_178 = arith.constant 16 : index
        %swap3A_179 = tpu.vector_load %arg12[%swap3A_177, %swap3A_178] {strides = array<i32>} : memref<128x128xf32, #tpu.memory_space<vmem>>, vector<16xf32>,
        tpu.vector_store %arg12[%swap3A_177, %swap3A_178], %mul3A_176 {strides = array<i32>} : memref<128x128xf32, #tpu.memory_space<vmem>>, vector<16xf32>,
        %get3A_180 = arith.index_cast %add3A_167 : i32 to index
        %get3A_181 = arith.constant 32 : index
        %get3A_182 = tpu.vector_load %arg12[%get3A_180, %get3A_181] {strides = array<i32>} : memref<128x128xf32, #tpu.memory_space<vmem>>, vector<16xf32>,
        %mul3A_183 = arith.mulf %get3A_182, %gather3A : vector<16xf32>
        %swap3A_184 = arith.index_cast %add3A_167 : i32 to index
        %swap3A_185 = arith.constant 32 : index
        %swap3A_186 = tpu.vector_load %arg12[%swap3A_184, %swap3A_185] {strides = array<i32>} : memref<128x128xf32, #tpu.memory_space<vmem>>, vector<16xf32>,
        tpu.vector_store %arg12[%swap3A_184, %swap3A_185], %mul3A_183 {strides = array<i32>} : memref<128x128xf32, #tpu.memory_space<vmem>>, vector<16xf32>,
        %get3A_187 = arith.index_cast %add3A_167 : i32 to index
        %get3A_188 = arith.constant 48 : index
        %get3A_189 = tpu.vector_load %arg12[%get3A_187, %get3A_188] {strides = array<i32>} : memref<128x128xf32, #tpu.memory_space<vmem>>, vector<16xf32>,
        %mul3A_190 = arith.mulf %get3A_189, %gather3A : vector<16xf32>
        %swap3A_191 = arith.index_cast %add3A_167 : i32 to index
        %swap3A_192 = arith.constant 48 : index
        %swap3A_193 = tpu.vector_load %arg12[%swap3A_191, %swap3A_192] {strides = array<i32>} : memref<128x128xf32, #tpu.memory_space<vmem>>, vector<16xf32>,
        tpu.vector_store %arg12[%swap3A_191, %swap3A_192], %mul3A_190 {strides = array<i32>} : memref<128x128xf32, #tpu.memory_space<vmem>>, vector<16xf32>,
        %get3A_194 = arith.index_cast %add3A_167 : i32 to index
        %get3A_195 = arith.constant 64 : index
        %get3A_196 = tpu.vector_load %arg12[%get3A_194, %get3A_195] {strides = array<i32>} : memref<128x128xf32, #tpu.memory_space<vmem>>, vector<16xf32>,
        %mul3A_197 = arith.mulf %get3A_196, %gather3A : vector<16xf32>
        %swap3A_198 = arith.index_cast %add3A_167 : i32 to index
        %swap3A_199 = arith.constant 64 : index
        %swap3A_200 = tpu.vector_load %arg12[%swap3A_198, %swap3A_199] {strides = array<i32>} : memref<128x128xf32, #tpu.memory_space<vmem>>, vector<16xf32>,
        tpu.vector_store %arg12[%swap3A_198, %swap3A_199], %mul3A_197 {strides = array<i32>} : memref<128x128xf32, #tpu.memory_space<vmem>>, vector<16xf32>,
        %get3A_201 = arith.index_cast %add3A_167 : i32 to index
        %get3A_202 = arith.constant 80 : index
        %get3A_203 = tpu.vector_load %arg12[%get3A_201, %get3A_202] {strides = array<i32>} : memref<128x128xf32, #tpu.memory_space<vmem>>, vector<16xf32>,
        %mul3A_204 = arith.mulf %get3A_203, %gather3A : vector<16xf32>
        %swap3A_205 = arith.index_cast %add3A_167 : i32 to index
        %swap3A_206 = arith.constant 80 : index
        %swap3A_207 = tpu.vector_load %arg12[%swap3A_205, %swap3A_206] {strides = array<i32>} : memref<128x128xf32, #tpu.memory_space<vmem>>, vector<16xf32>,
        tpu.vector_store %arg12[%swap3A_205, %swap3A_206], %mul3A_204 {strides = array<i32>} : memref<128x128xf32, #tpu.memory_space<vmem>>, vector<16xf32>,
        %get3A_208 = arith.index_cast %add3A_167 : i32 to index
        %get3A_209 = arith.constant 96 : index
        %get3A_210 = tpu.vector_load %arg12[%get3A_208, %get3A_209] {strides = array<i32>} : memref<128x128xf32, #tpu.memory_space<vmem>>, vector<16xf32>,
        %mul3A_211 = arith.mulf %get3A_210, %gather3A : vector<16xf32>
        %swap3A_212 = arith.index_cast %add3A_167 : i32 to index
        %swap3A_213 = arith.constant 96 : index
        %swap3A_214 = tpu.vector_load %arg12[%swap3A_212, %swap3A_213] {strides = array<i32>} : memref<128x128xf32, #tpu.memory_space<vmem>>, vector<16xf32>,
        tpu.vector_store %arg12[%swap3A_212, %swap3A_213], %mul3A_211 {strides = array<i32>} : memref<128x128xf32, #tpu.memory_space<vmem>>, vector<16xf32>,
        %get3A_215 = arith.index_cast %add3A_167 : i32 to index
        %get3A_216 = arith.constant 112 : index
        %get3A_217 = tpu.vector_load %arg12[%get3A_215, %get3A_216] {strides = array<i32>} : memref<128x128xf32, #tpu.memory_space<vmem>>, vector<16xf32>,
        %mul3A_218 = arith.mulf %get3A_217, %gather3A : vector<16xf32>
        %swap3A_219 = arith.index_cast %add3A_167 : i32 to index
        %swap3A_220 = arith.constant 112 : index
        %swap3A_221 = tpu.vector_load %arg12[%swap3A_219, %swap3A_220] {strides = array<i32>} : memref<128x128xf32, #tpu.memory_space<vmem>>, vector<16xf32>,
        tpu.vector_store %arg12[%swap3A_219, %swap3A_220], %mul3A_218 {strides = array<i32>} : memref<128x128xf32, #tpu.memory_space<vmem>>, vector<16xf32>,
        %scan3A_222 = arith.constant 1 : i32
        %scan3A_223 = arith.addi %scan3A_163, %scan3A_222 : i32
        %mul3A_224 = arith.constant 1 : i32
        %mul3A_225 = arith.muli %scan3A_223, %mul3A_224 : i32
        %add3A_226 = arith.constant 0 : i32
        %add3A_227 = arith.addi %add3A_226, %mul3A_225 : i32
        %broadcast_in_dim3A_228 = vector.broadcast %add3A_227 : i32 to vector<16xi32>
        %gather3A_229 = tpu.vector_load_idx %arg10[%broadcast_in_dim3A_228] : memref<128xf32, #tpu.memory_space<vmem>>[vector<16xi32>], vector<16xf32>,
        %get3A_230 = arith.index_cast %add3A_227 : i32 to index
        %get3A_231 = arith.constant 0 : index
        %get3A_232 = tpu.vector_load %arg12[%get3A_230, %get3A_231] {strides = array<i32>} : memref<128x128xf32, #tpu.memory_space<vmem>>, vector<16xf32>,
        %mul3A_233 = arith.mulf %get3A_232, %gather3A_229 : vector<16xf32>
        %swap3A_234 = arith.index_cast %add3A_227 : i32 to index
        %swap3A_235 = arith.constant 0 : index
        %swap3A_236 = tpu.vector_load %arg12[%swap3A_234, %swap3A_235] {strides = array<i32>} : memref<128x128xf32, #tpu.memory_space<vmem>>, vector<16xf32>,
        tpu.vector_store %arg12[%swap3A_234, %swap3A_235], %mul3A_233 {strides = array<i32>} : memref<128x128xf32, #tpu.memory_space<vmem>>, vector<16xf32>,
        %get3A_237 = arith.index_cast %add3A_227 : i32 to index
        %get3A_238 = arith.constant 16 : index
        %get3A_239 = tpu.vector_load %arg12[%get3A_237, %get3A_238] {strides = array<i32>} : memref<128x128xf32, #tpu.memory_space<vmem>>, vector<16xf32>,
        %mul3A_240 = arith.mulf %get3A_239, %gather3A_229 : vector<16xf32>
        %swap3A_241 = arith.index_cast %add3A_227 : i32 to index
        %swap3A_242 = arith.constant 16 : index
        %swap3A_243 = tpu.vector_load %arg12[%swap3A_241, %swap3A_242] {strides = array<i32>} : memref<128x128xf32, #tpu.memory_space<vmem>>, vector<16xf32>,
        tpu.vector_store %arg12[%swap3A_241, %swap3A_242], %mul3A_240 {strides = array<i32>} : memref<128x128xf32, #tpu.memory_space<vmem>>, vector<16xf32>,
        %get3A_244 = arith.index_cast %add3A_227 : i32 to index
        %get3A_245 = arith.constant 32 : index
        %get3A_246 = tpu.vector_load %arg12[%get3A_244, %get3A_245] {strides = array<i32>} : memref<128x128xf32, #tpu.memory_space<vmem>>, vector<16xf32>,
        %mul3A_247 = arith.mulf %get3A_246, %gather3A_229 : vector<16xf32>
        %swap3A_248 = arith.index_cast %add3A_227 : i32 to index
        %swap3A_249 = arith.constant 32 : index
        %swap3A_250 = tpu.vector_load %arg12[%swap3A_248, %swap3A_249] {strides = array<i32>} : memref<128x128xf32, #tpu.memory_space<vmem>>, vector<16xf32>,
        tpu.vector_store %arg12[%swap3A_248, %swap3A_249], %mul3A_247 {strides = array<i32>} : memref<128x128xf32, #tpu.memory_space<vmem>>, vector<16xf32>,
        %get3A_251 = arith.index_cast %add3A_227 : i32 to index
        %get3A_252 = arith.constant 48 : index
        %get3A_253 = tpu.vector_load %arg12[%get3A_251, %get3A_252] {strides = array<i32>} : memref<128x128xf32, #tpu.memory_space<vmem>>, vector<16xf32>,
        %mul3A_254 = arith.mulf %get3A_253, %gather3A_229 : vector<16xf32>
        %swap3A_255 = arith.index_cast %add3A_227 : i32 to index
        %swap3A_256 = arith.constant 48 : index
        %swap3A_257 = tpu.vector_load %arg12[%swap3A_255, %swap3A_256] {strides = array<i32>} : memref<128x128xf32, #tpu.memory_space<vmem>>, vector<16xf32>,
        tpu.vector_store %arg12[%swap3A_255, %swap3A_256], %mul3A_254 {strides = array<i32>} : memref<128x128xf32, #tpu.memory_space<vmem>>, vector<16xf32>,
        %get3A_258 = arith.index_cast %add3A_227 : i32 to index
        %get3A_259 = arith.constant 64 : index
        %get3A_260 = tpu.vector_load %arg12[%get3A_258, %get3A_259] {strides = array<i32>} : memref<128x128xf32, #tpu.memory_space<vmem>>, vector<16xf32>,
        %mul3A_261 = arith.mulf %get3A_260, %gather3A_229 : vector<16xf32>
        %swap3A_262 = arith.index_cast %add3A_227 : i32 to index
        %swap3A_263 = arith.constant 64 : index
        %swap3A_264 = tpu.vector_load %arg12[%swap3A_262, %swap3A_263] {strides = array<i32>} : memref<128x128xf32, #tpu.memory_space<vmem>>, vector<16xf32>,
        tpu.vector_store %arg12[%swap3A_262, %swap3A_263], %mul3A_261 {strides = array<i32>} : memref<128x128xf32, #tpu.memory_space<vmem>>, vector<16xf32>,
        %get3A_265 = arith.index_cast %add3A_227 : i32 to index
        %get3A_266 = arith.constant 80 : index
        %get3A_267 = tpu.vector_load %arg12[%get3A_265, %get3A_266] {strides = array<i32>} : memref<128x128xf32, #tpu.memory_space<vmem>>, vector<16xf32>,
        %mul3A_268 = arith.mulf %get3A_267, %gather3A_229 : vector<16xf32>
        %swap3A_269 = arith.index_cast %add3A_227 : i32 to index
        %swap3A_270 = arith.constant 80 : index
        %swap3A_271 = tpu.vector_load %arg12[%swap3A_269, %swap3A_270] {strides = array<i32>} : memref<128x128xf32, #tpu.memory_space<vmem>>, vector<16xf32>,
        tpu.vector_store %arg12[%swap3A_269, %swap3A_270], %mul3A_268 {strides = array<i32>} : memref<128x128xf32, #tpu.memory_space<vmem>>, vector<16xf32>,
        %get3A_272 = arith.index_cast %add3A_227 : i32 to index
        %get3A_273 = arith.constant 96 : index
        %get3A_274 = tpu.vector_load %arg12[%get3A_272, %get3A_273] {strides = array<i32>} : memref<128x128xf32, #tpu.memory_space<vmem>>, vector<16xf32>,
        %mul3A_275 = arith.mulf %get3A_274, %gather3A_229 : vector<16xf32>
        %swap3A_276 = arith.index_cast %add3A_227 : i32 to index
        %swap3A_277 = arith.constant 96 : index
        %swap3A_278 = tpu.vector_load %arg12[%swap3A_276, %swap3A_277] {strides = array<i32>} : memref<128x128xf32, #tpu.memory_space<vmem>>, vector<16xf32>,
        tpu.vector_store %arg12[%swap3A_276, %swap3A_277], %mul3A_275 {strides = array<i32>} : memref<128x128xf32, #tpu.memory_space<vmem>>, vector<16xf32>,
        %get3A_279 = arith.index_cast %add3A_227 : i32 to index
        %get3A_280 = arith.constant 112 : index
        %get3A_281 = tpu.vector_load %arg12[%get3A_279, %get3A_280] {strides = array<i32>} : memref<128x128xf32, #tpu.memory_space<vmem>>, vector<16xf32>,
        %mul3A_282 = arith.mulf %get3A_281, %gather3A_229 : vector<16xf32>
        %swap3A_283 = arith.index_cast %add3A_227 : i32 to index
        %swap3A_284 = arith.constant 112 : index
        %swap3A_285 = tpu.vector_load %arg12[%swap3A_283, %swap3A_284] {strides = array<i32>} : memref<128x128xf32, #tpu.memory_space<vmem>>, vector<16xf32>,
        tpu.vector_store %arg12[%swap3A_283, %swap3A_284], %mul3A_282 {strides = array<i32>} : memref<128x128xf32, #tpu.memory_space<vmem>>, vector<16xf32>,
        %scan3A_286 = arith.constant 2 : i32
        %scan3A_287 = arith.addi %scan3A_163, %scan3A_286 : i32
        %mul3A_288 = arith.constant 1 : i32
        %mul3A_289 = arith.muli %scan3A_287, %mul3A_288 : i32
        %add3A_290 = arith.constant 0 : i32
        %add3A_291 = arith.addi %add3A_290, %mul3A_289 : i32
        %broadcast_in_dim3A_292 = vector.broadcast %add3A_291 : i32 to vector<16xi32>
        %gather3A_293 = tpu.vector_load_idx %arg10[%broadcast_in_dim3A_292] : memref<128xf32, #tpu.memory_space<vmem>>[vector<16xi32>], vector<16xf32>,
        %get3A_294 = arith.index_cast %add3A_291 : i32 to index
        %get3A_295 = arith.constant 0 : index
        %get3A_296 = tpu.vector_load %arg12[%get3A_294, %get3A_295] {strides = array<i32>} : memref<128x128xf32, #tpu.memory_space<vmem>>, vector<16xf32>,
        %mul3A_297 = arith.mulf %get3A_296, %gather3A_293 : vector<16xf32>
        %swap3A_298 = arith.index_cast %add3A_291 : i32 to index
        %swap3A_299 = arith.constant 0 : index
        %swap3A_300 = tpu.vector_load %arg12[%swap3A_298, %swap3A_299] {strides = array<i32>} : memref<128x128xf32, #tpu.memory_space<vmem>>, vector<16xf32>,
        tpu.vector_store %arg12[%swap3A_298, %swap3A_299], %mul3A_297 {strides = array<i32>} : memref<128x128xf32, #tpu.memory_space<vmem>>, vector<16xf32>,
        %get3A_301 = arith.index_cast %add3A_291 : i32 to index
        %get3A_302 = arith.constant 16 : index
        %get3A_303 = tpu.vector_load %arg12[%get3A_301, %get3A_302] {strides = array<i32>} : memref<128x128xf32, #tpu.memory_space<vmem>>, vector<16xf32>,
        %mul3A_304 = arith.mulf %get3A_303, %gather3A_293 : vector<16xf32>
        %swap3A_305 = arith.index_cast %add3A_291 : i32 to index
        %swap3A_306 = arith.constant 16 : index
        %swap3A_307 = tpu.vector_load %arg12[%swap3A_305, %swap3A_306] {strides = array<i32>} : memref<128x128xf32, #tpu.memory_space<vmem>>, vector<16xf32>,
        tpu.vector_store %arg12[%swap3A_305, %swap3A_306], %mul3A_304 {strides = array<i32>} : memref<128x128xf32, #tpu.memory_space<vmem>>, vector<16xf32>,
        %get3A_308 = arith.index_cast %add3A_291 : i32 to index
        %get3A_309 = arith.constant 32 : index
        %get3A_310 = tpu.vector_load %arg12[%get3A_308, %get3A_309] {strides = array<i32>} : memref<128x128xf32, #tpu.memory_space<vmem>>, vector<16xf32>,
        %mul3A_311 = arith.mulf %get3A_310, %gather3A_293 : vector<16xf32>
        %swap3A_312 = arith.index_cast %add3A_291 : i32 to index
        %swap3A_313 = arith.constant 32 : index
        %swap3A_314 = tpu.vector_load %arg12[%swap3A_312, %swap3A_313] {strides = array<i32>} : memref<128x128xf32, #tpu.memory_space<vmem>>, vector<16xf32>,
        tpu.vector_store %arg12[%swap3A_312, %swap3A_313], %mul3A_311 {strides = array<i32>} : memref<128x128xf32, #tpu.memory_space<vmem>>, vector<16xf32>,
        %get3A_315 = arith.index_cast %add3A_291 : i32 to index
        %get3A_316 = arith.constant 48 : index
        %get3A_317 = tpu.vector_load %arg12[%get3A_315, %get3A_316] {strides = array<i32>} : memref<128x128xf32, #tpu.memory_space<vmem>>, vector<16xf32>,
        %mul3A_318 = arith.mulf %get3A_317, %gather3A_293 : vector<16xf32>
        %swap3A_319 = arith.index_cast %add3A_291 : i32 to index
        %swap3A_320 = arith.constant 48 : index
        %swap3A_321 = tpu.vector_load %arg12[%swap3A_319, %swap3A_320] {strides = array<i32>} : memref<128x128xf32, #tpu.memory_space<vmem>>, vector<16xf32>,
        tpu.vector_store %arg12[%swap3A_319, %swap3A_320], %mul3A_318 {strides = array<i32>} : memref<128x128xf32, #tpu.memory_space<vmem>>, vector<16xf32>,
        %get3A_322 = arith.index_cast %add3A_291 : i32 to index
        %get3A_323 = arith.constant 64 : index
        %get3A_324 = tpu.vector_load %arg12[%get3A_322, %get3A_323] {strides = array<i32>} : memref<128x128xf32, #tpu.memory_space<vmem>>, vector<16xf32>,
        %mul3A_325 = arith.mulf %get3A_324, %gather3A_293 : vector<16xf32>
        %swap3A_326 = arith.index_cast %add3A_291 : i32 to index
        %swap3A_327 = arith.constant 64 : index
        %swap3A_328 = tpu.vector_load %arg12[%swap3A_326, %swap3A_327] {strides = array<i32>} : memref<128x128xf32, #tpu.memory_space<vmem>>, vector<16xf32>,
        tpu.vector_store %arg12[%swap3A_326, %swap3A_327], %mul3A_325 {strides = array<i32>} : memref<128x128xf32, #tpu.memory_space<vmem>>, vector<16xf32>,
        %get3A_329 = arith.index_cast %add3A_291 : i32 to index
        %get3A_330 = arith.constant 80 : index
        %get3A_331 = tpu.vector_load %arg12[%get3A_329, %get3A_330] {strides = array<i32>} : memref<128x128xf32, #tpu.memory_space<vmem>>, vector<16xf32>,
        %mul3A_332 = arith.mulf %get3A_331, %gather3A_293 : vector<16xf32>
        %swap3A_333 = arith.index_cast %add3A_291 : i32 to index
        %swap3A_334 = arith.constant 80 : index
        %swap3A_335 = tpu.vector_load %arg12[%swap3A_333, %swap3A_334] {strides = array<i32>} : memref<128x128xf32, #tpu.memory_space<vmem>>, vector<16xf32>,
        tpu.vector_store %arg12[%swap3A_333, %swap3A_334], %mul3A_332 {strides = array<i32>} : memref<128x128xf32, #tpu.memory_space<vmem>>, vector<16xf32>,
        %get3A_336 = arith.index_cast %add3A_291 : i32 to index
        %get3A_337 = arith.constant 96 : index
        %get3A_338 = tpu.vector_load %arg12[%get3A_336, %get3A_337] {strides = array<i32>} : memref<128x128xf32, #tpu.memory_space<vmem>>, vector<16xf32>,
        %mul3A_339 = arith.mulf %get3A_338, %gather3A_293 : vector<16xf32>
        %swap3A_340 = arith.index_cast %add3A_291 : i32 to index
        %swap3A_341 = arith.constant 96 : index
        %swap3A_342 = tpu.vector_load %arg12[%swap3A_340, %swap3A_341] {strides = array<i32>} : memref<128x128xf32, #tpu.memory_space<vmem>>, vector<16xf32>,
        tpu.vector_store %arg12[%swap3A_340, %swap3A_341], %mul3A_339 {strides = array<i32>} : memref<128x128xf32, #tpu.memory_space<vmem>>, vector<16xf32>,
        %get3A_343 = arith.index_cast %add3A_291 : i32 to index
        %get3A_344 = arith.constant 112 : index
        %get3A_345 = tpu.vector_load %arg12[%get3A_343, %get3A_344] {strides = array<i32>} : memref<128x128xf32, #tpu.memory_space<vmem>>, vector<16xf32>,
        %mul3A_346 = arith.mulf %get3A_345, %gather3A_293 : vector<16xf32>
        %swap3A_347 = arith.index_cast %add3A_291 : i32 to index
        %swap3A_348 = arith.constant 112 : index
        %swap3A_349 = tpu.vector_load %arg12[%swap3A_347, %swap3A_348] {strides = array<i32>} : memref<128x128xf32, #tpu.memory_space<vmem>>, vector<16xf32>,
        tpu.vector_store %arg12[%swap3A_347, %swap3A_348], %mul3A_346 {strides = array<i32>} : memref<128x128xf32, #tpu.memory_space<vmem>>, vector<16xf32>,
        %scan3A_350 = arith.constant 3 : i32
        %scan3A_351 = arith.addi %scan3A_163, %scan3A_350 : i32
        %mul3A_352 = arith.constant 1 : i32
        %mul3A_353 = arith.muli %scan3A_351, %mul3A_352 : i32
        %add3A_354 = arith.constant 0 : i32
        %add3A_355 = arith.addi %add3A_354, %mul3A_353 : i32
        %broadcast_in_dim3A_356 = vector.broadcast %add3A_355 : i32 to vector<16xi32>
        %gather3A_357 = tpu.vector_load_idx %arg10[%broadcast_in_dim3A_356] : memref<128xf32, #tpu.memory_space<vmem>>[vector<16xi32>], vector<16xf32>,
        %get3A_358 = arith.index_cast %add3A_355 : i32 to index
        %get3A_359 = arith.constant 0 : index
        %get3A_360 = tpu.vector_load %arg12[%get3A_358, %get3A_359] {strides = array<i32>} : memref<128x128xf32, #tpu.memory_space<vmem>>, vector<16xf32>,
        %mul3A_361 = arith.mulf %get3A_360, %gather3A_357 : vector<16xf32>
        %swap3A_362 = arith.index_cast %add3A_355 : i32 to index
        %swap3A_363 = arith.constant 0 : index
        %swap3A_364 = tpu.vector_load %arg12[%swap3A_362, %swap3A_363] {strides = array<i32>} : memref<128x128xf32, #tpu.memory_space<vmem>>, vector<16xf32>,
        tpu.vector_store %arg12[%swap3A_362, %swap3A_363], %mul3A_361 {strides = array<i32>} : memref<128x128xf32, #tpu.memory_space<vmem>>, vector<16xf32>,
        %get3A_365 = arith.index_cast %add3A_355 : i32 to index
        %get3A_366 = arith.constant 16 : index
        %get3A_367 = tpu.vector_load %arg12[%get3A_365, %get3A_366] {strides = array<i32>} : memref<128x128xf32, #tpu.memory_space<vmem>>, vector<16xf32>,
        %mul3A_368 = arith.mulf %get3A_367, %gather3A_357 : vector<16xf32>
        %swap3A_369 = arith.index_cast %add3A_355 : i32 to index
        %swap3A_370 = arith.constant 16 : index
        %swap3A_371 = tpu.vector_load %arg12[%swap3A_369, %swap3A_370] {strides = array<i32>} : memref<128x128xf32, #tpu.memory_space<vmem>>, vector<16xf32>,
        tpu.vector_store %arg12[%swap3A_369, %swap3A_370], %mul3A_368 {strides = array<i32>} : memref<128x128xf32, #tpu.memory_space<vmem>>, vector<16xf32>,
        %get3A_372 = arith.index_cast %add3A_355 : i32 to index
        %get3A_373 = arith.constant 32 : index
        %get3A_374 = tpu.vector_load %arg12[%get3A_372, %get3A_373] {strides = array<i32>} : memref<128x128xf32, #tpu.memory_space<vmem>>, vector<16xf32>,
        %mul3A_375 = arith.mulf %get3A_374, %gather3A_357 : vector<16xf32>
        %swap3A_376 = arith.index_cast %add3A_355 : i32 to index
        %swap3A_377 = arith.constant 32 : index
        %swap3A_378 = tpu.vector_load %arg12[%swap3A_376, %swap3A_377] {strides = array<i32>} : memref<128x128xf32, #tpu.memory_space<vmem>>, vector<16xf32>,
        tpu.vector_store %arg12[%swap3A_376, %swap3A_377], %mul3A_375 {strides = array<i32>} : memref<128x128xf32, #tpu.memory_space<vmem>>, vector<16xf32>,
        %get3A_379 = arith.index_cast %add3A_355 : i32 to index
        %get3A_380 = arith.constant 48 : index
        %get3A_381 = tpu.vector_load %arg12[%get3A_379, %get3A_380] {strides = array<i32>} : memref<128x128xf32, #tpu.memory_space<vmem>>, vector<16xf32>,
        %mul3A_382 = arith.mulf %get3A_381, %gather3A_357 : vector<16xf32>
        %swap3A_383 = arith.index_cast %add3A_355 : i32 to index
        %swap3A_384 = arith.constant 48 : index
        %swap3A_385 = tpu.vector_load %arg12[%swap3A_383, %swap3A_384] {strides = array<i32>} : memref<128x128xf32, #tpu.memory_space<vmem>>, vector<16xf32>,
        tpu.vector_store %arg12[%swap3A_383, %swap3A_384], %mul3A_382 {strides = array<i32>} : memref<128x128xf32, #tpu.memory_space<vmem>>, vector<16xf32>,
        %get3A_386 = arith.index_cast %add3A_355 : i32 to index
        %get3A_387 = arith.constant 64 : index
        %get3A_388 = tpu.vector_load %arg12[%get3A_386, %get3A_387] {strides = array<i32>} : memref<128x128xf32, #tpu.memory_space<vmem>>, vector<16xf32>,
        %mul3A_389 = arith.mulf %get3A_388, %gather3A_357 : vector<16xf32>
        %swap3A_390 = arith.index_cast %add3A_355 : i32 to index
        %swap3A_391 = arith.constant 64 : index
        %swap3A_392 = tpu.vector_load %arg12[%swap3A_390, %swap3A_391] {strides = array<i32>} : memref<128x128xf32, #tpu.memory_space<vmem>>, vector<16xf32>,
        tpu.vector_store %arg12[%swap3A_390, %swap3A_391], %mul3A_389 {strides = array<i32>} : memref<128x128xf32, #tpu.memory_space<vmem>>, vector<16xf32>,
        %get3A_393 = arith.index_cast %add3A_355 : i32 to index
        %get3A_394 = arith.constant 80 : index
        %get3A_395 = tpu.vector_load %arg12[%get3A_393, %get3A_394] {strides = array<i32>} : memref<128x128xf32, #tpu.memory_space<vmem>>, vector<16xf32>,
        %mul3A_396 = arith.mulf %get3A_395, %gather3A_357 : vector<16xf32>
        %swap3A_397 = arith.index_cast %add3A_355 : i32 to index
        %swap3A_398 = arith.constant 80 : index
        %swap3A_399 = tpu.vector_load %arg12[%swap3A_397, %swap3A_398] {strides = array<i32>} : memref<128x128xf32, #tpu.memory_space<vmem>>, vector<16xf32>,
        tpu.vector_store %arg12[%swap3A_397, %swap3A_398], %mul3A_396 {strides = array<i32>} : memref<128x128xf32, #tpu.memory_space<vmem>>, vector<16xf32>,
        %get3A_400 = arith.index_cast %add3A_355 : i32 to index
        %get3A_401 = arith.constant 96 : index
        %get3A_402 = tpu.vector_load %arg12[%get3A_400, %get3A_401] {strides = array<i32>} : memref<128x128xf32, #tpu.memory_space<vmem>>, vector<16xf32>,
        %mul3A_403 = arith.mulf %get3A_402, %gather3A_357 : vector<16xf32>
        %swap3A_404 = arith.index_cast %add3A_355 : i32 to index
        %swap3A_405 = arith.constant 96 : index
        %swap3A_406 = tpu.vector_load %arg12[%swap3A_404, %swap3A_405] {strides = array<i32>} : memref<128x128xf32, #tpu.memory_space<vmem>>, vector<16xf32>,
        tpu.vector_store %arg12[%swap3A_404, %swap3A_405], %mul3A_403 {strides = array<i32>} : memref<128x128xf32, #tpu.memory_space<vmem>>, vector<16xf32>,
        %get3A_407 = arith.index_cast %add3A_355 : i32 to index
        %get3A_408 = arith.constant 112 : index
        %get3A_409 = tpu.vector_load %arg12[%get3A_407, %get3A_408] {strides = array<i32>} : memref<128x128xf32, #tpu.memory_space<vmem>>, vector<16xf32>,
        %mul3A_410 = arith.mulf %get3A_409, %gather3A_357 : vector<16xf32>
        %swap3A_411 = arith.index_cast %add3A_355 : i32 to index
        %swap3A_412 = arith.constant 112 : index
        %swap3A_413 = tpu.vector_load %arg12[%swap3A_411, %swap3A_412] {strides = array<i32>} : memref<128x128xf32, #tpu.memory_space<vmem>>, vector<16xf32>,
        tpu.vector_store %arg12[%swap3A_411, %swap3A_412], %mul3A_410 {strides = array<i32>} : memref<128x128xf32, #tpu.memory_space<vmem>>, vector<16xf32>,
      }
      %scan3A_134 = arith.constant 128 : i32
      %dma_wait3A_135 = arith.constant 1 : i32
      %dma_wait3A_136 = arith.constant 0 : i32
      %dma_wait3A_137 = tpu.memref_slice %arg3[%dma_wait3A_135, %dma_wait3A_136] : memref<2x320000xi32, #tpu.memory_space<hbm>> -> memref<1x128xi32, #tpu.memory_space<hbm>>
      %dma_wait3A_138 = tpu.memref_squeeze %dma_wait3A_137 : memref<1x128xi32, #tpu.memory_space<hbm>> -> memref<128xi32, #tpu.memory_space<hbm>>
      %dma_wait3A_139 = arith.constant 0 : i32
      %dma_wait3A_140 = tpu.memref_slice %arg3[%dma_wait3A_135, %dma_wait3A_139] : memref<2x320000xi32, #tpu.memory_space<hbm>> -> memref<1x128xi32, #tpu.memory_space<hbm>>
      %dma_wait3A_141 = tpu.memref_squeeze %dma_wait3A_140 : memref<1x128xi32, #tpu.memory_space<hbm>> -> memref<128xi32, #tpu.memory_space<hbm>>
      tpu.wait_dma2 semaphore(%arg19 : memref<!tpu.dma_semaphore, #tpu.memory_space<semaphore_mem>>) src(%dma_wait3A_141 : memref<128xi32, #tpu.memory_space<hbm>>) dst(%arg8 : memref<128xi32, #tpu.memory_space<vmem>>)
      %dma_start3A_142 = arith.constant 0 : i32
      %dma_start3A_143 = arith.constant 0 : i32
      %dma_start3A_144 = tpu.memref_slice %arg14[%dma_start3A_142, %dma_start3A_143] : memref<10240x128xf32, #tpu.memory_space<vmem_shared>> -> memref<10240x128xf32, #tpu.memory_space<vmem_shared>>
      tpu.enqueue_indirect_dma source(%arg12 : memref<128x128xf32, #tpu.memory_space<vmem>>) target(%dma_start3A_144 : memref<10240x128xf32, #tpu.memory_space<vmem_shared>>) offsets(%arg8 : memref<128xi32, #tpu.memory_space<vmem>>) semaphore(%arg21 : memref<!tpu.dma_semaphore, #tpu.memory_space<semaphore_mem>>) {add = true}
      %add3A_145 = arith.constant 2 : i32
      %add3A_146 = arith.addi %mul3A_120, %add3A_145 : i32
      %lt3A_147 = arith.cmpi slt, %add3A_146, %add3A_4 : i32
      %convert_element_type3A_148 = arith.extui %lt3A_147 : i1 to i32
      %cond3A_149 = arith.constant 0 : i32
      %cond3A_150 = arith.cmpi ne, %convert_element_type3A_148, %cond3A_149 : i32
      scf.if %cond3A_150 {
        %add3A_163 = arith.addi %add3A_8, %mul3A_120 : i32
        %add3A_164 = arith.constant 2 : i32
        %add3A_165 = arith.addi %add3A_163, %add3A_164 : i32
        %mul3A_166 = arith.constant 128 : i32
        %mul3A_167 = arith.muli %add3A_165, %mul3A_166 : i32
        %dma_start3A_168 = arith.constant 0 : i32
        %dma_start3A_169 = tpu.memref_slice %arg3[%dma_start3A_168, %mul3A_167] : memref<2x320000xi32, #tpu.memory_space<hbm>> -> memref<1x128xi32, #tpu.memory_space<hbm>>
        %dma_start3A_170 = tpu.memref_squeeze %dma_start3A_169 : memref<1x128xi32, #tpu.memory_space<hbm>> -> memref<128xi32, #tpu.memory_space<hbm>>
        %dma_start3A_171 = tpu.memref_slice %arg3[%dma_start3A_168, %mul3A_167] : memref<2x320000xi32, #tpu.memory_space<hbm>> -> memref<1x128xi32, #tpu.memory_space<hbm>>
        %dma_start3A_172 = tpu.memref_squeeze %dma_start3A_171 : memref<1x128xi32, #tpu.memory_space<hbm>> -> memref<128xi32, #tpu.memory_space<hbm>>
        tpu.enqueue_dma source(%dma_start3A_172 : memref<128xi32, #tpu.memory_space<hbm>>) target(%arg6 : memref<128xi32, #tpu.memory_space<vmem>>) target_semaphore(%arg17 : memref<!tpu.dma_semaphore, #tpu.memory_space<semaphore_mem>>)
        %mul3A_173 = arith.constant 128 : i32
        %mul3A_174 = arith.muli %add3A_165, %mul3A_173 : i32
        %dma_start3A_175 = tpu.memref_slice %arg4[%mul3A_174] : memref<320000xf32, #tpu.memory_space<hbm>> -> memref<128xf32, #tpu.memory_space<hbm>>
        %dma_start3A_176 = tpu.memref_slice %arg4[%mul3A_174] : memref<320000xf32, #tpu.memory_space<hbm>> -> memref<128xf32, #tpu.memory_space<hbm>>
        tpu.enqueue_dma source(%dma_start3A_176 : memref<128xf32, #tpu.memory_space<hbm>>) target(%arg10 : memref<128xf32, #tpu.memory_space<vmem>>) target_semaphore(%arg17 : memref<!tpu.dma_semaphore, #tpu.memory_space<semaphore_mem>>)
      } else {
      }
      %add3A_151 = arith.constant 1 : i32
      %add3A_152 = arith.addi %mul3A_120, %add3A_151 : i32
      %lt3A_153 = arith.cmpi slt, %add3A_152, %add3A_4 : i32
      %convert_element_type3A_154 = arith.extui %lt3A_153 : i1 to i32
      %cond3A_155 = arith.constant 0 : i32
      %cond3A_156 = arith.cmpi ne, %convert_element_type3A_154, %cond3A_155 : i32
      scf.if %cond3A_156 {
        %dma_wait3A_163 = arith.constant 0 : i32
        %dma_wait3A_164 = arith.constant 0 : i32
        %dma_wait3A_165 = tpu.memref_slice %arg2[%dma_wait3A_163, %dma_wait3A_164] : memref<10000x128xf32, #tpu.memory_space<hbm>> -> memref<10000x128xf32, #tpu.memory_space<hbm>>
        tpu.wait_indirect_dma semaphore(%arg16 : memref<!tpu.dma_semaphore, #tpu.memory_space<semaphore_mem>>) src(%dma_wait3A_165 : memref<10000x128xf32, #tpu.memory_space<hbm>>) dst(%arg13 : memref<128x128xf32, #tpu.memory_space<vmem>>)
        %scan3A_166 = arith.constant 0 : i32
        %scan3A_167 = arith.constant 128 : i32
        %scan3A_168 = arith.addi %scan3A_166, %scan3A_167 : i32
        %scan3A_169 = arith.constant 4 : i32
        scf.for %scan3A_187 = %scan3A_166 to %scan3A_168 step %scan3A_169  : i32 {
          %mul3A_188 = arith.constant 1 : i32
          %mul3A_189 = arith.muli %scan3A_187, %mul3A_188 : i32
          %add3A_190 = arith.constant 0 : i32
          %add3A_191 = arith.addi %add3A_190, %mul3A_189 : i32
          %broadcast_in_dim3A = vector.broadcast %add3A_191 : i32 to vector<16xi32>
          %gather3A = tpu.vector_load_idx %arg11[%broadcast_in_dim3A] : memref<128xf32, #tpu.memory_space<vmem>>[vector<16xi32>], vector<16xf32>,
          %get3A = arith.index_cast %add3A_191 : i32 to index
          %get3A_192 = arith.constant 0 : index
          %get3A_193 = tpu.vector_load %arg13[%get3A, %get3A_192] {strides = array<i32>} : memref<128x128xf32, #tpu.memory_space<vmem>>, vector<16xf32>,
          %mul3A_194 = arith.mulf %get3A_193, %gather3A : vector<16xf32>
          %swap3A = arith.index_cast %add3A_191 : i32 to index
          %swap3A_195 = arith.constant 0 : index
          %swap3A_196 = tpu.vector_load %arg13[%swap3A, %swap3A_195] {strides = array<i32>} : memref<128x128xf32, #tpu.memory_space<vmem>>, vector<16xf32>,
          tpu.vector_store %arg13[%swap3A, %swap3A_195], %mul3A_194 {strides = array<i32>} : memref<128x128xf32, #tpu.memory_space<vmem>>, vector<16xf32>,
          %get3A_197 = arith.index_cast %add3A_191 : i32 to index
          %get3A_198 = arith.constant 16 : index
          %get3A_199 = tpu.vector_load %arg13[%get3A_197, %get3A_198] {strides = array<i32>} : memref<128x128xf32, #tpu.memory_space<vmem>>, vector<16xf32>,
          %mul3A_200 = arith.mulf %get3A_199, %gather3A : vector<16xf32>
          %swap3A_201 = arith.index_cast %add3A_191 : i32 to index
          %swap3A_202 = arith.constant 16 : index
          %swap3A_203 = tpu.vector_load %arg13[%swap3A_201, %swap3A_202] {strides = array<i32>} : memref<128x128xf32, #tpu.memory_space<vmem>>, vector<16xf32>,
          tpu.vector_store %arg13[%swap3A_201, %swap3A_202], %mul3A_200 {strides = array<i32>} : memref<128x128xf32, #tpu.memory_space<vmem>>, vector<16xf32>,
          %get3A_204 = arith.index_cast %add3A_191 : i32 to index
          %get3A_205 = arith.constant 32 : index
          %get3A_206 = tpu.vector_load %arg13[%get3A_204, %get3A_205] {strides = array<i32>} : memref<128x128xf32, #tpu.memory_space<vmem>>, vector<16xf32>,
          %mul3A_207 = arith.mulf %get3A_206, %gather3A : vector<16xf32>
          %swap3A_208 = arith.index_cast %add3A_191 : i32 to index
          %swap3A_209 = arith.constant 32 : index
          %swap3A_210 = tpu.vector_load %arg13[%swap3A_208, %swap3A_209] {strides = array<i32>} : memref<128x128xf32, #tpu.memory_space<vmem>>, vector<16xf32>,
          tpu.vector_store %arg13[%swap3A_208, %swap3A_209], %mul3A_207 {strides = array<i32>} : memref<128x128xf32, #tpu.memory_space<vmem>>, vector<16xf32>,
          %get3A_211 = arith.index_cast %add3A_191 : i32 to index
          %get3A_212 = arith.constant 48 : index
          %get3A_213 = tpu.vector_load %arg13[%get3A_211, %get3A_212] {strides = array<i32>} : memref<128x128xf32, #tpu.memory_space<vmem>>, vector<16xf32>,
          %mul3A_214 = arith.mulf %get3A_213, %gather3A : vector<16xf32>
          %swap3A_215 = arith.index_cast %add3A_191 : i32 to index
          %swap3A_216 = arith.constant 48 : index
          %swap3A_217 = tpu.vector_load %arg13[%swap3A_215, %swap3A_216] {strides = array<i32>} : memref<128x128xf32, #tpu.memory_space<vmem>>, vector<16xf32>,
          tpu.vector_store %arg13[%swap3A_215, %swap3A_216], %mul3A_214 {strides = array<i32>} : memref<128x128xf32, #tpu.memory_space<vmem>>, vector<16xf32>,
          %get3A_218 = arith.index_cast %add3A_191 : i32 to index
          %get3A_219 = arith.constant 64 : index
          %get3A_220 = tpu.vector_load %arg13[%get3A_218, %get3A_219] {strides = array<i32>} : memref<128x128xf32, #tpu.memory_space<vmem>>, vector<16xf32>,
          %mul3A_221 = arith.mulf %get3A_220, %gather3A : vector<16xf32>
          %swap3A_222 = arith.index_cast %add3A_191 : i32 to index
          %swap3A_223 = arith.constant 64 : index
          %swap3A_224 = tpu.vector_load %arg13[%swap3A_222, %swap3A_223] {strides = array<i32>} : memref<128x128xf32, #tpu.memory_space<vmem>>, vector<16xf32>,
          tpu.vector_store %arg13[%swap3A_222, %swap3A_223], %mul3A_221 {strides = array<i32>} : memref<128x128xf32, #tpu.memory_space<vmem>>, vector<16xf32>,
          %get3A_225 = arith.index_cast %add3A_191 : i32 to index
          %get3A_226 = arith.constant 80 : index
          %get3A_227 = tpu.vector_load %arg13[%get3A_225, %get3A_226] {strides = array<i32>} : memref<128x128xf32, #tpu.memory_space<vmem>>, vector<16xf32>,
          %mul3A_228 = arith.mulf %get3A_227, %gather3A : vector<16xf32>
          %swap3A_229 = arith.index_cast %add3A_191 : i32 to index
          %swap3A_230 = arith.constant 80 : index
          %swap3A_231 = tpu.vector_load %arg13[%swap3A_229, %swap3A_230] {strides = array<i32>} : memref<128x128xf32, #tpu.memory_space<vmem>>, vector<16xf32>,
          tpu.vector_store %arg13[%swap3A_229, %swap3A_230], %mul3A_228 {strides = array<i32>} : memref<128x128xf32, #tpu.memory_space<vmem>>, vector<16xf32>,
          %get3A_232 = arith.index_cast %add3A_191 : i32 to index
          %get3A_233 = arith.constant 96 : index
          %get3A_234 = tpu.vector_load %arg13[%get3A_232, %get3A_233] {strides = array<i32>} : memref<128x128xf32, #tpu.memory_space<vmem>>, vector<16xf32>,
          %mul3A_235 = arith.mulf %get3A_234, %gather3A : vector<16xf32>
          %swap3A_236 = arith.index_cast %add3A_191 : i32 to index
          %swap3A_237 = arith.constant 96 : index
          %swap3A_238 = tpu.vector_load %arg13[%swap3A_236, %swap3A_237] {strides = array<i32>} : memref<128x128xf32, #tpu.memory_space<vmem>>, vector<16xf32>,
          tpu.vector_store %arg13[%swap3A_236, %swap3A_237], %mul3A_235 {strides = array<i32>} : memref<128x128xf32, #tpu.memory_space<vmem>>, vector<16xf32>,
          %get3A_239 = arith.index_cast %add3A_191 : i32 to index
          %get3A_240 = arith.constant 112 : index
          %get3A_241 = tpu.vector_load %arg13[%get3A_239, %get3A_240] {strides = array<i32>} : memref<128x128xf32, #tpu.memory_space<vmem>>, vector<16xf32>,
          %mul3A_242 = arith.mulf %get3A_241, %gather3A : vector<16xf32>
          %swap3A_243 = arith.index_cast %add3A_191 : i32 to index
          %swap3A_244 = arith.constant 112 : index
          %swap3A_245 = tpu.vector_load %arg13[%swap3A_243, %swap3A_244] {strides = array<i32>} : memref<128x128xf32, #tpu.memory_space<vmem>>, vector<16xf32>,
          tpu.vector_store %arg13[%swap3A_243, %swap3A_244], %mul3A_242 {strides = array<i32>} : memref<128x128xf32, #tpu.memory_space<vmem>>, vector<16xf32>,
          %scan3A_246 = arith.constant 1 : i32
          %scan3A_247 = arith.addi %scan3A_187, %scan3A_246 : i32
          %mul3A_248 = arith.constant 1 : i32
          %mul3A_249 = arith.muli %scan3A_247, %mul3A_248 : i32
          %add3A_250 = arith.constant 0 : i32
          %add3A_251 = arith.addi %add3A_250, %mul3A_249 : i32
          %broadcast_in_dim3A_252 = vector.broadcast %add3A_251 : i32 to vector<16xi32>
          %gather3A_253 = tpu.vector_load_idx %arg11[%broadcast_in_dim3A_252] : memref<128xf32, #tpu.memory_space<vmem>>[vector<16xi32>], vector<16xf32>,
          %get3A_254 = arith.index_cast %add3A_251 : i32 to index
          %get3A_255 = arith.constant 0 : index
          %get3A_256 = tpu.vector_load %arg13[%get3A_254, %get3A_255] {strides = array<i32>} : memref<128x128xf32, #tpu.memory_space<vmem>>, vector<16xf32>,
          %mul3A_257 = arith.mulf %get3A_256, %gather3A_253 : vector<16xf32>
          %swap3A_258 = arith.index_cast %add3A_251 : i32 to index
          %swap3A_259 = arith.constant 0 : index
          %swap3A_260 = tpu.vector_load %arg13[%swap3A_258, %swap3A_259] {strides = array<i32>} : memref<128x128xf32, #tpu.memory_space<vmem>>, vector<16xf32>,
          tpu.vector_store %arg13[%swap3A_258, %swap3A_259], %mul3A_257 {strides = array<i32>} : memref<128x128xf32, #tpu.memory_space<vmem>>, vector<16xf32>,
          %get3A_261 = arith.index_cast %add3A_251 : i32 to index
          %get3A_262 = arith.constant 16 : index
          %get3A_263 = tpu.vector_load %arg13[%get3A_261, %get3A_262] {strides = array<i32>} : memref<128x128xf32, #tpu.memory_space<vmem>>, vector<16xf32>,
          %mul3A_264 = arith.mulf %get3A_263, %gather3A_253 : vector<16xf32>
          %swap3A_265 = arith.index_cast %add3A_251 : i32 to index
          %swap3A_266 = arith.constant 16 : index
          %swap3A_267 = tpu.vector_load %arg13[%swap3A_265, %swap3A_266] {strides = array<i32>} : memref<128x128xf32, #tpu.memory_space<vmem>>, vector<16xf32>,
          tpu.vector_store %arg13[%swap3A_265, %swap3A_266], %mul3A_264 {strides = array<i32>} : memref<128x128xf32, #tpu.memory_space<vmem>>, vector<16xf32>,
          %get3A_268 = arith.index_cast %add3A_251 : i32 to index
          %get3A_269 = arith.constant 32 : index
          %get3A_270 = tpu.vector_load %arg13[%get3A_268, %get3A_269] {strides = array<i32>} : memref<128x128xf32, #tpu.memory_space<vmem>>, vector<16xf32>,
          %mul3A_271 = arith.mulf %get3A_270, %gather3A_253 : vector<16xf32>
          %swap3A_272 = arith.index_cast %add3A_251 : i32 to index
          %swap3A_273 = arith.constant 32 : index
          %swap3A_274 = tpu.vector_load %arg13[%swap3A_272, %swap3A_273] {strides = array<i32>} : memref<128x128xf32, #tpu.memory_space<vmem>>, vector<16xf32>,
          tpu.vector_store %arg13[%swap3A_272, %swap3A_273], %mul3A_271 {strides = array<i32>} : memref<128x128xf32, #tpu.memory_space<vmem>>, vector<16xf32>,
          %get3A_275 = arith.index_cast %add3A_251 : i32 to index
          %get3A_276 = arith.constant 48 : index
          %get3A_277 = tpu.vector_load %arg13[%get3A_275, %get3A_276] {strides = array<i32>} : memref<128x128xf32, #tpu.memory_space<vmem>>, vector<16xf32>,
          %mul3A_278 = arith.mulf %get3A_277, %gather3A_253 : vector<16xf32>
          %swap3A_279 = arith.index_cast %add3A_251 : i32 to index
          %swap3A_280 = arith.constant 48 : index
          %swap3A_281 = tpu.vector_load %arg13[%swap3A_279, %swap3A_280] {strides = array<i32>} : memref<128x128xf32, #tpu.memory_space<vmem>>, vector<16xf32>,
          tpu.vector_store %arg13[%swap3A_279, %swap3A_280], %mul3A_278 {strides = array<i32>} : memref<128x128xf32, #tpu.memory_space<vmem>>, vector<16xf32>,
          %get3A_282 = arith.index_cast %add3A_251 : i32 to index
          %get3A_283 = arith.constant 64 : index
          %get3A_284 = tpu.vector_load %arg13[%get3A_282, %get3A_283] {strides = array<i32>} : memref<128x128xf32, #tpu.memory_space<vmem>>, vector<16xf32>,
          %mul3A_285 = arith.mulf %get3A_284, %gather3A_253 : vector<16xf32>
          %swap3A_286 = arith.index_cast %add3A_251 : i32 to index
          %swap3A_287 = arith.constant 64 : index
          %swap3A_288 = tpu.vector_load %arg13[%swap3A_286, %swap3A_287] {strides = array<i32>} : memref<128x128xf32, #tpu.memory_space<vmem>>, vector<16xf32>,
          tpu.vector_store %arg13[%swap3A_286, %swap3A_287], %mul3A_285 {strides = array<i32>} : memref<128x128xf32, #tpu.memory_space<vmem>>, vector<16xf32>,
          %get3A_289 = arith.index_cast %add3A_251 : i32 to index
          %get3A_290 = arith.constant 80 : index
          %get3A_291 = tpu.vector_load %arg13[%get3A_289, %get3A_290] {strides = array<i32>} : memref<128x128xf32, #tpu.memory_space<vmem>>, vector<16xf32>,
          %mul3A_292 = arith.mulf %get3A_291, %gather3A_253 : vector<16xf32>
          %swap3A_293 = arith.index_cast %add3A_251 : i32 to index
          %swap3A_294 = arith.constant 80 : index
          %swap3A_295 = tpu.vector_load %arg13[%swap3A_293, %swap3A_294] {strides = array<i32>} : memref<128x128xf32, #tpu.memory_space<vmem>>, vector<16xf32>,
          tpu.vector_store %arg13[%swap3A_293, %swap3A_294], %mul3A_292 {strides = array<i32>} : memref<128x128xf32, #tpu.memory_space<vmem>>, vector<16xf32>,
          %get3A_296 = arith.index_cast %add3A_251 : i32 to index
          %get3A_297 = arith.constant 96 : index
          %get3A_298 = tpu.vector_load %arg13[%get3A_296, %get3A_297] {strides = array<i32>} : memref<128x128xf32, #tpu.memory_space<vmem>>, vector<16xf32>,
          %mul3A_299 = arith.mulf %get3A_298, %gather3A_253 : vector<16xf32>
          %swap3A_300 = arith.index_cast %add3A_251 : i32 to index
          %swap3A_301 = arith.constant 96 : index
          %swap3A_302 = tpu.vector_load %arg13[%swap3A_300, %swap3A_301] {strides = array<i32>} : memref<128x128xf32, #tpu.memory_space<vmem>>, vector<16xf32>,
          tpu.vector_store %arg13[%swap3A_300, %swap3A_301], %mul3A_299 {strides = array<i32>} : memref<128x128xf32, #tpu.memory_space<vmem>>, vector<16xf32>,
          %get3A_303 = arith.index_cast %add3A_251 : i32 to index
          %get3A_304 = arith.constant 112 : index
          %get3A_305 = tpu.vector_load %arg13[%get3A_303, %get3A_304] {strides = array<i32>} : memref<128x128xf32, #tpu.memory_space<vmem>>, vector<16xf32>,
          %mul3A_306 = arith.mulf %get3A_305, %gather3A_253 : vector<16xf32>
          %swap3A_307 = arith.index_cast %add3A_251 : i32 to index
          %swap3A_308 = arith.constant 112 : index
          %swap3A_309 = tpu.vector_load %arg13[%swap3A_307, %swap3A_308] {strides = array<i32>} : memref<128x128xf32, #tpu.memory_space<vmem>>, vector<16xf32>,
          tpu.vector_store %arg13[%swap3A_307, %swap3A_308], %mul3A_306 {strides = array<i32>} : memref<128x128xf32, #tpu.memory_space<vmem>>, vector<16xf32>,
          %scan3A_310 = arith.constant 2 : i32
          %scan3A_311 = arith.addi %scan3A_187, %scan3A_310 : i32
          %mul3A_312 = arith.constant 1 : i32
          %mul3A_313 = arith.muli %scan3A_311, %mul3A_312 : i32
          %add3A_314 = arith.constant 0 : i32
          %add3A_315 = arith.addi %add3A_314, %mul3A_313 : i32
          %broadcast_in_dim3A_316 = vector.broadcast %add3A_315 : i32 to vector<16xi32>
          %gather3A_317 = tpu.vector_load_idx %arg11[%broadcast_in_dim3A_316] : memref<128xf32, #tpu.memory_space<vmem>>[vector<16xi32>], vector<16xf32>,
          %get3A_318 = arith.index_cast %add3A_315 : i32 to index
          %get3A_319 = arith.constant 0 : index
          %get3A_320 = tpu.vector_load %arg13[%get3A_318, %get3A_319] {strides = array<i32>} : memref<128x128xf32, #tpu.memory_space<vmem>>, vector<16xf32>,
          %mul3A_321 = arith.mulf %get3A_320, %gather3A_317 : vector<16xf32>
          %swap3A_322 = arith.index_cast %add3A_315 : i32 to index
          %swap3A_323 = arith.constant 0 : index
          %swap3A_324 = tpu.vector_load %arg13[%swap3A_322, %swap3A_323] {strides = array<i32>} : memref<128x128xf32, #tpu.memory_space<vmem>>, vector<16xf32>,
          tpu.vector_store %arg13[%swap3A_322, %swap3A_323], %mul3A_321 {strides = array<i32>} : memref<128x128xf32, #tpu.memory_space<vmem>>, vector<16xf32>,
          %get3A_325 = arith.index_cast %add3A_315 : i32 to index
          %get3A_326 = arith.constant 16 : index
          %get3A_327 = tpu.vector_load %arg13[%get3A_325, %get3A_326] {strides = array<i32>} : memref<128x128xf32, #tpu.memory_space<vmem>>, vector<16xf32>,
          %mul3A_328 = arith.mulf %get3A_327, %gather3A_317 : vector<16xf32>
          %swap3A_329 = arith.index_cast %add3A_315 : i32 to index
          %swap3A_330 = arith.constant 16 : index
          %swap3A_331 = tpu.vector_load %arg13[%swap3A_329, %swap3A_330] {strides = array<i32>} : memref<128x128xf32, #tpu.memory_space<vmem>>, vector<16xf32>,
          tpu.vector_store %arg13[%swap3A_329, %swap3A_330], %mul3A_328 {strides = array<i32>} : memref<128x128xf32, #tpu.memory_space<vmem>>, vector<16xf32>,
          %get3A_332 = arith.index_cast %add3A_315 : i32 to index
          %get3A_333 = arith.constant 32 : index
          %get3A_334 = tpu.vector_load %arg13[%get3A_332, %get3A_333] {strides = array<i32>} : memref<128x128xf32, #tpu.memory_space<vmem>>, vector<16xf32>,
          %mul3A_335 = arith.mulf %get3A_334, %gather3A_317 : vector<16xf32>
          %swap3A_336 = arith.index_cast %add3A_315 : i32 to index
          %swap3A_337 = arith.constant 32 : index
          %swap3A_338 = tpu.vector_load %arg13[%swap3A_336, %swap3A_337] {strides = array<i32>} : memref<128x128xf32, #tpu.memory_space<vmem>>, vector<16xf32>,
          tpu.vector_store %arg13[%swap3A_336, %swap3A_337], %mul3A_335 {strides = array<i32>} : memref<128x128xf32, #tpu.memory_space<vmem>>, vector<16xf32>,
          %get3A_339 = arith.index_cast %add3A_315 : i32 to index
          %get3A_340 = arith.constant 48 : index
          %get3A_341 = tpu.vector_load %arg13[%get3A_339, %get3A_340] {strides = array<i32>} : memref<128x128xf32, #tpu.memory_space<vmem>>, vector<16xf32>,
          %mul3A_342 = arith.mulf %get3A_341, %gather3A_317 : vector<16xf32>
          %swap3A_343 = arith.index_cast %add3A_315 : i32 to index
          %swap3A_344 = arith.constant 48 : index
          %swap3A_345 = tpu.vector_load %arg13[%swap3A_343, %swap3A_344] {strides = array<i32>} : memref<128x128xf32, #tpu.memory_space<vmem>>, vector<16xf32>,
          tpu.vector_store %arg13[%swap3A_343, %swap3A_344], %mul3A_342 {strides = array<i32>} : memref<128x128xf32, #tpu.memory_space<vmem>>, vector<16xf32>,
          %get3A_346 = arith.index_cast %add3A_315 : i32 to index
          %get3A_347 = arith.constant 64 : index
          %get3A_348 = tpu.vector_load %arg13[%get3A_346, %get3A_347] {strides = array<i32>} : memref<128x128xf32, #tpu.memory_space<vmem>>, vector<16xf32>,
          %mul3A_349 = arith.mulf %get3A_348, %gather3A_317 : vector<16xf32>
          %swap3A_350 = arith.index_cast %add3A_315 : i32 to index
          %swap3A_351 = arith.constant 64 : index
          %swap3A_352 = tpu.vector_load %arg13[%swap3A_350, %swap3A_351] {strides = array<i32>} : memref<128x128xf32, #tpu.memory_space<vmem>>, vector<16xf32>,
          tpu.vector_store %arg13[%swap3A_350, %swap3A_351], %mul3A_349 {strides = array<i32>} : memref<128x128xf32, #tpu.memory_space<vmem>>, vector<16xf32>,
          %get3A_353 = arith.index_cast %add3A_315 : i32 to index
          %get3A_354 = arith.constant 80 : index
          %get3A_355 = tpu.vector_load %arg13[%get3A_353, %get3A_354] {strides = array<i32>} : memref<128x128xf32, #tpu.memory_space<vmem>>, vector<16xf32>,
          %mul3A_356 = arith.mulf %get3A_355, %gather3A_317 : vector<16xf32>
          %swap3A_357 = arith.index_cast %add3A_315 : i32 to index
          %swap3A_358 = arith.constant 80 : index
          %swap3A_359 = tpu.vector_load %arg13[%swap3A_357, %swap3A_358] {strides = array<i32>} : memref<128x128xf32, #tpu.memory_space<vmem>>, vector<16xf32>,
          tpu.vector_store %arg13[%swap3A_357, %swap3A_358], %mul3A_356 {strides = array<i32>} : memref<128x128xf32, #tpu.memory_space<vmem>>, vector<16xf32>,
          %get3A_360 = arith.index_cast %add3A_315 : i32 to index
          %get3A_361 = arith.constant 96 : index
          %get3A_362 = tpu.vector_load %arg13[%get3A_360, %get3A_361] {strides = array<i32>} : memref<128x128xf32, #tpu.memory_space<vmem>>, vector<16xf32>,
          %mul3A_363 = arith.mulf %get3A_362, %gather3A_317 : vector<16xf32>
          %swap3A_364 = arith.index_cast %add3A_315 : i32 to index
          %swap3A_365 = arith.constant 96 : index
          %swap3A_366 = tpu.vector_load %arg13[%swap3A_364, %swap3A_365] {strides = array<i32>} : memref<128x128xf32, #tpu.memory_space<vmem>>, vector<16xf32>,
          tpu.vector_store %arg13[%swap3A_364, %swap3A_365], %mul3A_363 {strides = array<i32>} : memref<128x128xf32, #tpu.memory_space<vmem>>, vector<16xf32>,
          %get3A_367 = arith.index_cast %add3A_315 : i32 to index
          %get3A_368 = arith.constant 112 : index
          %get3A_369 = tpu.vector_load %arg13[%get3A_367, %get3A_368] {strides = array<i32>} : memref<128x128xf32, #tpu.memory_space<vmem>>, vector<16xf32>,
          %mul3A_370 = arith.mulf %get3A_369, %gather3A_317 : vector<16xf32>
          %swap3A_371 = arith.index_cast %add3A_315 : i32 to index
          %swap3A_372 = arith.constant 112 : index
          %swap3A_373 = tpu.vector_load %arg13[%swap3A_371, %swap3A_372] {strides = array<i32>} : memref<128x128xf32, #tpu.memory_space<vmem>>, vector<16xf32>,
          tpu.vector_store %arg13[%swap3A_371, %swap3A_372], %mul3A_370 {strides = array<i32>} : memref<128x128xf32, #tpu.memory_space<vmem>>, vector<16xf32>,
          %scan3A_374 = arith.constant 3 : i32
          %scan3A_375 = arith.addi %scan3A_187, %scan3A_374 : i32
          %mul3A_376 = arith.constant 1 : i32
          %mul3A_377 = arith.muli %scan3A_375, %mul3A_376 : i32
          %add3A_378 = arith.constant 0 : i32
          %add3A_379 = arith.addi %add3A_378, %mul3A_377 : i32
          %broadcast_in_dim3A_380 = vector.broadcast %add3A_379 : i32 to vector<16xi32>
          %gather3A_381 = tpu.vector_load_idx %arg11[%broadcast_in_dim3A_380] : memref<128xf32, #tpu.memory_space<vmem>>[vector<16xi32>], vector<16xf32>,
          %get3A_382 = arith.index_cast %add3A_379 : i32 to index
          %get3A_383 = arith.constant 0 : index
          %get3A_384 = tpu.vector_load %arg13[%get3A_382, %get3A_383] {strides = array<i32>} : memref<128x128xf32, #tpu.memory_space<vmem>>, vector<16xf32>,
          %mul3A_385 = arith.mulf %get3A_384, %gather3A_381 : vector<16xf32>
          %swap3A_386 = arith.index_cast %add3A_379 : i32 to index
          %swap3A_387 = arith.constant 0 : index
          %swap3A_388 = tpu.vector_load %arg13[%swap3A_386, %swap3A_387] {strides = array<i32>} : memref<128x128xf32, #tpu.memory_space<vmem>>, vector<16xf32>,
          tpu.vector_store %arg13[%swap3A_386, %swap3A_387], %mul3A_385 {strides = array<i32>} : memref<128x128xf32, #tpu.memory_space<vmem>>, vector<16xf32>,
          %get3A_389 = arith.index_cast %add3A_379 : i32 to index
          %get3A_390 = arith.constant 16 : index
          %get3A_391 = tpu.vector_load %arg13[%get3A_389, %get3A_390] {strides = array<i32>} : memref<128x128xf32, #tpu.memory_space<vmem>>, vector<16xf32>,
          %mul3A_392 = arith.mulf %get3A_391, %gather3A_381 : vector<16xf32>
          %swap3A_393 = arith.index_cast %add3A_379 : i32 to index
          %swap3A_394 = arith.constant 16 : index
          %swap3A_395 = tpu.vector_load %arg13[%swap3A_393, %swap3A_394] {strides = array<i32>} : memref<128x128xf32, #tpu.memory_space<vmem>>, vector<16xf32>,
          tpu.vector_store %arg13[%swap3A_393, %swap3A_394], %mul3A_392 {strides = array<i32>} : memref<128x128xf32, #tpu.memory_space<vmem>>, vector<16xf32>,
          %get3A_396 = arith.index_cast %add3A_379 : i32 to index
          %get3A_397 = arith.constant 32 : index
          %get3A_398 = tpu.vector_load %arg13[%get3A_396, %get3A_397] {strides = array<i32>} : memref<128x128xf32, #tpu.memory_space<vmem>>, vector<16xf32>,
          %mul3A_399 = arith.mulf %get3A_398, %gather3A_381 : vector<16xf32>
          %swap3A_400 = arith.index_cast %add3A_379 : i32 to index
          %swap3A_401 = arith.constant 32 : index
          %swap3A_402 = tpu.vector_load %arg13[%swap3A_400, %swap3A_401] {strides = array<i32>} : memref<128x128xf32, #tpu.memory_space<vmem>>, vector<16xf32>,
          tpu.vector_store %arg13[%swap3A_400, %swap3A_401], %mul3A_399 {strides = array<i32>} : memref<128x128xf32, #tpu.memory_space<vmem>>, vector<16xf32>,
          %get3A_403 = arith.index_cast %add3A_379 : i32 to index
          %get3A_404 = arith.constant 48 : index
          %get3A_405 = tpu.vector_load %arg13[%get3A_403, %get3A_404] {strides = array<i32>} : memref<128x128xf32, #tpu.memory_space<vmem>>, vector<16xf32>,
          %mul3A_406 = arith.mulf %get3A_405, %gather3A_381 : vector<16xf32>
          %swap3A_407 = arith.index_cast %add3A_379 : i32 to index
          %swap3A_408 = arith.constant 48 : index
          %swap3A_409 = tpu.vector_load %arg13[%swap3A_407, %swap3A_408] {strides = array<i32>} : memref<128x128xf32, #tpu.memory_space<vmem>>, vector<16xf32>,
          tpu.vector_store %arg13[%swap3A_407, %swap3A_408], %mul3A_406 {strides = array<i32>} : memref<128x128xf32, #tpu.memory_space<vmem>>, vector<16xf32>,
          %get3A_410 = arith.index_cast %add3A_379 : i32 to index
          %get3A_411 = arith.constant 64 : index
          %get3A_412 = tpu.vector_load %arg13[%get3A_410, %get3A_411] {strides = array<i32>} : memref<128x128xf32, #tpu.memory_space<vmem>>, vector<16xf32>,
          %mul3A_413 = arith.mulf %get3A_412, %gather3A_381 : vector<16xf32>
          %swap3A_414 = arith.index_cast %add3A_379 : i32 to index
          %swap3A_415 = arith.constant 64 : index
          %swap3A_416 = tpu.vector_load %arg13[%swap3A_414, %swap3A_415] {strides = array<i32>} : memref<128x128xf32, #tpu.memory_space<vmem>>, vector<16xf32>,
          tpu.vector_store %arg13[%swap3A_414, %swap3A_415], %mul3A_413 {strides = array<i32>} : memref<128x128xf32, #tpu.memory_space<vmem>>, vector<16xf32>,
          %get3A_417 = arith.index_cast %add3A_379 : i32 to index
          %get3A_418 = arith.constant 80 : index
          %get3A_419 = tpu.vector_load %arg13[%get3A_417, %get3A_418] {strides = array<i32>} : memref<128x128xf32, #tpu.memory_space<vmem>>, vector<16xf32>,
          %mul3A_420 = arith.mulf %get3A_419, %gather3A_381 : vector<16xf32>
          %swap3A_421 = arith.index_cast %add3A_379 : i32 to index
          %swap3A_422 = arith.constant 80 : index
          %swap3A_423 = tpu.vector_load %arg13[%swap3A_421, %swap3A_422] {strides = array<i32>} : memref<128x128xf32, #tpu.memory_space<vmem>>, vector<16xf32>,
          tpu.vector_store %arg13[%swap3A_421, %swap3A_422], %mul3A_420 {strides = array<i32>} : memref<128x128xf32, #tpu.memory_space<vmem>>, vector<16xf32>,
          %get3A_424 = arith.index_cast %add3A_379 : i32 to index
          %get3A_425 = arith.constant 96 : index
          %get3A_426 = tpu.vector_load %arg13[%get3A_424, %get3A_425] {strides = array<i32>} : memref<128x128xf32, #tpu.memory_space<vmem>>, vector<16xf32>,
          %mul3A_427 = arith.mulf %get3A_426, %gather3A_381 : vector<16xf32>
          %swap3A_428 = arith.index_cast %add3A_379 : i32 to index
          %swap3A_429 = arith.constant 96 : index
          %swap3A_430 = tpu.vector_load %arg13[%swap3A_428, %swap3A_429] {strides = array<i32>} : memref<128x128xf32, #tpu.memory_space<vmem>>, vector<16xf32>,
          tpu.vector_store %arg13[%swap3A_428, %swap3A_429], %mul3A_427 {strides = array<i32>} : memref<128x128xf32, #tpu.memory_space<vmem>>, vector<16xf32>,
          %get3A_431 = arith.index_cast %add3A_379 : i32 to index
          %get3A_432 = arith.constant 112 : index
          %get3A_433 = tpu.vector_load %arg13[%get3A_431, %get3A_432] {strides = array<i32>} : memref<128x128xf32, #tpu.memory_space<vmem>>, vector<16xf32>,
          %mul3A_434 = arith.mulf %get3A_433, %gather3A_381 : vector<16xf32>
          %swap3A_435 = arith.index_cast %add3A_379 : i32 to index
          %swap3A_436 = arith.constant 112 : index
          %swap3A_437 = tpu.vector_load %arg13[%swap3A_435, %swap3A_436] {strides = array<i32>} : memref<128x128xf32, #tpu.memory_space<vmem>>, vector<16xf32>,
          tpu.vector_store %arg13[%swap3A_435, %swap3A_436], %mul3A_434 {strides = array<i32>} : memref<128x128xf32, #tpu.memory_space<vmem>>, vector<16xf32>,
        }
        %scan3A_170 = arith.constant 128 : i32
        %dma_wait3A_171 = arith.constant 1 : i32
        %dma_wait3A_172 = arith.constant 0 : i32
        %dma_wait3A_173 = tpu.memref_slice %arg3[%dma_wait3A_171, %dma_wait3A_172] : memref<2x320000xi32, #tpu.memory_space<hbm>> -> memref<1x128xi32, #tpu.memory_space<hbm>>
        %dma_wait3A_174 = tpu.memref_squeeze %dma_wait3A_173 : memref<1x128xi32, #tpu.memory_space<hbm>> -> memref<128xi32, #tpu.memory_space<hbm>>
        %dma_wait3A_175 = arith.constant 0 : i32
        %dma_wait3A_176 = tpu.memref_slice %arg3[%dma_wait3A_171, %dma_wait3A_175] : memref<2x320000xi32, #tpu.memory_space<hbm>> -> memref<1x128xi32, #tpu.memory_space<hbm>>
        %dma_wait3A_177 = tpu.memref_squeeze %dma_wait3A_176 : memref<1x128xi32, #tpu.memory_space<hbm>> -> memref<128xi32, #tpu.memory_space<hbm>>
        tpu.wait_dma2 semaphore(%arg20 : memref<!tpu.dma_semaphore, #tpu.memory_space<semaphore_mem>>) src(%dma_wait3A_177 : memref<128xi32, #tpu.memory_space<hbm>>) dst(%arg9 : memref<128xi32, #tpu.memory_space<vmem>>)
        %dma_start3A_178 = arith.constant 0 : i32
        %dma_start3A_179 = arith.constant 0 : i32
        %dma_start3A_180 = tpu.memref_slice %arg14[%dma_start3A_178, %dma_start3A_179] : memref<10240x128xf32, #tpu.memory_space<vmem_shared>> -> memref<10240x128xf32, #tpu.memory_space<vmem_shared>>
        tpu.enqueue_indirect_dma source(%arg13 : memref<128x128xf32, #tpu.memory_space<vmem>>) target(%dma_start3A_180 : memref<10240x128xf32, #tpu.memory_space<vmem_shared>>) offsets(%arg9 : memref<128xi32, #tpu.memory_space<vmem>>) semaphore(%arg22 : memref<!tpu.dma_semaphore, #tpu.memory_space<semaphore_mem>>) {add = true}
        %add3A_181 = arith.constant 3 : i32
        %add3A_182 = arith.addi %mul3A_120, %add3A_181 : i32
        %lt3A_183 = arith.cmpi slt, %add3A_182, %add3A_4 : i32
        %convert_element_type3A_184 = arith.extui %lt3A_183 : i1 to i32
        %cond3A_185 = arith.constant 0 : i32
        %cond3A_186 = arith.cmpi ne, %convert_element_type3A_184, %cond3A_185 : i32
        scf.if %cond3A_186 {
          %add3A_187 = arith.addi %add3A_8, %mul3A_120 : i32
          %add3A_188 = arith.constant 3 : i32
          %add3A_189 = arith.addi %add3A_187, %add3A_188 : i32
          %mul3A_190 = arith.constant 128 : i32
          %mul3A_191 = arith.muli %add3A_189, %mul3A_190 : i32
          %dma_start3A_192 = arith.constant 0 : i32
          %dma_start3A_193 = tpu.memref_slice %arg3[%dma_start3A_192, %mul3A_191] : memref<2x320000xi32, #tpu.memory_space<hbm>> -> memref<1x128xi32, #tpu.memory_space<hbm>>
          %dma_start3A_194 = tpu.memref_squeeze %dma_start3A_193 : memref<1x128xi32, #tpu.memory_space<hbm>> -> memref<128xi32, #tpu.memory_space<hbm>>
          %dma_start3A_195 = tpu.memref_slice %arg3[%dma_start3A_192, %mul3A_191] : memref<2x320000xi32, #tpu.memory_space<hbm>> -> memref<1x128xi32, #tpu.memory_space<hbm>>
          %dma_start3A_196 = tpu.memref_squeeze %dma_start3A_195 : memref<1x128xi32, #tpu.memory_space<hbm>> -> memref<128xi32, #tpu.memory_space<hbm>>
          tpu.enqueue_dma source(%dma_start3A_196 : memref<128xi32, #tpu.memory_space<hbm>>) target(%arg7 : memref<128xi32, #tpu.memory_space<vmem>>) target_semaphore(%arg18 : memref<!tpu.dma_semaphore, #tpu.memory_space<semaphore_mem>>)
          %mul3A_197 = arith.constant 128 : i32
          %mul3A_198 = arith.muli %add3A_189, %mul3A_197 : i32
          %dma_start3A_199 = tpu.memref_slice %arg4[%mul3A_198] : memref<320000xf32, #tpu.memory_space<hbm>> -> memref<128xf32, #tpu.memory_space<hbm>>
          %dma_start3A_200 = tpu.memref_slice %arg4[%mul3A_198] : memref<320000xf32, #tpu.memory_space<hbm>> -> memref<128xf32, #tpu.memory_space<hbm>>
          tpu.enqueue_dma source(%dma_start3A_200 : memref<128xf32, #tpu.memory_space<hbm>>) target(%arg11 : memref<128xf32, #tpu.memory_space<vmem>>) target_semaphore(%arg18 : memref<!tpu.dma_semaphore, #tpu.memory_space<semaphore_mem>>)
        } else {
        }
      } else {
      }
      %add3A_157 = arith.constant 2 : i32
      %add3A_158 = arith.addi %mul3A_120, %add3A_157 : i32
      %lt3A_159 = arith.cmpi slt, %add3A_158, %add3A_4 : i32
      %convert_element_type3A_160 = arith.extui %lt3A_159 : i1 to i32
      %cond3A_161 = arith.constant 0 : i32
      %cond3A_162 = arith.cmpi ne, %convert_element_type3A_160, %cond3A_161 : i32
      scf.if %cond3A_162 {
        %dma_wait3A_163 = arith.constant 0 : i32
        %dma_wait3A_164 = arith.constant 0 : i32
        %dma_wait3A_165 = tpu.memref_slice %arg14[%dma_wait3A_163, %dma_wait3A_164] : memref<10240x128xf32, #tpu.memory_space<vmem_shared>> -> memref<10240x128xf32, #tpu.memory_space<vmem_shared>>
        tpu.wait_indirect_dma semaphore(%arg21 : memref<!tpu.dma_semaphore, #tpu.memory_space<semaphore_mem>>) src(%arg12 : memref<128x128xf32, #tpu.memory_space<vmem>>) dst(%dma_wait3A_165 : memref<10240x128xf32, #tpu.memory_space<vmem_shared>>)
        %add3A_166 = arith.addi %add3A_8, %mul3A_120 : i32
        %add3A_167 = arith.constant 2 : i32
        %add3A_168 = arith.addi %add3A_166, %add3A_167 : i32
        %mul3A_169 = arith.constant 128 : i32
        %mul3A_170 = arith.muli %add3A_168, %mul3A_169 : i32
        %dma_start3A_171 = arith.constant 1 : i32
        %dma_start3A_172 = tpu.memref_slice %arg3[%dma_start3A_171, %mul3A_170] : memref<2x320000xi32, #tpu.memory_space<hbm>> -> memref<1x128xi32, #tpu.memory_space<hbm>>
        %dma_start3A_173 = tpu.memref_squeeze %dma_start3A_172 : memref<1x128xi32, #tpu.memory_space<hbm>> -> memref<128xi32, #tpu.memory_space<hbm>>
        %dma_start3A_174 = tpu.memref_slice %arg3[%dma_start3A_171, %mul3A_170] : memref<2x320000xi32, #tpu.memory_space<hbm>> -> memref<1x128xi32, #tpu.memory_space<hbm>>
        %dma_start3A_175 = tpu.memref_squeeze %dma_start3A_174 : memref<1x128xi32, #tpu.memory_space<hbm>> -> memref<128xi32, #tpu.memory_space<hbm>>
        tpu.enqueue_dma source(%dma_start3A_175 : memref<128xi32, #tpu.memory_space<hbm>>) target(%arg8 : memref<128xi32, #tpu.memory_space<vmem>>) target_semaphore(%arg19 : memref<!tpu.dma_semaphore, #tpu.memory_space<semaphore_mem>>)
        %dma_wait3A_176 = arith.constant 0 : i32
        %dma_wait3A_177 = arith.constant 0 : i32
        %dma_wait3A_178 = tpu.memref_slice %arg3[%dma_wait3A_176, %dma_wait3A_177] : memref<2x320000xi32, #tpu.memory_space<hbm>> -> memref<1x128xi32, #tpu.memory_space<hbm>>
        %dma_wait3A_179 = tpu.memref_squeeze %dma_wait3A_178 : memref<1x128xi32, #tpu.memory_space<hbm>> -> memref<128xi32, #tpu.memory_space<hbm>>
        %dma_wait3A_180 = arith.constant 0 : i32
        %dma_wait3A_181 = tpu.memref_slice %arg3[%dma_wait3A_176, %dma_wait3A_180] : memref<2x320000xi32, #tpu.memory_space<hbm>> -> memref<1x128xi32, #tpu.memory_space<hbm>>
        %dma_wait3A_182 = tpu.memref_squeeze %dma_wait3A_181 : memref<1x128xi32, #tpu.memory_space<hbm>> -> memref<128xi32, #tpu.memory_space<hbm>>
        tpu.wait_dma2 semaphore(%arg17 : memref<!tpu.dma_semaphore, #tpu.memory_space<semaphore_mem>>) src(%dma_wait3A_182 : memref<128xi32, #tpu.memory_space<hbm>>) dst(%arg6 : memref<128xi32, #tpu.memory_space<vmem>>)
        %dma_wait3A_183 = arith.constant 0 : i32
        %dma_wait3A_184 = tpu.memref_slice %arg4[%dma_wait3A_183] : memref<320000xf32, #tpu.memory_space<hbm>> -> memref<128xf32, #tpu.memory_space<hbm>>
        %dma_wait3A_185 = arith.constant 0 : i32
        %dma_wait3A_186 = tpu.memref_slice %arg4[%dma_wait3A_185] : memref<320000xf32, #tpu.memory_space<hbm>> -> memref<128xf32, #tpu.memory_space<hbm>>
        tpu.wait_dma2 semaphore(%arg17 : memref<!tpu.dma_semaphore, #tpu.memory_space<semaphore_mem>>) src(%dma_wait3A_186 : memref<128xf32, #tpu.memory_space<hbm>>) dst(%arg10 : memref<128xf32, #tpu.memory_space<vmem>>)
        %dma_start3A_187 = arith.constant 0 : i32
        %dma_start3A_188 = arith.constant 0 : i32
        %dma_start3A_189 = tpu.memref_slice %arg2[%dma_start3A_187, %dma_start3A_188] : memref<10000x128xf32, #tpu.memory_space<hbm>> -> memref<10000x128xf32, #tpu.memory_space<hbm>>
        tpu.enqueue_indirect_dma source(%dma_start3A_189 : memref<10000x128xf32, #tpu.memory_space<hbm>>) target(%arg12 : memref<128x128xf32, #tpu.memory_space<vmem>>) offsets(%arg6 : memref<128xi32, #tpu.memory_space<vmem>>) semaphore(%arg15 : memref<!tpu.dma_semaphore, #tpu.memory_space<semaphore_mem>>)
      } else {
      }
    }
    %while3A_102 = arith.constant 1 : i32
    scf.for %while3A_116 = %while3A_100 to %while3A_96 step %while3A_102  : i32 {
      %mul3A_117 = arith.muli %while3A_116, %while3A : i32
      %add3A_118 = arith.addi %while3A_93, %mul3A_117 : i32
      %mul3A_119 = arith.constant 2 : i32
      %mul3A_120 = arith.muli %mul3A_119, %add3A_118 : i32
      %dma_wait3A_121 = arith.constant 0 : i32
      %dma_wait3A_122 = arith.constant 0 : i32
      %dma_wait3A_123 = tpu.memref_slice %arg2[%dma_wait3A_121, %dma_wait3A_122] : memref<10000x128xf32, #tpu.memory_space<hbm>> -> memref<10000x128xf32, #tpu.memory_space<hbm>>
      tpu.wait_indirect_dma semaphore(%arg15 : memref<!tpu.dma_semaphore, #tpu.memory_space<semaphore_mem>>) src(%dma_wait3A_123 : memref<10000x128xf32, #tpu.memory_space<hbm>>) dst(%arg12 : memref<128x128xf32, #tpu.memory_space<vmem>>)
      %add3A_124 = arith.constant 1 : i32
      %add3A_125 = arith.addi %mul3A_120, %add3A_124 : i32
      %lt3A_126 = arith.cmpi slt, %add3A_125, %add3A_4 : i32
      %convert_element_type3A_127 = arith.extui %lt3A_126 : i1 to i32
      %cond3A_128 = arith.constant 0 : i32
      %cond3A_129 = arith.cmpi ne, %convert_element_type3A_127, %cond3A_128 : i32
      scf.if %cond3A_129 {
        %dma_wait3A_163 = arith.constant 0 : i32
        %dma_wait3A_164 = arith.constant 0 : i32
        %dma_wait3A_165 = tpu.memref_slice %arg3[%dma_wait3A_163, %dma_wait3A_164] : memref<2x320000xi32, #tpu.memory_space<hbm>> -> memref<1x128xi32, #tpu.memory_space<hbm>>
        %dma_wait3A_166 = tpu.memref_squeeze %dma_wait3A_165 : memref<1x128xi32, #tpu.memory_space<hbm>> -> memref<128xi32, #tpu.memory_space<hbm>>
        %dma_wait3A_167 = arith.constant 0 : i32
        %dma_wait3A_168 = tpu.memref_slice %arg3[%dma_wait3A_163, %dma_wait3A_167] : memref<2x320000xi32, #tpu.memory_space<hbm>> -> memref<1x128xi32, #tpu.memory_space<hbm>>
        %dma_wait3A_169 = tpu.memref_squeeze %dma_wait3A_168 : memref<1x128xi32, #tpu.memory_space<hbm>> -> memref<128xi32, #tpu.memory_space<hbm>>
        tpu.wait_dma2 semaphore(%arg18 : memref<!tpu.dma_semaphore, #tpu.memory_space<semaphore_mem>>) src(%dma_wait3A_169 : memref<128xi32, #tpu.memory_space<hbm>>) dst(%arg7 : memref<128xi32, #tpu.memory_space<vmem>>)
        %dma_wait3A_170 = arith.constant 0 : i32
        %dma_wait3A_171 = tpu.memref_slice %arg4[%dma_wait3A_170] : memref<320000xf32, #tpu.memory_space<hbm>> -> memref<128xf32, #tpu.memory_space<hbm>>
        %dma_wait3A_172 = arith.constant 0 : i32
        %dma_wait3A_173 = tpu.memref_slice %arg4[%dma_wait3A_172] : memref<320000xf32, #tpu.memory_space<hbm>> -> memref<128xf32, #tpu.memory_space<hbm>>
        tpu.wait_dma2 semaphore(%arg18 : memref<!tpu.dma_semaphore, #tpu.memory_space<semaphore_mem>>) src(%dma_wait3A_173 : memref<128xf32, #tpu.memory_space<hbm>>) dst(%arg11 : memref<128xf32, #tpu.memory_space<vmem>>)
        %gt3A_174 = arith.constant 0 : i32
        %gt3A_175 = arith.cmpi sgt, %add3A_118, %gt3A_174 : i32
        %convert_element_type3A_176 = arith.extui %gt3A_175 : i1 to i32
        %cond3A_177 = arith.constant 0 : i32
        %cond3A_178 = arith.cmpi ne, %convert_element_type3A_176, %cond3A_177 : i32
        scf.if %cond3A_178 {
          %dma_wait3A_192 = arith.constant 0 : i32
          %dma_wait3A_193 = arith.constant 0 : i32
          %dma_wait3A_194 = tpu.memref_slice %arg14[%dma_wait3A_192, %dma_wait3A_193] : memref<10240x128xf32, #tpu.memory_space<vmem_shared>> -> memref<10240x128xf32, #tpu.memory_space<vmem_shared>>
          tpu.wait_indirect_dma semaphore(%arg22 : memref<!tpu.dma_semaphore, #tpu.memory_space<semaphore_mem>>) src(%arg13 : memref<128x128xf32, #tpu.memory_space<vmem>>) dst(%dma_wait3A_194 : memref<10240x128xf32, #tpu.memory_space<vmem_shared>>)
        } else {
        }
        %add3A_179 = arith.addi %add3A_8, %mul3A_120 : i32
        %add3A_180 = arith.constant 1 : i32
        %add3A_181 = arith.addi %add3A_179, %add3A_180 : i32
        %mul3A_182 = arith.constant 128 : i32
        %mul3A_183 = arith.muli %add3A_181, %mul3A_182 : i32
        %dma_start3A_184 = arith.constant 1 : i32
        %dma_start3A_185 = tpu.memref_slice %arg3[%dma_start3A_184, %mul3A_183] : memref<2x320000xi32, #tpu.memory_space<hbm>> -> memref<1x128xi32, #tpu.memory_space<hbm>>
        %dma_start3A_186 = tpu.memref_squeeze %dma_start3A_185 : memref<1x128xi32, #tpu.memory_space<hbm>> -> memref<128xi32, #tpu.memory_space<hbm>>
        %dma_start3A_187 = tpu.memref_slice %arg3[%dma_start3A_184, %mul3A_183] : memref<2x320000xi32, #tpu.memory_space<hbm>> -> memref<1x128xi32, #tpu.memory_space<hbm>>
        %dma_start3A_188 = tpu.memref_squeeze %dma_start3A_187 : memref<1x128xi32, #tpu.memory_space<hbm>> -> memref<128xi32, #tpu.memory_space<hbm>>
        tpu.enqueue_dma source(%dma_start3A_188 : memref<128xi32, #tpu.memory_space<hbm>>) target(%arg9 : memref<128xi32, #tpu.memory_space<vmem>>) target_semaphore(%arg20 : memref<!tpu.dma_semaphore, #tpu.memory_space<semaphore_mem>>)
        %dma_start3A_189 = arith.constant 0 : i32
        %dma_start3A_190 = arith.constant 0 : i32
        %dma_start3A_191 = tpu.memref_slice %arg2[%dma_start3A_189, %dma_start3A_190] : memref<10000x128xf32, #tpu.memory_space<hbm>> -> memref<10000x128xf32, #tpu.memory_space<hbm>>
        tpu.enqueue_indirect_dma source(%dma_start3A_191 : memref<10000x128xf32, #tpu.memory_space<hbm>>) target(%arg13 : memref<128x128xf32, #tpu.memory_space<vmem>>) offsets(%arg7 : memref<128xi32, #tpu.memory_space<vmem>>) semaphore(%arg16 : memref<!tpu.dma_semaphore, #tpu.memory_space<semaphore_mem>>)
      } else {
      }
      %scan3A_130 = arith.constant 0 : i32
      %scan3A_131 = arith.constant 128 : i32
      %scan3A_132 = arith.addi %scan3A_130, %scan3A_131 : i32
      %scan3A_133 = arith.constant 4 : i32
      scf.for %scan3A_163 = %scan3A_130 to %scan3A_132 step %scan3A_133  : i32 {
        %mul3A_164 = arith.constant 1 : i32
        %mul3A_165 = arith.muli %scan3A_163, %mul3A_164 : i32
        %add3A_166 = arith.constant 0 : i32
        %add3A_167 = arith.addi %add3A_166, %mul3A_165 : i32
        %broadcast_in_dim3A = vector.broadcast %add3A_167 : i32 to vector<16xi32>
        %gather3A = tpu.vector_load_idx %arg10[%broadcast_in_dim3A] : memref<128xf32, #tpu.memory_space<vmem>>[vector<16xi32>], vector<16xf32>,
        %get3A = arith.index_cast %add3A_167 : i32 to index
        %get3A_168 = arith.constant 0 : index
        %get3A_169 = tpu.vector_load %arg12[%get3A, %get3A_168] {strides = array<i32>} : memref<128x128xf32, #tpu.memory_space<vmem>>, vector<16xf32>,
        %mul3A_170 = arith.mulf %get3A_169, %gather3A : vector<16xf32>
        %swap3A = arith.index_cast %add3A_167 : i32 to index
        %swap3A_171 = arith.constant 0 : index
        %swap3A_172 = tpu.vector_load %arg12[%swap3A, %swap3A_171] {strides = array<i32>} : memref<128x128xf32, #tpu.memory_space<vmem>>, vector<16xf32>,
        tpu.vector_store %arg12[%swap3A, %swap3A_171], %mul3A_170 {strides = array<i32>} : memref<128x128xf32, #tpu.memory_space<vmem>>, vector<16xf32>,
        %get3A_173 = arith.index_cast %add3A_167 : i32 to index
        %get3A_174 = arith.constant 16 : index
        %get3A_175 = tpu.vector_load %arg12[%get3A_173, %get3A_174] {strides = array<i32>} : memref<128x128xf32, #tpu.memory_space<vmem>>, vector<16xf32>,
        %mul3A_176 = arith.mulf %get3A_175, %gather3A : vector<16xf32>
        %swap3A_177 = arith.index_cast %add3A_167 : i32 to index
        %swap3A_178 = arith.constant 16 : index
        %swap3A_179 = tpu.vector_load %arg12[%swap3A_177, %swap3A_178] {strides = array<i32>} : memref<128x128xf32, #tpu.memory_space<vmem>>, vector<16xf32>,
        tpu.vector_store %arg12[%swap3A_177, %swap3A_178], %mul3A_176 {strides = array<i32>} : memref<128x128xf32, #tpu.memory_space<vmem>>, vector<16xf32>,
        %get3A_180 = arith.index_cast %add3A_167 : i32 to index
        %get3A_181 = arith.constant 32 : index
        %get3A_182 = tpu.vector_load %arg12[%get3A_180, %get3A_181] {strides = array<i32>} : memref<128x128xf32, #tpu.memory_space<vmem>>, vector<16xf32>,
        %mul3A_183 = arith.mulf %get3A_182, %gather3A : vector<16xf32>
        %swap3A_184 = arith.index_cast %add3A_167 : i32 to index
        %swap3A_185 = arith.constant 32 : index
        %swap3A_186 = tpu.vector_load %arg12[%swap3A_184, %swap3A_185] {strides = array<i32>} : memref<128x128xf32, #tpu.memory_space<vmem>>, vector<16xf32>,
        tpu.vector_store %arg12[%swap3A_184, %swap3A_185], %mul3A_183 {strides = array<i32>} : memref<128x128xf32, #tpu.memory_space<vmem>>, vector<16xf32>,
        %get3A_187 = arith.index_cast %add3A_167 : i32 to index
        %get3A_188 = arith.constant 48 : index
        %get3A_189 = tpu.vector_load %arg12[%get3A_187, %get3A_188] {strides = array<i32>} : memref<128x128xf32, #tpu.memory_space<vmem>>, vector<16xf32>,
        %mul3A_190 = arith.mulf %get3A_189, %gather3A : vector<16xf32>
        %swap3A_191 = arith.index_cast %add3A_167 : i32 to index
        %swap3A_192 = arith.constant 48 : index
        %swap3A_193 = tpu.vector_load %arg12[%swap3A_191, %swap3A_192] {strides = array<i32>} : memref<128x128xf32, #tpu.memory_space<vmem>>, vector<16xf32>,
        tpu.vector_store %arg12[%swap3A_191, %swap3A_192], %mul3A_190 {strides = array<i32>} : memref<128x128xf32, #tpu.memory_space<vmem>>, vector<16xf32>,
        %get3A_194 = arith.index_cast %add3A_167 : i32 to index
        %get3A_195 = arith.constant 64 : index
        %get3A_196 = tpu.vector_load %arg12[%get3A_194, %get3A_195] {strides = array<i32>} : memref<128x128xf32, #tpu.memory_space<vmem>>, vector<16xf32>,
        %mul3A_197 = arith.mulf %get3A_196, %gather3A : vector<16xf32>
        %swap3A_198 = arith.index_cast %add3A_167 : i32 to index
        %swap3A_199 = arith.constant 64 : index
        %swap3A_200 = tpu.vector_load %arg12[%swap3A_198, %swap3A_199] {strides = array<i32>} : memref<128x128xf32, #tpu.memory_space<vmem>>, vector<16xf32>,
        tpu.vector_store %arg12[%swap3A_198, %swap3A_199], %mul3A_197 {strides = array<i32>} : memref<128x128xf32, #tpu.memory_space<vmem>>, vector<16xf32>,
        %get3A_201 = arith.index_cast %add3A_167 : i32 to index
        %get3A_202 = arith.constant 80 : index
        %get3A_203 = tpu.vector_load %arg12[%get3A_201, %get3A_202] {strides = array<i32>} : memref<128x128xf32, #tpu.memory_space<vmem>>, vector<16xf32>,
        %mul3A_204 = arith.mulf %get3A_203, %gather3A : vector<16xf32>
        %swap3A_205 = arith.index_cast %add3A_167 : i32 to index
        %swap3A_206 = arith.constant 80 : index
        %swap3A_207 = tpu.vector_load %arg12[%swap3A_205, %swap3A_206] {strides = array<i32>} : memref<128x128xf32, #tpu.memory_space<vmem>>, vector<16xf32>,
        tpu.vector_store %arg12[%swap3A_205, %swap3A_206], %mul3A_204 {strides = array<i32>} : memref<128x128xf32, #tpu.memory_space<vmem>>, vector<16xf32>,
        %get3A_208 = arith.index_cast %add3A_167 : i32 to index
        %get3A_209 = arith.constant 96 : index
        %get3A_210 = tpu.vector_load %arg12[%get3A_208, %get3A_209] {strides = array<i32>} : memref<128x128xf32, #tpu.memory_space<vmem>>, vector<16xf32>,
        %mul3A_211 = arith.mulf %get3A_210, %gather3A : vector<16xf32>
        %swap3A_212 = arith.index_cast %add3A_167 : i32 to index
        %swap3A_213 = arith.constant 96 : index
        %swap3A_214 = tpu.vector_load %arg12[%swap3A_212, %swap3A_213] {strides = array<i32>} : memref<128x128xf32, #tpu.memory_space<vmem>>, vector<16xf32>,
        tpu.vector_store %arg12[%swap3A_212, %swap3A_213], %mul3A_211 {strides = array<i32>} : memref<128x128xf32, #tpu.memory_space<vmem>>, vector<16xf32>,
        %get3A_215 = arith.index_cast %add3A_167 : i32 to index
        %get3A_216 = arith.constant 112 : index
        %get3A_217 = tpu.vector_load %arg12[%get3A_215, %get3A_216] {strides = array<i32>} : memref<128x128xf32, #tpu.memory_space<vmem>>, vector<16xf32>,
        %mul3A_218 = arith.mulf %get3A_217, %gather3A : vector<16xf32>
        %swap3A_219 = arith.index_cast %add3A_167 : i32 to index
        %swap3A_220 = arith.constant 112 : index
        %swap3A_221 = tpu.vector_load %arg12[%swap3A_219, %swap3A_220] {strides = array<i32>} : memref<128x128xf32, #tpu.memory_space<vmem>>, vector<16xf32>,
        tpu.vector_store %arg12[%swap3A_219, %swap3A_220], %mul3A_218 {strides = array<i32>} : memref<128x128xf32, #tpu.memory_space<vmem>>, vector<16xf32>,
        %scan3A_222 = arith.constant 1 : i32
        %scan3A_223 = arith.addi %scan3A_163, %scan3A_222 : i32
        %mul3A_224 = arith.constant 1 : i32
        %mul3A_225 = arith.muli %scan3A_223, %mul3A_224 : i32
        %add3A_226 = arith.constant 0 : i32
        %add3A_227 = arith.addi %add3A_226, %mul3A_225 : i32
        %broadcast_in_dim3A_228 = vector.broadcast %add3A_227 : i32 to vector<16xi32>
        %gather3A_229 = tpu.vector_load_idx %arg10[%broadcast_in_dim3A_228] : memref<128xf32, #tpu.memory_space<vmem>>[vector<16xi32>], vector<16xf32>,
        %get3A_230 = arith.index_cast %add3A_227 : i32 to index
        %get3A_231 = arith.constant 0 : index
        %get3A_232 = tpu.vector_load %arg12[%get3A_230, %get3A_231] {strides = array<i32>} : memref<128x128xf32, #tpu.memory_space<vmem>>, vector<16xf32>,
        %mul3A_233 = arith.mulf %get3A_232, %gather3A_229 : vector<16xf32>
        %swap3A_234 = arith.index_cast %add3A_227 : i32 to index
        %swap3A_235 = arith.constant 0 : index
        %swap3A_236 = tpu.vector_load %arg12[%swap3A_234, %swap3A_235] {strides = array<i32>} : memref<128x128xf32, #tpu.memory_space<vmem>>, vector<16xf32>,
        tpu.vector_store %arg12[%swap3A_234, %swap3A_235], %mul3A_233 {strides = array<i32>} : memref<128x128xf32, #tpu.memory_space<vmem>>, vector<16xf32>,
        %get3A_237 = arith.index_cast %add3A_227 : i32 to index
        %get3A_238 = arith.constant 16 : index
        %get3A_239 = tpu.vector_load %arg12[%get3A_237, %get3A_238] {strides = array<i32>} : memref<128x128xf32, #tpu.memory_space<vmem>>, vector<16xf32>,
        %mul3A_240 = arith.mulf %get3A_239, %gather3A_229 : vector<16xf32>
        %swap3A_241 = arith.index_cast %add3A_227 : i32 to index
        %swap3A_242 = arith.constant 16 : index
        %swap3A_243 = tpu.vector_load %arg12[%swap3A_241, %swap3A_242] {strides = array<i32>} : memref<128x128xf32, #tpu.memory_space<vmem>>, vector<16xf32>,
        tpu.vector_store %arg12[%swap3A_241, %swap3A_242], %mul3A_240 {strides = array<i32>} : memref<128x128xf32, #tpu.memory_space<vmem>>, vector<16xf32>,
        %get3A_244 = arith.index_cast %add3A_227 : i32 to index
        %get3A_245 = arith.constant 32 : index
        %get3A_246 = tpu.vector_load %arg12[%get3A_244, %get3A_245] {strides = array<i32>} : memref<128x128xf32, #tpu.memory_space<vmem>>, vector<16xf32>,
        %mul3A_247 = arith.mulf %get3A_246, %gather3A_229 : vector<16xf32>
        %swap3A_248 = arith.index_cast %add3A_227 : i32 to index
        %swap3A_249 = arith.constant 32 : index
        %swap3A_250 = tpu.vector_load %arg12[%swap3A_248, %swap3A_249] {strides = array<i32>} : memref<128x128xf32, #tpu.memory_space<vmem>>, vector<16xf32>,
        tpu.vector_store %arg12[%swap3A_248, %swap3A_249], %mul3A_247 {strides = array<i32>} : memref<128x128xf32, #tpu.memory_space<vmem>>, vector<16xf32>,
        %get3A_251 = arith.index_cast %add3A_227 : i32 to index
        %get3A_252 = arith.constant 48 : index
        %get3A_253 = tpu.vector_load %arg12[%get3A_251, %get3A_252] {strides = array<i32>} : memref<128x128xf32, #tpu.memory_space<vmem>>, vector<16xf32>,
        %mul3A_254 = arith.mulf %get3A_253, %gather3A_229 : vector<16xf32>
        %swap3A_255 = arith.index_cast %add3A_227 : i32 to index
        %swap3A_256 = arith.constant 48 : index
        %swap3A_257 = tpu.vector_load %arg12[%swap3A_255, %swap3A_256] {strides = array<i32>} : memref<128x128xf32, #tpu.memory_space<vmem>>, vector<16xf32>,
        tpu.vector_store %arg12[%swap3A_255, %swap3A_256], %mul3A_254 {strides = array<i32>} : memref<128x128xf32, #tpu.memory_space<vmem>>, vector<16xf32>,
        %get3A_258 = arith.index_cast %add3A_227 : i32 to index
        %get3A_259 = arith.constant 64 : index
        %get3A_260 = tpu.vector_load %arg12[%get3A_258, %get3A_259] {strides = array<i32>} : memref<128x128xf32, #tpu.memory_space<vmem>>, vector<16xf32>,
        %mul3A_261 = arith.mulf %get3A_260, %gather3A_229 : vector<16xf32>
        %swap3A_262 = arith.index_cast %add3A_227 : i32 to index
        %swap3A_263 = arith.constant 64 : index
        %swap3A_264 = tpu.vector_load %arg12[%swap3A_262, %swap3A_263] {strides = array<i32>} : memref<128x128xf32, #tpu.memory_space<vmem>>, vector<16xf32>,
        tpu.vector_store %arg12[%swap3A_262, %swap3A_263], %mul3A_261 {strides = array<i32>} : memref<128x128xf32, #tpu.memory_space<vmem>>, vector<16xf32>,
        %get3A_265 = arith.index_cast %add3A_227 : i32 to index
        %get3A_266 = arith.constant 80 : index
        %get3A_267 = tpu.vector_load %arg12[%get3A_265, %get3A_266] {strides = array<i32>} : memref<128x128xf32, #tpu.memory_space<vmem>>, vector<16xf32>,
        %mul3A_268 = arith.mulf %get3A_267, %gather3A_229 : vector<16xf32>
        %swap3A_269 = arith.index_cast %add3A_227 : i32 to index
        %swap3A_270 = arith.constant 80 : index
        %swap3A_271 = tpu.vector_load %arg12[%swap3A_269, %swap3A_270] {strides = array<i32>} : memref<128x128xf32, #tpu.memory_space<vmem>>, vector<16xf32>,
        tpu.vector_store %arg12[%swap3A_269, %swap3A_270], %mul3A_268 {strides = array<i32>} : memref<128x128xf32, #tpu.memory_space<vmem>>, vector<16xf32>,
        %get3A_272 = arith.index_cast %add3A_227 : i32 to index
        %get3A_273 = arith.constant 96 : index
        %get3A_274 = tpu.vector_load %arg12[%get3A_272, %get3A_273] {strides = array<i32>} : memref<128x128xf32, #tpu.memory_space<vmem>>, vector<16xf32>,
        %mul3A_275 = arith.mulf %get3A_274, %gather3A_229 : vector<16xf32>
        %swap3A_276 = arith.index_cast %add3A_227 : i32 to index
        %swap3A_277 = arith.constant 96 : index
        %swap3A_278 = tpu.vector_load %arg12[%swap3A_276, %swap3A_277] {strides = array<i32>} : memref<128x128xf32, #tpu.memory_space<vmem>>, vector<16xf32>,
        tpu.vector_store %arg12[%swap3A_276, %swap3A_277], %mul3A_275 {strides = array<i32>} : memref<128x128xf32, #tpu.memory_space<vmem>>, vector<16xf32>,
        %get3A_279 = arith.index_cast %add3A_227 : i32 to index
        %get3A_280 = arith.constant 112 : index
        %get3A_281 = tpu.vector_load %arg12[%get3A_279, %get3A_280] {strides = array<i32>} : memref<128x128xf32, #tpu.memory_space<vmem>>, vector<16xf32>,
        %mul3A_282 = arith.mulf %get3A_281, %gather3A_229 : vector<16xf32>
        %swap3A_283 = arith.index_cast %add3A_227 : i32 to index
        %swap3A_284 = arith.constant 112 : index
        %swap3A_285 = tpu.vector_load %arg12[%swap3A_283, %swap3A_284] {strides = array<i32>} : memref<128x128xf32, #tpu.memory_space<vmem>>, vector<16xf32>,
        tpu.vector_store %arg12[%swap3A_283, %swap3A_284], %mul3A_282 {strides = array<i32>} : memref<128x128xf32, #tpu.memory_space<vmem>>, vector<16xf32>,
        %scan3A_286 = arith.constant 2 : i32
        %scan3A_287 = arith.addi %scan3A_163, %scan3A_286 : i32
        %mul3A_288 = arith.constant 1 : i32
        %mul3A_289 = arith.muli %scan3A_287, %mul3A_288 : i32
        %add3A_290 = arith.constant 0 : i32
        %add3A_291 = arith.addi %add3A_290, %mul3A_289 : i32
        %broadcast_in_dim3A_292 = vector.broadcast %add3A_291 : i32 to vector<16xi32>
        %gather3A_293 = tpu.vector_load_idx %arg10[%broadcast_in_dim3A_292] : memref<128xf32, #tpu.memory_space<vmem>>[vector<16xi32>], vector<16xf32>,
        %get3A_294 = arith.index_cast %add3A_291 : i32 to index
        %get3A_295 = arith.constant 0 : index
        %get3A_296 = tpu.vector_load %arg12[%get3A_294, %get3A_295] {strides = array<i32>} : memref<128x128xf32, #tpu.memory_space<vmem>>, vector<16xf32>,
        %mul3A_297 = arith.mulf %get3A_296, %gather3A_293 : vector<16xf32>
        %swap3A_298 = arith.index_cast %add3A_291 : i32 to index
        %swap3A_299 = arith.constant 0 : index
        %swap3A_300 = tpu.vector_load %arg12[%swap3A_298, %swap3A_299] {strides = array<i32>} : memref<128x128xf32, #tpu.memory_space<vmem>>, vector<16xf32>,
        tpu.vector_store %arg12[%swap3A_298, %swap3A_299], %mul3A_297 {strides = array<i32>} : memref<128x128xf32, #tpu.memory_space<vmem>>, vector<16xf32>,
        %get3A_301 = arith.index_cast %add3A_291 : i32 to index
        %get3A_302 = arith.constant 16 : index
        %get3A_303 = tpu.vector_load %arg12[%get3A_301, %get3A_302] {strides = array<i32>} : memref<128x128xf32, #tpu.memory_space<vmem>>, vector<16xf32>,
        %mul3A_304 = arith.mulf %get3A_303, %gather3A_293 : vector<16xf32>
        %swap3A_305 = arith.index_cast %add3A_291 : i32 to index
        %swap3A_306 = arith.constant 16 : index
        %swap3A_307 = tpu.vector_load %arg12[%swap3A_305, %swap3A_306] {strides = array<i32>} : memref<128x128xf32, #tpu.memory_space<vmem>>, vector<16xf32>,
        tpu.vector_store %arg12[%swap3A_305, %swap3A_306], %mul3A_304 {strides = array<i32>} : memref<128x128xf32, #tpu.memory_space<vmem>>, vector<16xf32>,
        %get3A_308 = arith.index_cast %add3A_291 : i32 to index
        %get3A_309 = arith.constant 32 : index
        %get3A_310 = tpu.vector_load %arg12[%get3A_308, %get3A_309] {strides = array<i32>} : memref<128x128xf32, #tpu.memory_space<vmem>>, vector<16xf32>,
        %mul3A_311 = arith.mulf %get3A_310, %gather3A_293 : vector<16xf32>
        %swap3A_312 = arith.index_cast %add3A_291 : i32 to index
        %swap3A_313 = arith.constant 32 : index
        %swap3A_314 = tpu.vector_load %arg12[%swap3A_312, %swap3A_313] {strides = array<i32>} : memref<128x128xf32, #tpu.memory_space<vmem>>, vector<16xf32>,
        tpu.vector_store %arg12[%swap3A_312, %swap3A_313], %mul3A_311 {strides = array<i32>} : memref<128x128xf32, #tpu.memory_space<vmem>>, vector<16xf32>,
        %get3A_315 = arith.index_cast %add3A_291 : i32 to index
        %get3A_316 = arith.constant 48 : index
        %get3A_317 = tpu.vector_load %arg12[%get3A_315, %get3A_316] {strides = array<i32>} : memref<128x128xf32, #tpu.memory_space<vmem>>, vector<16xf32>,
        %mul3A_318 = arith.mulf %get3A_317, %gather3A_293 : vector<16xf32>
        %swap3A_319 = arith.index_cast %add3A_291 : i32 to index
        %swap3A_320 = arith.constant 48 : index
        %swap3A_321 = tpu.vector_load %arg12[%swap3A_319, %swap3A_320] {strides = array<i32>} : memref<128x128xf32, #tpu.memory_space<vmem>>, vector<16xf32>,
        tpu.vector_store %arg12[%swap3A_319, %swap3A_320], %mul3A_318 {strides = array<i32>} : memref<128x128xf32, #tpu.memory_space<vmem>>, vector<16xf32>,
        %get3A_322 = arith.index_cast %add3A_291 : i32 to index
        %get3A_323 = arith.constant 64 : index
        %get3A_324 = tpu.vector_load %arg12[%get3A_322, %get3A_323] {strides = array<i32>} : memref<128x128xf32, #tpu.memory_space<vmem>>, vector<16xf32>,
        %mul3A_325 = arith.mulf %get3A_324, %gather3A_293 : vector<16xf32>
        %swap3A_326 = arith.index_cast %add3A_291 : i32 to index
        %swap3A_327 = arith.constant 64 : index
        %swap3A_328 = tpu.vector_load %arg12[%swap3A_326, %swap3A_327] {strides = array<i32>} : memref<128x128xf32, #tpu.memory_space<vmem>>, vector<16xf32>,
        tpu.vector_store %arg12[%swap3A_326, %swap3A_327], %mul3A_325 {strides = array<i32>} : memref<128x128xf32, #tpu.memory_space<vmem>>, vector<16xf32>,
        %get3A_329 = arith.index_cast %add3A_291 : i32 to index
        %get3A_330 = arith.constant 80 : index
        %get3A_331 = tpu.vector_load %arg12[%get3A_329, %get3A_330] {strides = array<i32>} : memref<128x128xf32, #tpu.memory_space<vmem>>, vector<16xf32>,
        %mul3A_332 = arith.mulf %get3A_331, %gather3A_293 : vector<16xf32>
        %swap3A_333 = arith.index_cast %add3A_291 : i32 to index
        %swap3A_334 = arith.constant 80 : index
        %swap3A_335 = tpu.vector_load %arg12[%swap3A_333, %swap3A_334] {strides = array<i32>} : memref<128x128xf32, #tpu.memory_space<vmem>>, vector<16xf32>,
        tpu.vector_store %arg12[%swap3A_333, %swap3A_334], %mul3A_332 {strides = array<i32>} : memref<128x128xf32, #tpu.memory_space<vmem>>, vector<16xf32>,
        %get3A_336 = arith.index_cast %add3A_291 : i32 to index
        %get3A_337 = arith.constant 96 : index
        %get3A_338 = tpu.vector_load %arg12[%get3A_336, %get3A_337] {strides = array<i32>} : memref<128x128xf32, #tpu.memory_space<vmem>>, vector<16xf32>,
        %mul3A_339 = arith.mulf %get3A_338, %gather3A_293 : vector<16xf32>
        %swap3A_340 = arith.index_cast %add3A_291 : i32 to index
        %swap3A_341 = arith.constant 96 : index
        %swap3A_342 = tpu.vector_load %arg12[%swap3A_340, %swap3A_341] {strides = array<i32>} : memref<128x128xf32, #tpu.memory_space<vmem>>, vector<16xf32>,
        tpu.vector_store %arg12[%swap3A_340, %swap3A_341], %mul3A_339 {strides = array<i32>} : memref<128x128xf32, #tpu.memory_space<vmem>>, vector<16xf32>,
        %get3A_343 = arith.index_cast %add3A_291 : i32 to index
        %get3A_344 = arith.constant 112 : index
        %get3A_345 = tpu.vector_load %arg12[%get3A_343, %get3A_344] {strides = array<i32>} : memref<128x128xf32, #tpu.memory_space<vmem>>, vector<16xf32>,
        %mul3A_346 = arith.mulf %get3A_345, %gather3A_293 : vector<16xf32>
        %swap3A_347 = arith.index_cast %add3A_291 : i32 to index
        %swap3A_348 = arith.constant 112 : index
        %swap3A_349 = tpu.vector_load %arg12[%swap3A_347, %swap3A_348] {strides = array<i32>} : memref<128x128xf32, #tpu.memory_space<vmem>>, vector<16xf32>,
        tpu.vector_store %arg12[%swap3A_347, %swap3A_348], %mul3A_346 {strides = array<i32>} : memref<128x128xf32, #tpu.memory_space<vmem>>, vector<16xf32>,
        %scan3A_350 = arith.constant 3 : i32
        %scan3A_351 = arith.addi %scan3A_163, %scan3A_350 : i32
        %mul3A_352 = arith.constant 1 : i32
        %mul3A_353 = arith.muli %scan3A_351, %mul3A_352 : i32
        %add3A_354 = arith.constant 0 : i32
        %add3A_355 = arith.addi %add3A_354, %mul3A_353 : i32
        %broadcast_in_dim3A_356 = vector.broadcast %add3A_355 : i32 to vector<16xi32>
        %gather3A_357 = tpu.vector_load_idx %arg10[%broadcast_in_dim3A_356] : memref<128xf32, #tpu.memory_space<vmem>>[vector<16xi32>], vector<16xf32>,
        %get3A_358 = arith.index_cast %add3A_355 : i32 to index
        %get3A_359 = arith.constant 0 : index
        %get3A_360 = tpu.vector_load %arg12[%get3A_358, %get3A_359] {strides = array<i32>} : memref<128x128xf32, #tpu.memory_space<vmem>>, vector<16xf32>,
        %mul3A_361 = arith.mulf %get3A_360, %gather3A_357 : vector<16xf32>
        %swap3A_362 = arith.index_cast %add3A_355 : i32 to index
        %swap3A_363 = arith.constant 0 : index
        %swap3A_364 = tpu.vector_load %arg12[%swap3A_362, %swap3A_363] {strides = array<i32>} : memref<128x128xf32, #tpu.memory_space<vmem>>, vector<16xf32>,
        tpu.vector_store %arg12[%swap3A_362, %swap3A_363], %mul3A_361 {strides = array<i32>} : memref<128x128xf32, #tpu.memory_space<vmem>>, vector<16xf32>,
        %get3A_365 = arith.index_cast %add3A_355 : i32 to index
        %get3A_366 = arith.constant 16 : index
        %get3A_367 = tpu.vector_load %arg12[%get3A_365, %get3A_366] {strides = array<i32>} : memref<128x128xf32, #tpu.memory_space<vmem>>, vector<16xf32>,
        %mul3A_368 = arith.mulf %get3A_367, %gather3A_357 : vector<16xf32>
        %swap3A_369 = arith.index_cast %add3A_355 : i32 to index
        %swap3A_370 = arith.constant 16 : index
        %swap3A_371 = tpu.vector_load %arg12[%swap3A_369, %swap3A_370] {strides = array<i32>} : memref<128x128xf32, #tpu.memory_space<vmem>>, vector<16xf32>,
        tpu.vector_store %arg12[%swap3A_369, %swap3A_370], %mul3A_368 {strides = array<i32>} : memref<128x128xf32, #tpu.memory_space<vmem>>, vector<16xf32>,
        %get3A_372 = arith.index_cast %add3A_355 : i32 to index
        %get3A_373 = arith.constant 32 : index
        %get3A_374 = tpu.vector_load %arg12[%get3A_372, %get3A_373] {strides = array<i32>} : memref<128x128xf32, #tpu.memory_space<vmem>>, vector<16xf32>,
        %mul3A_375 = arith.mulf %get3A_374, %gather3A_357 : vector<16xf32>
        %swap3A_376 = arith.index_cast %add3A_355 : i32 to index
        %swap3A_377 = arith.constant 32 : index
        %swap3A_378 = tpu.vector_load %arg12[%swap3A_376, %swap3A_377] {strides = array<i32>} : memref<128x128xf32, #tpu.memory_space<vmem>>, vector<16xf32>,
        tpu.vector_store %arg12[%swap3A_376, %swap3A_377], %mul3A_375 {strides = array<i32>} : memref<128x128xf32, #tpu.memory_space<vmem>>, vector<16xf32>,
        %get3A_379 = arith.index_cast %add3A_355 : i32 to index
        %get3A_380 = arith.constant 48 : index
        %get3A_381 = tpu.vector_load %arg12[%get3A_379, %get3A_380] {strides = array<i32>} : memref<128x128xf32, #tpu.memory_space<vmem>>, vector<16xf32>,
        %mul3A_382 = arith.mulf %get3A_381, %gather3A_357 : vector<16xf32>
        %swap3A_383 = arith.index_cast %add3A_355 : i32 to index
        %swap3A_384 = arith.constant 48 : index
        %swap3A_385 = tpu.vector_load %arg12[%swap3A_383, %swap3A_384] {strides = array<i32>} : memref<128x128xf32, #tpu.memory_space<vmem>>, vector<16xf32>,
        tpu.vector_store %arg12[%swap3A_383, %swap3A_384], %mul3A_382 {strides = array<i32>} : memref<128x128xf32, #tpu.memory_space<vmem>>, vector<16xf32>,
        %get3A_386 = arith.index_cast %add3A_355 : i32 to index
        %get3A_387 = arith.constant 64 : index
        %get3A_388 = tpu.vector_load %arg12[%get3A_386, %get3A_387] {strides = array<i32>} : memref<128x128xf32, #tpu.memory_space<vmem>>, vector<16xf32>,
        %mul3A_389 = arith.mulf %get3A_388, %gather3A_357 : vector<16xf32>
        %swap3A_390 = arith.index_cast %add3A_355 : i32 to index
        %swap3A_391 = arith.constant 64 : index
        %swap3A_392 = tpu.vector_load %arg12[%swap3A_390, %swap3A_391] {strides = array<i32>} : memref<128x128xf32, #tpu.memory_space<vmem>>, vector<16xf32>,
        tpu.vector_store %arg12[%swap3A_390, %swap3A_391], %mul3A_389 {strides = array<i32>} : memref<128x128xf32, #tpu.memory_space<vmem>>, vector<16xf32>,
        %get3A_393 = arith.index_cast %add3A_355 : i32 to index
        %get3A_394 = arith.constant 80 : index
        %get3A_395 = tpu.vector_load %arg12[%get3A_393, %get3A_394] {strides = array<i32>} : memref<128x128xf32, #tpu.memory_space<vmem>>, vector<16xf32>,
        %mul3A_396 = arith.mulf %get3A_395, %gather3A_357 : vector<16xf32>
        %swap3A_397 = arith.index_cast %add3A_355 : i32 to index
        %swap3A_398 = arith.constant 80 : index
        %swap3A_399 = tpu.vector_load %arg12[%swap3A_397, %swap3A_398] {strides = array<i32>} : memref<128x128xf32, #tpu.memory_space<vmem>>, vector<16xf32>,
        tpu.vector_store %arg12[%swap3A_397, %swap3A_398], %mul3A_396 {strides = array<i32>} : memref<128x128xf32, #tpu.memory_space<vmem>>, vector<16xf32>,
        %get3A_400 = arith.index_cast %add3A_355 : i32 to index
        %get3A_401 = arith.constant 96 : index
        %get3A_402 = tpu.vector_load %arg12[%get3A_400, %get3A_401] {strides = array<i32>} : memref<128x128xf32, #tpu.memory_space<vmem>>, vector<16xf32>,
        %mul3A_403 = arith.mulf %get3A_402, %gather3A_357 : vector<16xf32>
        %swap3A_404 = arith.index_cast %add3A_355 : i32 to index
        %swap3A_405 = arith.constant 96 : index
        %swap3A_406 = tpu.vector_load %arg12[%swap3A_404, %swap3A_405] {strides = array<i32>} : memref<128x128xf32, #tpu.memory_space<vmem>>, vector<16xf32>,
        tpu.vector_store %arg12[%swap3A_404, %swap3A_405], %mul3A_403 {strides = array<i32>} : memref<128x128xf32, #tpu.memory_space<vmem>>, vector<16xf32>,
        %get3A_407 = arith.index_cast %add3A_355 : i32 to index
        %get3A_408 = arith.constant 112 : index
        %get3A_409 = tpu.vector_load %arg12[%get3A_407, %get3A_408] {strides = array<i32>} : memref<128x128xf32, #tpu.memory_space<vmem>>, vector<16xf32>,
        %mul3A_410 = arith.mulf %get3A_409, %gather3A_357 : vector<16xf32>
        %swap3A_411 = arith.index_cast %add3A_355 : i32 to index
        %swap3A_412 = arith.constant 112 : index
        %swap3A_413 = tpu.vector_load %arg12[%swap3A_411, %swap3A_412] {strides = array<i32>} : memref<128x128xf32, #tpu.memory_space<vmem>>, vector<16xf32>,
        tpu.vector_store %arg12[%swap3A_411, %swap3A_412], %mul3A_410 {strides = array<i32>} : memref<128x128xf32, #tpu.memory_space<vmem>>, vector<16xf32>,
      }
      %scan3A_134 = arith.constant 128 : i32
      %dma_wait3A_135 = arith.constant 1 : i32
      %dma_wait3A_136 = arith.constant 0 : i32
      %dma_wait3A_137 = tpu.memref_slice %arg3[%dma_wait3A_135, %dma_wait3A_136] : memref<2x320000xi32, #tpu.memory_space<hbm>> -> memref<1x128xi32, #tpu.memory_space<hbm>>
      %dma_wait3A_138 = tpu.memref_squeeze %dma_wait3A_137 : memref<1x128xi32, #tpu.memory_space<hbm>> -> memref<128xi32, #tpu.memory_space<hbm>>
      %dma_wait3A_139 = arith.constant 0 : i32
      %dma_wait3A_140 = tpu.memref_slice %arg3[%dma_wait3A_135, %dma_wait3A_139] : memref<2x320000xi32, #tpu.memory_space<hbm>> -> memref<1x128xi32, #tpu.memory_space<hbm>>
      %dma_wait3A_141 = tpu.memref_squeeze %dma_wait3A_140 : memref<1x128xi32, #tpu.memory_space<hbm>> -> memref<128xi32, #tpu.memory_space<hbm>>
      tpu.wait_dma2 semaphore(%arg19 : memref<!tpu.dma_semaphore, #tpu.memory_space<semaphore_mem>>) src(%dma_wait3A_141 : memref<128xi32, #tpu.memory_space<hbm>>) dst(%arg8 : memref<128xi32, #tpu.memory_space<vmem>>)
      %dma_start3A_142 = arith.constant 0 : i32
      %dma_start3A_143 = arith.constant 0 : i32
      %dma_start3A_144 = tpu.memref_slice %arg14[%dma_start3A_142, %dma_start3A_143] : memref<10240x128xf32, #tpu.memory_space<vmem_shared>> -> memref<10240x128xf32, #tpu.memory_space<vmem_shared>>
      tpu.enqueue_indirect_dma source(%arg12 : memref<128x128xf32, #tpu.memory_space<vmem>>) target(%dma_start3A_144 : memref<10240x128xf32, #tpu.memory_space<vmem_shared>>) offsets(%arg8 : memref<128xi32, #tpu.memory_space<vmem>>) semaphore(%arg21 : memref<!tpu.dma_semaphore, #tpu.memory_space<semaphore_mem>>) {add = true}
      %add3A_145 = arith.constant 2 : i32
      %add3A_146 = arith.addi %mul3A_120, %add3A_145 : i32
      %lt3A_147 = arith.cmpi slt, %add3A_146, %add3A_4 : i32
      %convert_element_type3A_148 = arith.extui %lt3A_147 : i1 to i32
      %cond3A_149 = arith.constant 0 : i32
      %cond3A_150 = arith.cmpi ne, %convert_element_type3A_148, %cond3A_149 : i32
      scf.if %cond3A_150 {
        %add3A_163 = arith.addi %add3A_8, %mul3A_120 : i32
        %add3A_164 = arith.constant 2 : i32
        %add3A_165 = arith.addi %add3A_163, %add3A_164 : i32
        %mul3A_166 = arith.constant 128 : i32
        %mul3A_167 = arith.muli %add3A_165, %mul3A_166 : i32
        %dma_start3A_168 = arith.constant 0 : i32
        %dma_start3A_169 = tpu.memref_slice %arg3[%dma_start3A_168, %mul3A_167] : memref<2x320000xi32, #tpu.memory_space<hbm>> -> memref<1x128xi32, #tpu.memory_space<hbm>>
        %dma_start3A_170 = tpu.memref_squeeze %dma_start3A_169 : memref<1x128xi32, #tpu.memory_space<hbm>> -> memref<128xi32, #tpu.memory_space<hbm>>
        %dma_start3A_171 = tpu.memref_slice %arg3[%dma_start3A_168, %mul3A_167] : memref<2x320000xi32, #tpu.memory_space<hbm>> -> memref<1x128xi32, #tpu.memory_space<hbm>>
        %dma_start3A_172 = tpu.memref_squeeze %dma_start3A_171 : memref<1x128xi32, #tpu.memory_space<hbm>> -> memref<128xi32, #tpu.memory_space<hbm>>
        tpu.enqueue_dma source(%dma_start3A_172 : memref<128xi32, #tpu.memory_space<hbm>>) target(%arg6 : memref<128xi32, #tpu.memory_space<vmem>>) target_semaphore(%arg17 : memref<!tpu.dma_semaphore, #tpu.memory_space<semaphore_mem>>)
        %mul3A_173 = arith.constant 128 : i32
        %mul3A_174 = arith.muli %add3A_165, %mul3A_173 : i32
        %dma_start3A_175 = tpu.memref_slice %arg4[%mul3A_174] : memref<320000xf32, #tpu.memory_space<hbm>> -> memref<128xf32, #tpu.memory_space<hbm>>
        %dma_start3A_176 = tpu.memref_slice %arg4[%mul3A_174] : memref<320000xf32, #tpu.memory_space<hbm>> -> memref<128xf32, #tpu.memory_space<hbm>>
        tpu.enqueue_dma source(%dma_start3A_176 : memref<128xf32, #tpu.memory_space<hbm>>) target(%arg10 : memref<128xf32, #tpu.memory_space<vmem>>) target_semaphore(%arg17 : memref<!tpu.dma_semaphore, #tpu.memory_space<semaphore_mem>>)
      } else {
      }
      %add3A_151 = arith.constant 1 : i32
      %add3A_152 = arith.addi %mul3A_120, %add3A_151 : i32
      %lt3A_153 = arith.cmpi slt, %add3A_152, %add3A_4 : i32
      %convert_element_type3A_154 = arith.extui %lt3A_153 : i1 to i32
      %cond3A_155 = arith.constant 0 : i32
      %cond3A_156 = arith.cmpi ne, %convert_element_type3A_154, %cond3A_155 : i32
      scf.if %cond3A_156 {
        %dma_wait3A_163 = arith.constant 0 : i32
        %dma_wait3A_164 = arith.constant 0 : i32
        %dma_wait3A_165 = tpu.memref_slice %arg2[%dma_wait3A_163, %dma_wait3A_164] : memref<10000x128xf32, #tpu.memory_space<hbm>> -> memref<10000x128xf32, #tpu.memory_space<hbm>>
        tpu.wait_indirect_dma semaphore(%arg16 : memref<!tpu.dma_semaphore, #tpu.memory_space<semaphore_mem>>) src(%dma_wait3A_165 : memref<10000x128xf32, #tpu.memory_space<hbm>>) dst(%arg13 : memref<128x128xf32, #tpu.memory_space<vmem>>)
        %scan3A_166 = arith.constant 0 : i32
        %scan3A_167 = arith.constant 128 : i32
        %scan3A_168 = arith.addi %scan3A_166, %scan3A_167 : i32
        %scan3A_169 = arith.constant 4 : i32
        scf.for %scan3A_187 = %scan3A_166 to %scan3A_168 step %scan3A_169  : i32 {
          %mul3A_188 = arith.constant 1 : i32
          %mul3A_189 = arith.muli %scan3A_187, %mul3A_188 : i32
          %add3A_190 = arith.constant 0 : i32
          %add3A_191 = arith.addi %add3A_190, %mul3A_189 : i32
          %broadcast_in_dim3A = vector.broadcast %add3A_191 : i32 to vector<16xi32>
          %gather3A = tpu.vector_load_idx %arg11[%broadcast_in_dim3A] : memref<128xf32, #tpu.memory_space<vmem>>[vector<16xi32>], vector<16xf32>,
          %get3A = arith.index_cast %add3A_191 : i32 to index
          %get3A_192 = arith.constant 0 : index
          %get3A_193 = tpu.vector_load %arg13[%get3A, %get3A_192] {strides = array<i32>} : memref<128x128xf32, #tpu.memory_space<vmem>>, vector<16xf32>,
          %mul3A_194 = arith.mulf %get3A_193, %gather3A : vector<16xf32>
          %swap3A = arith.index_cast %add3A_191 : i32 to index
          %swap3A_195 = arith.constant 0 : index
          %swap3A_196 = tpu.vector_load %arg13[%swap3A, %swap3A_195] {strides = array<i32>} : memref<128x128xf32, #tpu.memory_space<vmem>>, vector<16xf32>,
          tpu.vector_store %arg13[%swap3A, %swap3A_195], %mul3A_194 {strides = array<i32>} : memref<128x128xf32, #tpu.memory_space<vmem>>, vector<16xf32>,
          %get3A_197 = arith.index_cast %add3A_191 : i32 to index
          %get3A_198 = arith.constant 16 : index
          %get3A_199 = tpu.vector_load %arg13[%get3A_197, %get3A_198] {strides = array<i32>} : memref<128x128xf32, #tpu.memory_space<vmem>>, vector<16xf32>,
          %mul3A_200 = arith.mulf %get3A_199, %gather3A : vector<16xf32>
          %swap3A_201 = arith.index_cast %add3A_191 : i32 to index
          %swap3A_202 = arith.constant 16 : index
          %swap3A_203 = tpu.vector_load %arg13[%swap3A_201, %swap3A_202] {strides = array<i32>} : memref<128x128xf32, #tpu.memory_space<vmem>>, vector<16xf32>,
          tpu.vector_store %arg13[%swap3A_201, %swap3A_202], %mul3A_200 {strides = array<i32>} : memref<128x128xf32, #tpu.memory_space<vmem>>, vector<16xf32>,
          %get3A_204 = arith.index_cast %add3A_191 : i32 to index
          %get3A_205 = arith.constant 32 : index
          %get3A_206 = tpu.vector_load %arg13[%get3A_204, %get3A_205] {strides = array<i32>} : memref<128x128xf32, #tpu.memory_space<vmem>>, vector<16xf32>,
          %mul3A_207 = arith.mulf %get3A_206, %gather3A : vector<16xf32>
          %swap3A_208 = arith.index_cast %add3A_191 : i32 to index
          %swap3A_209 = arith.constant 32 : index
          %swap3A_210 = tpu.vector_load %arg13[%swap3A_208, %swap3A_209] {strides = array<i32>} : memref<128x128xf32, #tpu.memory_space<vmem>>, vector<16xf32>,
          tpu.vector_store %arg13[%swap3A_208, %swap3A_209], %mul3A_207 {strides = array<i32>} : memref<128x128xf32, #tpu.memory_space<vmem>>, vector<16xf32>,
          %get3A_211 = arith.index_cast %add3A_191 : i32 to index
          %get3A_212 = arith.constant 48 : index
          %get3A_213 = tpu.vector_load %arg13[%get3A_211, %get3A_212] {strides = array<i32>} : memref<128x128xf32, #tpu.memory_space<vmem>>, vector<16xf32>,
          %mul3A_214 = arith.mulf %get3A_213, %gather3A : vector<16xf32>
          %swap3A_215 = arith.index_cast %add3A_191 : i32 to index
          %swap3A_216 = arith.constant 48 : index
          %swap3A_217 = tpu.vector_load %arg13[%swap3A_215, %swap3A_216] {strides = array<i32>} : memref<128x128xf32, #tpu.memory_space<vmem>>, vector<16xf32>,
          tpu.vector_store %arg13[%swap3A_215, %swap3A_216], %mul3A_214 {strides = array<i32>} : memref<128x128xf32, #tpu.memory_space<vmem>>, vector<16xf32>,
          %get3A_218 = arith.index_cast %add3A_191 : i32 to index
          %get3A_219 = arith.constant 64 : index
          %get3A_220 = tpu.vector_load %arg13[%get3A_218, %get3A_219] {strides = array<i32>} : memref<128x128xf32, #tpu.memory_space<vmem>>, vector<16xf32>,
          %mul3A_221 = arith.mulf %get3A_220, %gather3A : vector<16xf32>
          %swap3A_222 = arith.index_cast %add3A_191 : i32 to index
          %swap3A_223 = arith.constant 64 : index
          %swap3A_224 = tpu.vector_load %arg13[%swap3A_222, %swap3A_223] {strides = array<i32>} : memref<128x128xf32, #tpu.memory_space<vmem>>, vector<16xf32>,
          tpu.vector_store %arg13[%swap3A_222, %swap3A_223], %mul3A_221 {strides = array<i32>} : memref<128x128xf32, #tpu.memory_space<vmem>>, vector<16xf32>,
          %get3A_225 = arith.index_cast %add3A_191 : i32 to index
          %get3A_226 = arith.constant 80 : index
          %get3A_227 = tpu.vector_load %arg13[%get3A_225, %get3A_226] {strides = array<i32>} : memref<128x128xf32, #tpu.memory_space<vmem>>, vector<16xf32>,
          %mul3A_228 = arith.mulf %get3A_227, %gather3A : vector<16xf32>
          %swap3A_229 = arith.index_cast %add3A_191 : i32 to index
          %swap3A_230 = arith.constant 80 : index
          %swap3A_231 = tpu.vector_load %arg13[%swap3A_229, %swap3A_230] {strides = array<i32>} : memref<128x128xf32, #tpu.memory_space<vmem>>, vector<16xf32>,
          tpu.vector_store %arg13[%swap3A_229, %swap3A_230], %mul3A_228 {strides = array<i32>} : memref<128x128xf32, #tpu.memory_space<vmem>>, vector<16xf32>,
          %get3A_232 = arith.index_cast %add3A_191 : i32 to index
          %get3A_233 = arith.constant 96 : index
          %get3A_234 = tpu.vector_load %arg13[%get3A_232, %get3A_233] {strides = array<i32>} : memref<128x128xf32, #tpu.memory_space<vmem>>, vector<16xf32>,
          %mul3A_235 = arith.mulf %get3A_234, %gather3A : vector<16xf32>
          %swap3A_236 = arith.index_cast %add3A_191 : i32 to index
          %swap3A_237 = arith.constant 96 : index
          %swap3A_238 = tpu.vector_load %arg13[%swap3A_236, %swap3A_237] {strides = array<i32>} : memref<128x128xf32, #tpu.memory_space<vmem>>, vector<16xf32>,
          tpu.vector_store %arg13[%swap3A_236, %swap3A_237], %mul3A_235 {strides = array<i32>} : memref<128x128xf32, #tpu.memory_space<vmem>>, vector<16xf32>,
          %get3A_239 = arith.index_cast %add3A_191 : i32 to index
          %get3A_240 = arith.constant 112 : index
          %get3A_241 = tpu.vector_load %arg13[%get3A_239, %get3A_240] {strides = array<i32>} : memref<128x128xf32, #tpu.memory_space<vmem>>, vector<16xf32>,
          %mul3A_242 = arith.mulf %get3A_241, %gather3A : vector<16xf32>
          %swap3A_243 = arith.index_cast %add3A_191 : i32 to index
          %swap3A_244 = arith.constant 112 : index
          %swap3A_245 = tpu.vector_load %arg13[%swap3A_243, %swap3A_244] {strides = array<i32>} : memref<128x128xf32, #tpu.memory_space<vmem>>, vector<16xf32>,
          tpu.vector_store %arg13[%swap3A_243, %swap3A_244], %mul3A_242 {strides = array<i32>} : memref<128x128xf32, #tpu.memory_space<vmem>>, vector<16xf32>,
          %scan3A_246 = arith.constant 1 : i32
          %scan3A_247 = arith.addi %scan3A_187, %scan3A_246 : i32
          %mul3A_248 = arith.constant 1 : i32
          %mul3A_249 = arith.muli %scan3A_247, %mul3A_248 : i32
          %add3A_250 = arith.constant 0 : i32
          %add3A_251 = arith.addi %add3A_250, %mul3A_249 : i32
          %broadcast_in_dim3A_252 = vector.broadcast %add3A_251 : i32 to vector<16xi32>
          %gather3A_253 = tpu.vector_load_idx %arg11[%broadcast_in_dim3A_252] : memref<128xf32, #tpu.memory_space<vmem>>[vector<16xi32>], vector<16xf32>,
          %get3A_254 = arith.index_cast %add3A_251 : i32 to index
          %get3A_255 = arith.constant 0 : index
          %get3A_256 = tpu.vector_load %arg13[%get3A_254, %get3A_255] {strides = array<i32>} : memref<128x128xf32, #tpu.memory_space<vmem>>, vector<16xf32>,
          %mul3A_257 = arith.mulf %get3A_256, %gather3A_253 : vector<16xf32>
          %swap3A_258 = arith.index_cast %add3A_251 : i32 to index
          %swap3A_259 = arith.constant 0 : index
          %swap3A_260 = tpu.vector_load %arg13[%swap3A_258, %swap3A_259] {strides = array<i32>} : memref<128x128xf32, #tpu.memory_space<vmem>>, vector<16xf32>,
          tpu.vector_store %arg13[%swap3A_258, %swap3A_259], %mul3A_257 {strides = array<i32>} : memref<128x128xf32, #tpu.memory_space<vmem>>, vector<16xf32>,
          %get3A_261 = arith.index_cast %add3A_251 : i32 to index
          %get3A_262 = arith.constant 16 : index
          %get3A_263 = tpu.vector_load %arg13[%get3A_261, %get3A_262] {strides = array<i32>} : memref<128x128xf32, #tpu.memory_space<vmem>>, vector<16xf32>,
          %mul3A_264 = arith.mulf %get3A_263, %gather3A_253 : vector<16xf32>
          %swap3A_265 = arith.index_cast %add3A_251 : i32 to index
          %swap3A_266 = arith.constant 16 : index
          %swap3A_267 = tpu.vector_load %arg13[%swap3A_265, %swap3A_266] {strides = array<i32>} : memref<128x128xf32, #tpu.memory_space<vmem>>, vector<16xf32>,
          tpu.vector_store %arg13[%swap3A_265, %swap3A_266], %mul3A_264 {strides = array<i32>} : memref<128x128xf32, #tpu.memory_space<vmem>>, vector<16xf32>,
          %get3A_268 = arith.index_cast %add3A_251 : i32 to index
          %get3A_269 = arith.constant 32 : index
          %get3A_270 = tpu.vector_load %arg13[%get3A_268, %get3A_269] {strides = array<i32>} : memref<128x128xf32, #tpu.memory_space<vmem>>, vector<16xf32>,
          %mul3A_271 = arith.mulf %get3A_270, %gather3A_253 : vector<16xf32>
          %swap3A_272 = arith.index_cast %add3A_251 : i32 to index
          %swap3A_273 = arith.constant 32 : index
          %swap3A_274 = tpu.vector_load %arg13[%swap3A_272, %swap3A_273] {strides = array<i32>} : memref<128x128xf32, #tpu.memory_space<vmem>>, vector<16xf32>,
          tpu.vector_store %arg13[%swap3A_272, %swap3A_273], %mul3A_271 {strides = array<i32>} : memref<128x128xf32, #tpu.memory_space<vmem>>, vector<16xf32>,
          %get3A_275 = arith.index_cast %add3A_251 : i32 to index
          %get3A_276 = arith.constant 48 : index
          %get3A_277 = tpu.vector_load %arg13[%get3A_275, %get3A_276] {strides = array<i32>} : memref<128x128xf32, #tpu.memory_space<vmem>>, vector<16xf32>,
          %mul3A_278 = arith.mulf %get3A_277, %gather3A_253 : vector<16xf32>
          %swap3A_279 = arith.index_cast %add3A_251 : i32 to index
          %swap3A_280 = arith.constant 48 : index
          %swap3A_281 = tpu.vector_load %arg13[%swap3A_279, %swap3A_280] {strides = array<i32>} : memref<128x128xf32, #tpu.memory_space<vmem>>, vector<16xf32>,
          tpu.vector_store %arg13[%swap3A_279, %swap3A_280], %mul3A_278 {strides = array<i32>} : memref<128x128xf32, #tpu.memory_space<vmem>>, vector<16xf32>,
          %get3A_282 = arith.index_cast %add3A_251 : i32 to index
          %get3A_283 = arith.constant 64 : index
          %get3A_284 = tpu.vector_load %arg13[%get3A_282, %get3A_283] {strides = array<i32>} : memref<128x128xf32, #tpu.memory_space<vmem>>, vector<16xf32>,
          %mul3A_285 = arith.mulf %get3A_284, %gather3A_253 : vector<16xf32>
          %swap3A_286 = arith.index_cast %add3A_251 : i32 to index
          %swap3A_287 = arith.constant 64 : index
          %swap3A_288 = tpu.vector_load %arg13[%swap3A_286, %swap3A_287] {strides = array<i32>} : memref<128x128xf32, #tpu.memory_space<vmem>>, vector<16xf32>,
          tpu.vector_store %arg13[%swap3A_286, %swap3A_287], %mul3A_285 {strides = array<i32>} : memref<128x128xf32, #tpu.memory_space<vmem>>, vector<16xf32>,
          %get3A_289 = arith.index_cast %add3A_251 : i32 to index
          %get3A_290 = arith.constant 80 : index
          %get3A_291 = tpu.vector_load %arg13[%get3A_289, %get3A_290] {strides = array<i32>} : memref<128x128xf32, #tpu.memory_space<vmem>>, vector<16xf32>,
          %mul3A_292 = arith.mulf %get3A_291, %gather3A_253 : vector<16xf32>
          %swap3A_293 = arith.index_cast %add3A_251 : i32 to index
          %swap3A_294 = arith.constant 80 : index
          %swap3A_295 = tpu.vector_load %arg13[%swap3A_293, %swap3A_294] {strides = array<i32>} : memref<128x128xf32, #tpu.memory_space<vmem>>, vector<16xf32>,
          tpu.vector_store %arg13[%swap3A_293, %swap3A_294], %mul3A_292 {strides = array<i32>} : memref<128x128xf32, #tpu.memory_space<vmem>>, vector<16xf32>,
          %get3A_296 = arith.index_cast %add3A_251 : i32 to index
          %get3A_297 = arith.constant 96 : index
          %get3A_298 = tpu.vector_load %arg13[%get3A_296, %get3A_297] {strides = array<i32>} : memref<128x128xf32, #tpu.memory_space<vmem>>, vector<16xf32>,
          %mul3A_299 = arith.mulf %get3A_298, %gather3A_253 : vector<16xf32>
          %swap3A_300 = arith.index_cast %add3A_251 : i32 to index
          %swap3A_301 = arith.constant 96 : index
          %swap3A_302 = tpu.vector_load %arg13[%swap3A_300, %swap3A_301] {strides = array<i32>} : memref<128x128xf32, #tpu.memory_space<vmem>>, vector<16xf32>,
          tpu.vector_store %arg13[%swap3A_300, %swap3A_301], %mul3A_299 {strides = array<i32>} : memref<128x128xf32, #tpu.memory_space<vmem>>, vector<16xf32>,
          %get3A_303 = arith.index_cast %add3A_251 : i32 to index
          %get3A_304 = arith.constant 112 : index
          %get3A_305 = tpu.vector_load %arg13[%get3A_303, %get3A_304] {strides = array<i32>} : memref<128x128xf32, #tpu.memory_space<vmem>>, vector<16xf32>,
          %mul3A_306 = arith.mulf %get3A_305, %gather3A_253 : vector<16xf32>
          %swap3A_307 = arith.index_cast %add3A_251 : i32 to index
          %swap3A_308 = arith.constant 112 : index
          %swap3A_309 = tpu.vector_load %arg13[%swap3A_307, %swap3A_308] {strides = array<i32>} : memref<128x128xf32, #tpu.memory_space<vmem>>, vector<16xf32>,
          tpu.vector_store %arg13[%swap3A_307, %swap3A_308], %mul3A_306 {strides = array<i32>} : memref<128x128xf32, #tpu.memory_space<vmem>>, vector<16xf32>,
          %scan3A_310 = arith.constant 2 : i32
          %scan3A_311 = arith.addi %scan3A_187, %scan3A_310 : i32
          %mul3A_312 = arith.constant 1 : i32
          %mul3A_313 = arith.muli %scan3A_311, %mul3A_312 : i32
          %add3A_314 = arith.constant 0 : i32
          %add3A_315 = arith.addi %add3A_314, %mul3A_313 : i32
          %broadcast_in_dim3A_316 = vector.broadcast %add3A_315 : i32 to vector<16xi32>
          %gather3A_317 = tpu.vector_load_idx %arg11[%broadcast_in_dim3A_316] : memref<128xf32, #tpu.memory_space<vmem>>[vector<16xi32>], vector<16xf32>,
          %get3A_318 = arith.index_cast %add3A_315 : i32 to index
          %get3A_319 = arith.constant 0 : index
          %get3A_320 = tpu.vector_load %arg13[%get3A_318, %get3A_319] {strides = array<i32>} : memref<128x128xf32, #tpu.memory_space<vmem>>, vector<16xf32>,
          %mul3A_321 = arith.mulf %get3A_320, %gather3A_317 : vector<16xf32>
          %swap3A_322 = arith.index_cast %add3A_315 : i32 to index
          %swap3A_323 = arith.constant 0 : index
          %swap3A_324 = tpu.vector_load %arg13[%swap3A_322, %swap3A_323] {strides = array<i32>} : memref<128x128xf32, #tpu.memory_space<vmem>>, vector<16xf32>,
          tpu.vector_store %arg13[%swap3A_322, %swap3A_323], %mul3A_321 {strides = array<i32>} : memref<128x128xf32, #tpu.memory_space<vmem>>, vector<16xf32>,
          %get3A_325 = arith.index_cast %add3A_315 : i32 to index
          %get3A_326 = arith.constant 16 : index
          %get3A_327 = tpu.vector_load %arg13[%get3A_325, %get3A_326] {strides = array<i32>} : memref<128x128xf32, #tpu.memory_space<vmem>>, vector<16xf32>,
          %mul3A_328 = arith.mulf %get3A_327, %gather3A_317 : vector<16xf32>
          %swap3A_329 = arith.index_cast %add3A_315 : i32 to index
          %swap3A_330 = arith.constant 16 : index
          %swap3A_331 = tpu.vector_load %arg13[%swap3A_329, %swap3A_330] {strides = array<i32>} : memref<128x128xf32, #tpu.memory_space<vmem>>, vector<16xf32>,
          tpu.vector_store %arg13[%swap3A_329, %swap3A_330], %mul3A_328 {strides = array<i32>} : memref<128x128xf32, #tpu.memory_space<vmem>>, vector<16xf32>,
          %get3A_332 = arith.index_cast %add3A_315 : i32 to index
          %get3A_333 = arith.constant 32 : index
          %get3A_334 = tpu.vector_load %arg13[%get3A_332, %get3A_333] {strides = array<i32>} : memref<128x128xf32, #tpu.memory_space<vmem>>, vector<16xf32>,
          %mul3A_335 = arith.mulf %get3A_334, %gather3A_317 : vector<16xf32>
          %swap3A_336 = arith.index_cast %add3A_315 : i32 to index
          %swap3A_337 = arith.constant 32 : index
          %swap3A_338 = tpu.vector_load %arg13[%swap3A_336, %swap3A_337] {strides = array<i32>} : memref<128x128xf32, #tpu.memory_space<vmem>>, vector<16xf32>,
          tpu.vector_store %arg13[%swap3A_336, %swap3A_337], %mul3A_335 {strides = array<i32>} : memref<128x128xf32, #tpu.memory_space<vmem>>, vector<16xf32>,
          %get3A_339 = arith.index_cast %add3A_315 : i32 to index
          %get3A_340 = arith.constant 48 : index
          %get3A_341 = tpu.vector_load %arg13[%get3A_339, %get3A_340] {strides = array<i32>} : memref<128x128xf32, #tpu.memory_space<vmem>>, vector<16xf32>,
          %mul3A_342 = arith.mulf %get3A_341, %gather3A_317 : vector<16xf32>
          %swap3A_343 = arith.index_cast %add3A_315 : i32 to index
          %swap3A_344 = arith.constant 48 : index
          %swap3A_345 = tpu.vector_load %arg13[%swap3A_343, %swap3A_344] {strides = array<i32>} : memref<128x128xf32, #tpu.memory_space<vmem>>, vector<16xf32>,
          tpu.vector_store %arg13[%swap3A_343, %swap3A_344], %mul3A_342 {strides = array<i32>} : memref<128x128xf32, #tpu.memory_space<vmem>>, vector<16xf32>,
          %get3A_346 = arith.index_cast %add3A_315 : i32 to index
          %get3A_347 = arith.constant 64 : index
          %get3A_348 = tpu.vector_load %arg13[%get3A_346, %get3A_347] {strides = array<i32>} : memref<128x128xf32, #tpu.memory_space<vmem>>, vector<16xf32>,
          %mul3A_349 = arith.mulf %get3A_348, %gather3A_317 : vector<16xf32>
          %swap3A_350 = arith.index_cast %add3A_315 : i32 to index
          %swap3A_351 = arith.constant 64 : index
          %swap3A_352 = tpu.vector_load %arg13[%swap3A_350, %swap3A_351] {strides = array<i32>} : memref<128x128xf32, #tpu.memory_space<vmem>>, vector<16xf32>,
          tpu.vector_store %arg13[%swap3A_350, %swap3A_351], %mul3A_349 {strides = array<i32>} : memref<128x128xf32, #tpu.memory_space<vmem>>, vector<16xf32>,
          %get3A_353 = arith.index_cast %add3A_315 : i32 to index
          %get3A_354 = arith.constant 80 : index
          %get3A_355 = tpu.vector_load %arg13[%get3A_353, %get3A_354] {strides = array<i32>} : memref<128x128xf32, #tpu.memory_space<vmem>>, vector<16xf32>,
          %mul3A_356 = arith.mulf %get3A_355, %gather3A_317 : vector<16xf32>
          %swap3A_357 = arith.index_cast %add3A_315 : i32 to index
          %swap3A_358 = arith.constant 80 : index
          %swap3A_359 = tpu.vector_load %arg13[%swap3A_357, %swap3A_358] {strides = array<i32>} : memref<128x128xf32, #tpu.memory_space<vmem>>, vector<16xf32>,
          tpu.vector_store %arg13[%swap3A_357, %swap3A_358], %mul3A_356 {strides = array<i32>} : memref<128x128xf32, #tpu.memory_space<vmem>>, vector<16xf32>,
          %get3A_360 = arith.index_cast %add3A_315 : i32 to index
          %get3A_361 = arith.constant 96 : index
          %get3A_362 = tpu.vector_load %arg13[%get3A_360, %get3A_361] {strides = array<i32>} : memref<128x128xf32, #tpu.memory_space<vmem>>, vector<16xf32>,
          %mul3A_363 = arith.mulf %get3A_362, %gather3A_317 : vector<16xf32>
          %swap3A_364 = arith.index_cast %add3A_315 : i32 to index
          %swap3A_365 = arith.constant 96 : index
          %swap3A_366 = tpu.vector_load %arg13[%swap3A_364, %swap3A_365] {strides = array<i32>} : memref<128x128xf32, #tpu.memory_space<vmem>>, vector<16xf32>,
          tpu.vector_store %arg13[%swap3A_364, %swap3A_365], %mul3A_363 {strides = array<i32>} : memref<128x128xf32, #tpu.memory_space<vmem>>, vector<16xf32>,
          %get3A_367 = arith.index_cast %add3A_315 : i32 to index
          %get3A_368 = arith.constant 112 : index
          %get3A_369 = tpu.vector_load %arg13[%get3A_367, %get3A_368] {strides = array<i32>} : memref<128x128xf32, #tpu.memory_space<vmem>>, vector<16xf32>,
          %mul3A_370 = arith.mulf %get3A_369, %gather3A_317 : vector<16xf32>
          %swap3A_371 = arith.index_cast %add3A_315 : i32 to index
          %swap3A_372 = arith.constant 112 : index
          %swap3A_373 = tpu.vector_load %arg13[%swap3A_371, %swap3A_372] {strides = array<i32>} : memref<128x128xf32, #tpu.memory_space<vmem>>, vector<16xf32>,
          tpu.vector_store %arg13[%swap3A_371, %swap3A_372], %mul3A_370 {strides = array<i32>} : memref<128x128xf32, #tpu.memory_space<vmem>>, vector<16xf32>,
          %scan3A_374 = arith.constant 3 : i32
          %scan3A_375 = arith.addi %scan3A_187, %scan3A_374 : i32
          %mul3A_376 = arith.constant 1 : i32
          %mul3A_377 = arith.muli %scan3A_375, %mul3A_376 : i32
          %add3A_378 = arith.constant 0 : i32
          %add3A_379 = arith.addi %add3A_378, %mul3A_377 : i32
          %broadcast_in_dim3A_380 = vector.broadcast %add3A_379 : i32 to vector<16xi32>
          %gather3A_381 = tpu.vector_load_idx %arg11[%broadcast_in_dim3A_380] : memref<128xf32, #tpu.memory_space<vmem>>[vector<16xi32>], vector<16xf32>,
          %get3A_382 = arith.index_cast %add3A_379 : i32 to index
          %get3A_383 = arith.constant 0 : index
          %get3A_384 = tpu.vector_load %arg13[%get3A_382, %get3A_383] {strides = array<i32>} : memref<128x128xf32, #tpu.memory_space<vmem>>, vector<16xf32>,
          %mul3A_385 = arith.mulf %get3A_384, %gather3A_381 : vector<16xf32>
          %swap3A_386 = arith.index_cast %add3A_379 : i32 to index
          %swap3A_387 = arith.constant 0 : index
          %swap3A_388 = tpu.vector_load %arg13[%swap3A_386, %swap3A_387] {strides = array<i32>} : memref<128x128xf32, #tpu.memory_space<vmem>>, vector<16xf32>,
          tpu.vector_store %arg13[%swap3A_386, %swap3A_387], %mul3A_385 {strides = array<i32>} : memref<128x128xf32, #tpu.memory_space<vmem>>, vector<16xf32>,
          %get3A_389 = arith.index_cast %add3A_379 : i32 to index
          %get3A_390 = arith.constant 16 : index
          %get3A_391 = tpu.vector_load %arg13[%get3A_389, %get3A_390] {strides = array<i32>} : memref<128x128xf32, #tpu.memory_space<vmem>>, vector<16xf32>,
          %mul3A_392 = arith.mulf %get3A_391, %gather3A_381 : vector<16xf32>
          %swap3A_393 = arith.index_cast %add3A_379 : i32 to index
          %swap3A_394 = arith.constant 16 : index
          %swap3A_395 = tpu.vector_load %arg13[%swap3A_393, %swap3A_394] {strides = array<i32>} : memref<128x128xf32, #tpu.memory_space<vmem>>, vector<16xf32>,
          tpu.vector_store %arg13[%swap3A_393, %swap3A_394], %mul3A_392 {strides = array<i32>} : memref<128x128xf32, #tpu.memory_space<vmem>>, vector<16xf32>,
          %get3A_396 = arith.index_cast %add3A_379 : i32 to index
          %get3A_397 = arith.constant 32 : index
          %get3A_398 = tpu.vector_load %arg13[%get3A_396, %get3A_397] {strides = array<i32>} : memref<128x128xf32, #tpu.memory_space<vmem>>, vector<16xf32>,
          %mul3A_399 = arith.mulf %get3A_398, %gather3A_381 : vector<16xf32>
          %swap3A_400 = arith.index_cast %add3A_379 : i32 to index
          %swap3A_401 = arith.constant 32 : index
          %swap3A_402 = tpu.vector_load %arg13[%swap3A_400, %swap3A_401] {strides = array<i32>} : memref<128x128xf32, #tpu.memory_space<vmem>>, vector<16xf32>,
          tpu.vector_store %arg13[%swap3A_400, %swap3A_401], %mul3A_399 {strides = array<i32>} : memref<128x128xf32, #tpu.memory_space<vmem>>, vector<16xf32>,
          %get3A_403 = arith.index_cast %add3A_379 : i32 to index
          %get3A_404 = arith.constant 48 : index
          %get3A_405 = tpu.vector_load %arg13[%get3A_403, %get3A_404] {strides = array<i32>} : memref<128x128xf32, #tpu.memory_space<vmem>>, vector<16xf32>,
          %mul3A_406 = arith.mulf %get3A_405, %gather3A_381 : vector<16xf32>
          %swap3A_407 = arith.index_cast %add3A_379 : i32 to index
          %swap3A_408 = arith.constant 48 : index
          %swap3A_409 = tpu.vector_load %arg13[%swap3A_407, %swap3A_408] {strides = array<i32>} : memref<128x128xf32, #tpu.memory_space<vmem>>, vector<16xf32>,
          tpu.vector_store %arg13[%swap3A_407, %swap3A_408], %mul3A_406 {strides = array<i32>} : memref<128x128xf32, #tpu.memory_space<vmem>>, vector<16xf32>,
          %get3A_410 = arith.index_cast %add3A_379 : i32 to index
          %get3A_411 = arith.constant 64 : index
          %get3A_412 = tpu.vector_load %arg13[%get3A_410, %get3A_411] {strides = array<i32>} : memref<128x128xf32, #tpu.memory_space<vmem>>, vector<16xf32>,
          %mul3A_413 = arith.mulf %get3A_412, %gather3A_381 : vector<16xf32>
          %swap3A_414 = arith.index_cast %add3A_379 : i32 to index
          %swap3A_415 = arith.constant 64 : index
          %swap3A_416 = tpu.vector_load %arg13[%swap3A_414, %swap3A_415] {strides = array<i32>} : memref<128x128xf32, #tpu.memory_space<vmem>>, vector<16xf32>,
          tpu.vector_store %arg13[%swap3A_414, %swap3A_415], %mul3A_413 {strides = array<i32>} : memref<128x128xf32, #tpu.memory_space<vmem>>, vector<16xf32>,
          %get3A_417 = arith.index_cast %add3A_379 : i32 to index
          %get3A_418 = arith.constant 80 : index
          %get3A_419 = tpu.vector_load %arg13[%get3A_417, %get3A_418] {strides = array<i32>} : memref<128x128xf32, #tpu.memory_space<vmem>>, vector<16xf32>,
          %mul3A_420 = arith.mulf %get3A_419, %gather3A_381 : vector<16xf32>
          %swap3A_421 = arith.index_cast %add3A_379 : i32 to index
          %swap3A_422 = arith.constant 80 : index
          %swap3A_423 = tpu.vector_load %arg13[%swap3A_421, %swap3A_422] {strides = array<i32>} : memref<128x128xf32, #tpu.memory_space<vmem>>, vector<16xf32>,
          tpu.vector_store %arg13[%swap3A_421, %swap3A_422], %mul3A_420 {strides = array<i32>} : memref<128x128xf32, #tpu.memory_space<vmem>>, vector<16xf32>,
          %get3A_424 = arith.index_cast %add3A_379 : i32 to index
          %get3A_425 = arith.constant 96 : index
          %get3A_426 = tpu.vector_load %arg13[%get3A_424, %get3A_425] {strides = array<i32>} : memref<128x128xf32, #tpu.memory_space<vmem>>, vector<16xf32>,
          %mul3A_427 = arith.mulf %get3A_426, %gather3A_381 : vector<16xf32>
          %swap3A_428 = arith.index_cast %add3A_379 : i32 to index
          %swap3A_429 = arith.constant 96 : index
          %swap3A_430 = tpu.vector_load %arg13[%swap3A_428, %swap3A_429] {strides = array<i32>} : memref<128x128xf32, #tpu.memory_space<vmem>>, vector<16xf32>,
          tpu.vector_store %arg13[%swap3A_428, %swap3A_429], %mul3A_427 {strides = array<i32>} : memref<128x128xf32, #tpu.memory_space<vmem>>, vector<16xf32>,
          %get3A_431 = arith.index_cast %add3A_379 : i32 to index
          %get3A_432 = arith.constant 112 : index
          %get3A_433 = tpu.vector_load %arg13[%get3A_431, %get3A_432] {strides = array<i32>} : memref<128x128xf32, #tpu.memory_space<vmem>>, vector<16xf32>,
          %mul3A_434 = arith.mulf %get3A_433, %gather3A_381 : vector<16xf32>
          %swap3A_435 = arith.index_cast %add3A_379 : i32 to index
          %swap3A_436 = arith.constant 112 : index
          %swap3A_437 = tpu.vector_load %arg13[%swap3A_435, %swap3A_436] {strides = array<i32>} : memref<128x128xf32, #tpu.memory_space<vmem>>, vector<16xf32>,
          tpu.vector_store %arg13[%swap3A_435, %swap3A_436], %mul3A_434 {strides = array<i32>} : memref<128x128xf32, #tpu.memory_space<vmem>>, vector<16xf32>,
        }
        %scan3A_170 = arith.constant 128 : i32
        %dma_wait3A_171 = arith.constant 1 : i32
        %dma_wait3A_172 = arith.constant 0 : i32
        %dma_wait3A_173 = tpu.memref_slice %arg3[%dma_wait3A_171, %dma_wait3A_172] : memref<2x320000xi32, #tpu.memory_space<hbm>> -> memref<1x128xi32, #tpu.memory_space<hbm>>
        %dma_wait3A_174 = tpu.memref_squeeze %dma_wait3A_173 : memref<1x128xi32, #tpu.memory_space<hbm>> -> memref<128xi32, #tpu.memory_space<hbm>>
        %dma_wait3A_175 = arith.constant 0 : i32
        %dma_wait3A_176 = tpu.memref_slice %arg3[%dma_wait3A_171, %dma_wait3A_175] : memref<2x320000xi32, #tpu.memory_space<hbm>> -> memref<1x128xi32, #tpu.memory_space<hbm>>
        %dma_wait3A_177 = tpu.memref_squeeze %dma_wait3A_176 : memref<1x128xi32, #tpu.memory_space<hbm>> -> memref<128xi32, #tpu.memory_space<hbm>>
        tpu.wait_dma2 semaphore(%arg20 : memref<!tpu.dma_semaphore, #tpu.memory_space<semaphore_mem>>) src(%dma_wait3A_177 : memref<128xi32, #tpu.memory_space<hbm>>) dst(%arg9 : memref<128xi32, #tpu.memory_space<vmem>>)
        %dma_start3A_178 = arith.constant 0 : i32
        %dma_start3A_179 = arith.constant 0 : i32
        %dma_start3A_180 = tpu.memref_slice %arg14[%dma_start3A_178, %dma_start3A_179] : memref<10240x128xf32, #tpu.memory_space<vmem_shared>> -> memref<10240x128xf32, #tpu.memory_space<vmem_shared>>
        tpu.enqueue_indirect_dma source(%arg13 : memref<128x128xf32, #tpu.memory_space<vmem>>) target(%dma_start3A_180 : memref<10240x128xf32, #tpu.memory_space<vmem_shared>>) offsets(%arg9 : memref<128xi32, #tpu.memory_space<vmem>>) semaphore(%arg22 : memref<!tpu.dma_semaphore, #tpu.memory_space<semaphore_mem>>) {add = true}
        %add3A_181 = arith.constant 3 : i32
        %add3A_182 = arith.addi %mul3A_120, %add3A_181 : i32
        %lt3A_183 = arith.cmpi slt, %add3A_182, %add3A_4 : i32
        %convert_element_type3A_184 = arith.extui %lt3A_183 : i1 to i32
        %cond3A_185 = arith.constant 0 : i32
        %cond3A_186 = arith.cmpi ne, %convert_element_type3A_184, %cond3A_185 : i32
        scf.if %cond3A_186 {
          %add3A_187 = arith.addi %add3A_8, %mul3A_120 : i32
          %add3A_188 = arith.constant 3 : i32
          %add3A_189 = arith.addi %add3A_187, %add3A_188 : i32
          %mul3A_190 = arith.constant 128 : i32
          %mul3A_191 = arith.muli %add3A_189, %mul3A_190 : i32
          %dma_start3A_192 = arith.constant 0 : i32
          %dma_start3A_193 = tpu.memref_slice %arg3[%dma_start3A_192, %mul3A_191] : memref<2x320000xi32, #tpu.memory_space<hbm>> -> memref<1x128xi32, #tpu.memory_space<hbm>>
          %dma_start3A_194 = tpu.memref_squeeze %dma_start3A_193 : memref<1x128xi32, #tpu.memory_space<hbm>> -> memref<128xi32, #tpu.memory_space<hbm>>
          %dma_start3A_195 = tpu.memref_slice %arg3[%dma_start3A_192, %mul3A_191] : memref<2x320000xi32, #tpu.memory_space<hbm>> -> memref<1x128xi32, #tpu.memory_space<hbm>>
          %dma_start3A_196 = tpu.memref_squeeze %dma_start3A_195 : memref<1x128xi32, #tpu.memory_space<hbm>> -> memref<128xi32, #tpu.memory_space<hbm>>
          tpu.enqueue_dma source(%dma_start3A_196 : memref<128xi32, #tpu.memory_space<hbm>>) target(%arg7 : memref<128xi32, #tpu.memory_space<vmem>>) target_semaphore(%arg18 : memref<!tpu.dma_semaphore, #tpu.memory_space<semaphore_mem>>)
          %mul3A_197 = arith.constant 128 : i32
          %mul3A_198 = arith.muli %add3A_189, %mul3A_197 : i32
          %dma_start3A_199 = tpu.memref_slice %arg4[%mul3A_198] : memref<320000xf32, #tpu.memory_space<hbm>> -> memref<128xf32, #tpu.memory_space<hbm>>
          %dma_start3A_200 = tpu.memref_slice %arg4[%mul3A_198] : memref<320000xf32, #tpu.memory_space<hbm>> -> memref<128xf32, #tpu.memory_space<hbm>>
          tpu.enqueue_dma source(%dma_start3A_200 : memref<128xf32, #tpu.memory_space<hbm>>) target(%arg11 : memref<128xf32, #tpu.memory_space<vmem>>) target_semaphore(%arg18 : memref<!tpu.dma_semaphore, #tpu.memory_space<semaphore_mem>>)
        } else {
        }
      } else {
      }
      %add3A_157 = arith.constant 2 : i32
      %add3A_158 = arith.addi %mul3A_120, %add3A_157 : i32
      %lt3A_159 = arith.cmpi slt, %add3A_158, %add3A_4 : i32
      %convert_element_type3A_160 = arith.extui %lt3A_159 : i1 to i32
      %cond3A_161 = arith.constant 0 : i32
      %cond3A_162 = arith.cmpi ne, %convert_element_type3A_160, %cond3A_161 : i32
      scf.if %cond3A_162 {
        %dma_wait3A_163 = arith.constant 0 : i32
        %dma_wait3A_164 = arith.constant 0 : i32
        %dma_wait3A_165 = tpu.memref_slice %arg14[%dma_wait3A_163, %dma_wait3A_164] : memref<10240x128xf32, #tpu.memory_space<vmem_shared>> -> memref<10240x128xf32, #tpu.memory_space<vmem_shared>>
        tpu.wait_indirect_dma semaphore(%arg21 : memref<!tpu.dma_semaphore, #tpu.memory_space<semaphore_mem>>) src(%arg12 : memref<128x128xf32, #tpu.memory_space<vmem>>) dst(%dma_wait3A_165 : memref<10240x128xf32, #tpu.memory_space<vmem_shared>>)
        %add3A_166 = arith.addi %add3A_8, %mul3A_120 : i32
        %add3A_167 = arith.constant 2 : i32
        %add3A_168 = arith.addi %add3A_166, %add3A_167 : i32
        %mul3A_169 = arith.constant 128 : i32
        %mul3A_170 = arith.muli %add3A_168, %mul3A_169 : i32
        %dma_start3A_171 = arith.constant 1 : i32
        %dma_start3A_172 = tpu.memref_slice %arg3[%dma_start3A_171, %mul3A_170] : memref<2x320000xi32, #tpu.memory_space<hbm>> -> memref<1x128xi32, #tpu.memory_space<hbm>>
        %dma_start3A_173 = tpu.memref_squeeze %dma_start3A_172 : memref<1x128xi32, #tpu.memory_space<hbm>> -> memref<128xi32, #tpu.memory_space<hbm>>
        %dma_start3A_174 = tpu.memref_slice %arg3[%dma_start3A_171, %mul3A_170] : memref<2x320000xi32, #tpu.memory_space<hbm>> -> memref<1x128xi32, #tpu.memory_space<hbm>>
        %dma_start3A_175 = tpu.memref_squeeze %dma_start3A_174 : memref<1x128xi32, #tpu.memory_space<hbm>> -> memref<128xi32, #tpu.memory_space<hbm>>
        tpu.enqueue_dma source(%dma_start3A_175 : memref<128xi32, #tpu.memory_space<hbm>>) target(%arg8 : memref<128xi32, #tpu.memory_space<vmem>>) target_semaphore(%arg19 : memref<!tpu.dma_semaphore, #tpu.memory_space<semaphore_mem>>)
        %dma_wait3A_176 = arith.constant 0 : i32
        %dma_wait3A_177 = arith.constant 0 : i32
        %dma_wait3A_178 = tpu.memref_slice %arg3[%dma_wait3A_176, %dma_wait3A_177] : memref<2x320000xi32, #tpu.memory_space<hbm>> -> memref<1x128xi32, #tpu.memory_space<hbm>>
        %dma_wait3A_179 = tpu.memref_squeeze %dma_wait3A_178 : memref<1x128xi32, #tpu.memory_space<hbm>> -> memref<128xi32, #tpu.memory_space<hbm>>
        %dma_wait3A_180 = arith.constant 0 : i32
        %dma_wait3A_181 = tpu.memref_slice %arg3[%dma_wait3A_176, %dma_wait3A_180] : memref<2x320000xi32, #tpu.memory_space<hbm>> -> memref<1x128xi32, #tpu.memory_space<hbm>>
        %dma_wait3A_182 = tpu.memref_squeeze %dma_wait3A_181 : memref<1x128xi32, #tpu.memory_space<hbm>> -> memref<128xi32, #tpu.memory_space<hbm>>
        tpu.wait_dma2 semaphore(%arg17 : memref<!tpu.dma_semaphore, #tpu.memory_space<semaphore_mem>>) src(%dma_wait3A_182 : memref<128xi32, #tpu.memory_space<hbm>>) dst(%arg6 : memref<128xi32, #tpu.memory_space<vmem>>)
        %dma_wait3A_183 = arith.constant 0 : i32
        %dma_wait3A_184 = tpu.memref_slice %arg4[%dma_wait3A_183] : memref<320000xf32, #tpu.memory_space<hbm>> -> memref<128xf32, #tpu.memory_space<hbm>>
        %dma_wait3A_185 = arith.constant 0 : i32
        %dma_wait3A_186 = tpu.memref_slice %arg4[%dma_wait3A_185] : memref<320000xf32, #tpu.memory_space<hbm>> -> memref<128xf32, #tpu.memory_space<hbm>>
        tpu.wait_dma2 semaphore(%arg17 : memref<!tpu.dma_semaphore, #tpu.memory_space<semaphore_mem>>) src(%dma_wait3A_186 : memref<128xf32, #tpu.memory_space<hbm>>) dst(%arg10 : memref<128xf32, #tpu.memory_space<vmem>>)
        %dma_start3A_187 = arith.constant 0 : i32
        %dma_start3A_188 = arith.constant 0 : i32
        %dma_start3A_189 = tpu.memref_slice %arg2[%dma_start3A_187, %dma_start3A_188] : memref<10000x128xf32, #tpu.memory_space<hbm>> -> memref<10000x128xf32, #tpu.memory_space<hbm>>
        tpu.enqueue_indirect_dma source(%dma_start3A_189 : memref<10000x128xf32, #tpu.memory_space<hbm>>) target(%arg12 : memref<128x128xf32, #tpu.memory_space<vmem>>) offsets(%arg6 : memref<128xi32, #tpu.memory_space<vmem>>) semaphore(%arg15 : memref<!tpu.dma_semaphore, #tpu.memory_space<semaphore_mem>>)
      } else {
      }
    }
    %dma_wait3A_103 = arith.constant 0 : i32
    %dma_wait3A_104 = arith.constant 0 : i32
    %dma_wait3A_105 = tpu.memref_slice %arg14[%dma_wait3A_103, %dma_wait3A_104] : memref<10240x128xf32, #tpu.memory_space<vmem_shared>> -> memref<10240x128xf32, #tpu.memory_space<vmem_shared>>
    tpu.wait_indirect_dma semaphore(%arg21 : memref<!tpu.dma_semaphore, #tpu.memory_space<semaphore_mem>>) src(%arg12 : memref<128x128xf32, #tpu.memory_space<vmem>>) dst(%dma_wait3A_105 : memref<10240x128xf32, #tpu.memory_space<vmem_shared>>)
    %gt3A_106 = arith.constant 1 : i32
    %gt3A_107 = arith.cmpi sgt, %add3A_4, %gt3A_106 : i32
    %convert_element_type3A_108 = arith.extui %gt3A_107 : i1 to i32
    %cond3A_109 = arith.constant 0 : i32
    %cond3A_110 = arith.cmpi ne, %convert_element_type3A_108, %cond3A_109 : i32
    scf.if %cond3A_110 {
      %dma_wait3A_116 = arith.constant 0 : i32
      %dma_wait3A_117 = arith.constant 0 : i32
      %dma_wait3A_118 = tpu.memref_slice %arg14[%dma_wait3A_116, %dma_wait3A_117] : memref<10240x128xf32, #tpu.memory_space<vmem_shared>> -> memref<10240x128xf32, #tpu.memory_space<vmem_shared>>
      tpu.wait_indirect_dma semaphore(%arg22 : memref<!tpu.dma_semaphore, #tpu.memory_space<semaphore_mem>>) src(%arg13 : memref<128x128xf32, #tpu.memory_space<vmem>>) dst(%dma_wait3A_118 : memref<10240x128xf32, #tpu.memory_space<vmem_shared>>)
    } else {
    }
    %barrier3A_111 = arith.constant 0 : index
    tpu.barrier barrier_id(%barrier3A_111)
    %mul3A_112 = arith.constant 640 : i32
    %mul3A_113 = arith.muli %arg1, %mul3A_112 : i32
    %mul3A_114 = arith.constant 640 : i32
    %mul3A_115 = arith.muli %arg1, %mul3A_114 : i32
    "tpu.region"() ({
      %run_scoped3A = tpu.sem_alloc : memref<!tpu.dma_semaphore, #tpu.memory_space<semaphore_mem>>
      %dma_start3A_116 = arith.constant 0 : i32
      %dma_start3A_117 = tpu.memref_slice %arg5[%arg0, %mul3A_115, %dma_start3A_116] : memref<2x10240x128xf32, #tpu.memory_space<hbm>> -> memref<1x640x128xf32, #tpu.memory_space<hbm>>
      %dma_start3A_118 = tpu.memref_squeeze %dma_start3A_117 : memref<1x640x128xf32, #tpu.memory_space<hbm>> -> memref<640x128xf32, #tpu.memory_space<hbm>>
      %dma_start3A_119 = arith.constant 0 : i32
      %dma_start3A_120 = tpu.memref_slice %arg14[%mul3A_113, %dma_start3A_119] : memref<10240x128xf32, #tpu.memory_space<vmem_shared>> -> memref<640x128xf32, #tpu.memory_space<vmem_shared>>
      tpu.enqueue_dma source(%dma_start3A_120 : memref<640x128xf32, #tpu.memory_space<vmem_shared>>) target(%dma_start3A_118 : memref<640x128xf32, #tpu.memory_space<hbm>>) target_semaphore(%run_scoped3A : memref<!tpu.dma_semaphore, #tpu.memory_space<semaphore_mem>>)
      %dma_wait3A_121 = arith.constant 0 : i32
      %dma_wait3A_122 = tpu.memref_slice %arg5[%arg0, %mul3A_115, %dma_wait3A_121] : memref<2x10240x128xf32, #tpu.memory_space<hbm>> -> memref<1x640x128xf32, #tpu.memory_space<hbm>>
      %dma_wait3A_123 = tpu.memref_squeeze %dma_wait3A_122 : memref<1x640x128xf32, #tpu.memory_space<hbm>> -> memref<640x128xf32, #tpu.memory_space<hbm>>
      %dma_wait3A_124 = arith.constant 0 : i32
      %dma_wait3A_125 = tpu.memref_slice %arg14[%mul3A_113, %dma_wait3A_124] : memref<10240x128xf32, #tpu.memory_space<vmem_shared>> -> memref<640x128xf32, #tpu.memory_space<vmem_shared>>
      tpu.wait_dma2 semaphore(%run_scoped3A : memref<!tpu.dma_semaphore, #tpu.memory_space<semaphore_mem>>) src(%dma_wait3A_125 : memref<640x128xf32, #tpu.memory_space<vmem_shared>>) dst(%dma_wait3A_123 : memref<640x128xf32, #tpu.memory_space<hbm>>)
      tpu.yield
    }) : () -> ()
    return
  }
}

module attributes {stable_mosaic.version = 14 : i64} {
  func.func @_fin_body(%arg0: i32, %arg1: memref<400x128xf32, #tpu.memory_space<vmem>>, %arg2: memref<2x400x128xf32, #tpu.memory_space<vmem>>, %arg3: memref<2x400x1xf32, #tpu.memory_space<vmem>>, %arg4: memref<1x128xf32, #tpu.memory_space<vmem>>, %arg5: memref<400x128xf32, #tpu.memory_space<vmem>>) attributes {dimension_semantics = [#tpu.dimension_semantics<arbitrary>], iteration_bounds = array<i64: 25>, scalar_prefetch = 0 : i64, scratch_operands = 0 : i64, tpu.core_type = #tpu.core_type<tc>, window_params = [{transform_indices = @transform_0, window_bounds = array<i64: 400, 128>}, {transform_indices = @transform_1, window_bounds = array<i64: 2, 400, 128>}, {transform_indices = @transform_2, window_bounds = array<i64: 2, 400, 1>}, {pipeline_mode = #tpu.pipeline_mode<synchronous>, transform_indices = @transform_3, window_bounds = array<i64: 1, 128>}, {transform_indices = @transform_4, window_bounds = array<i64: 400, 128>}]} {
    %get3A = arith.constant 0 : index
    %get3A_0 = arith.constant 0 : index
    %get3A_1 = arith.constant 0 : index
    %get3A_2 = vector.load %arg3[%get3A, %get3A_0, %get3A_1] : memref<2x400x1xf32, #tpu.memory_space<vmem>>, vector<1x400x1xf32>
    %get3A_3 = vector.shape_cast %get3A_2 : vector<1x400x1xf32> to vector<400x1xf32>
    %add3A = arith.constant 1.000000e+00 : f32
    %add3A_4 = vector.broadcast %add3A : f32 to vector<400x1xf32>
    %add3A_5 = arith.addf %add3A_4, %get3A_3 : vector<400x1xf32>
    %get3A_6 = arith.constant 1 : index
    %get3A_7 = arith.constant 0 : index
    %get3A_8 = arith.constant 0 : index
    %get3A_9 = vector.load %arg3[%get3A_6, %get3A_7, %get3A_8] : memref<2x400x1xf32, #tpu.memory_space<vmem>>, vector<1x400x1xf32>
    %get3A_10 = vector.shape_cast %get3A_9 : vector<1x400x1xf32> to vector<400x1xf32>
    %add3A_11 = arith.addf %add3A_5, %get3A_10 : vector<400x1xf32>
    %rsqrt3A = math.rsqrt %add3A_11 : vector<400x1xf32>
    %get3A_12 = arith.constant 0 : index
    %get3A_13 = arith.constant 0 : index
    %get3A_14 = vector.load %arg1[%get3A_12, %get3A_13] : memref<400x128xf32, #tpu.memory_space<vmem>>, vector<400x128xf32>
    %get3A_15 = arith.constant 0 : index
    %get3A_16 = arith.constant 0 : index
    %get3A_17 = arith.constant 0 : index
    %get3A_18 = vector.load %arg2[%get3A_15, %get3A_16, %get3A_17] : memref<2x400x128xf32, #tpu.memory_space<vmem>>, vector<1x400x128xf32>
    %get3A_19 = vector.shape_cast %get3A_18 : vector<1x400x128xf32> to vector<400x128xf32>
    %add3A_20 = arith.addf %get3A_14, %get3A_19 : vector<400x128xf32>
    %get3A_21 = arith.constant 1 : index
    %get3A_22 = arith.constant 0 : index
    %get3A_23 = arith.constant 0 : index
    %get3A_24 = vector.load %arg2[%get3A_21, %get3A_22, %get3A_23] : memref<2x400x128xf32, #tpu.memory_space<vmem>>, vector<1x400x128xf32>
    %get3A_25 = vector.shape_cast %get3A_24 : vector<1x400x128xf32> to vector<400x128xf32>
    %add3A_26 = arith.addf %add3A_20, %get3A_25 : vector<400x128xf32>
    %mul3A = vector.broadcast %rsqrt3A : vector<400x1xf32> to vector<400x128xf32>
    %mul3A_27 = arith.mulf %mul3A, %add3A_26 : vector<400x128xf32>
    %get3A_28 = arith.constant 0 : index
    %get3A_29 = arith.constant 0 : index
    %get3A_30 = vector.load %arg4[%get3A_28, %get3A_29] : memref<1x128xf32, #tpu.memory_space<vmem>>, vector<1x128xf32>
    %add3A_31 = vector.broadcast %get3A_30 : vector<1x128xf32> to vector<400x128xf32>
    %add3A_32 = arith.addf %mul3A_27, %add3A_31 : vector<400x128xf32>
    %swap3A = arith.constant 0 : index
    %swap3A_33 = arith.constant 0 : index
    %swap3A_34 = vector.load %arg5[%swap3A, %swap3A_33] : memref<400x128xf32, #tpu.memory_space<vmem>>, vector<400x128xf32>
    tpu.vector_store %arg5[%swap3A, %swap3A_33], %add3A_32 {strides = array<i32>} : memref<400x128xf32, #tpu.memory_space<vmem>>, vector<400x128xf32>,
    return
  }
  func.func @transform_0(%arg0: i32) -> (i32, i32) {
    %c0_i32 = arith.constant 0 : i32
    %c0_i32_0 = arith.constant 0 : i32
    return %arg0, %c0_i32 : i32, i32
  }
  func.func @transform_1(%arg0: i32) -> (i32, i32, i32) {
    %c0_i32 = arith.constant 0 : i32
    %c0_i32_0 = arith.constant 0 : i32
    %c0_i32_1 = arith.constant 0 : i32
    return %c0_i32, %arg0, %c0_i32_0 : i32, i32, i32
  }
  func.func @transform_2(%arg0: i32) -> (i32, i32, i32) {
    %c0_i32 = arith.constant 0 : i32
    %c0_i32_0 = arith.constant 0 : i32
    %c0_i32_1 = arith.constant 0 : i32
    return %c0_i32, %arg0, %c0_i32_0 : i32, i32, i32
  }
  func.func @transform_3(%arg0: i32) -> (i32, i32) {
    %c0_i32 = arith.constant 0 : i32
    %c0_i32_0 = arith.constant 0 : i32
    %c0_i32_1 = arith.constant 0 : i32
    return %c0_i32, %c0_i32_0 : i32, i32
  }
  func.func @transform_4(%arg0: i32) -> (i32, i32) {
    %c0_i32 = arith.constant 0 : i32
    %c0_i32_0 = arith.constant 0 : i32
    return %arg0, %c0_i32 : i32, i32
  }
}

module attributes {stable_mosaic.version = 14 : i64} {
  func.func @_mm_body(%arg0: i32, %arg1: memref<400x128xf32, #tpu.memory_space<vmem>>, %arg2: memref<128x128xf32, #tpu.memory_space<vmem>>, %arg3: memref<400x128xf32, #tpu.memory_space<vmem>>) attributes {dimension_semantics = [#tpu.dimension_semantics<arbitrary>], iteration_bounds = array<i64: 25>, scalar_prefetch = 0 : i64, scratch_operands = 0 : i64, tpu.core_type = #tpu.core_type<tc>, window_params = [{transform_indices = @transform_0, window_bounds = array<i64: 400, 128>}, {pipeline_mode = #tpu.pipeline_mode<synchronous>, transform_indices = @transform_1, window_bounds = array<i64: 128, 128>}, {transform_indices = @transform_2, window_bounds = array<i64: 400, 128>}]} {
    %get3A = arith.constant 0 : index
    %get3A_0 = arith.constant 0 : index
    %get3A_1 = vector.load %arg1[%get3A, %get3A_0] : memref<400x128xf32, #tpu.memory_space<vmem>>, vector<400x128xf32>
    %get3A_2 = arith.constant 0 : index
    %get3A_3 = arith.constant 0 : index
    %get3A_4 = vector.load %arg2[%get3A_2, %get3A_3] : memref<128x128xf32, #tpu.memory_space<vmem>>, vector<128x128xf32>
    %dot_general3A = arith.constant dense<0.000000e+00> : vector<400x128xf32>
    %dot_general3A_5 = tpu.matmul %get3A_1, %get3A_4, %dot_general3A {dimension_numbers = #tpu.dot_dimension_numbers<[1], [0], [0], [1], [0, 0, 1, 1], [], []>, transpose_lhs_hint = false} : vector<400x128xf32>, vector<128x128xf32>, vector<400x128xf32> -> vector<400x128xf32>
    %swap3A = arith.constant 0 : index
    %swap3A_6 = arith.constant 0 : index
    %swap3A_7 = vector.load %arg3[%swap3A, %swap3A_6] : memref<400x128xf32, #tpu.memory_space<vmem>>, vector<400x128xf32>
    tpu.vector_store %arg3[%swap3A, %swap3A_6], %dot_general3A_5 {strides = array<i32>} : memref<400x128xf32, #tpu.memory_space<vmem>>, vector<400x128xf32>,
    return
  }
  func.func @transform_0(%arg0: i32) -> (i32, i32) {
    %c0_i32 = arith.constant 0 : i32
    %c0_i32_0 = arith.constant 0 : i32
    return %arg0, %c0_i32 : i32, i32
  }
  func.func @transform_1(%arg0: i32) -> (i32, i32) {
    %c0_i32 = arith.constant 0 : i32
    %c0_i32_0 = arith.constant 0 : i32
    %c0_i32_1 = arith.constant 0 : i32
    return %c0_i32, %c0_i32_0 : i32, i32
  }
  func.func @transform_2(%arg0: i32) -> (i32, i32) {
    %c0_i32 = arith.constant 0 : i32
    %c0_i32_0 = arith.constant 0 : i32
    return %arg0, %c0_i32 : i32, i32
  }
}

module attributes {stable_mosaic.version = 14 : i64} {
  func.func @_scale_body(%arg0: i32, %arg1: memref<400x128xf32, #tpu.memory_space<vmem>>, %arg2: memref<2x400x1xf32, #tpu.memory_space<vmem>>, %arg3: memref<400x128xf32, #tpu.memory_space<vmem>>) attributes {dimension_semantics = [#tpu.dimension_semantics<arbitrary>], iteration_bounds = array<i64: 25>, scalar_prefetch = 0 : i64, scratch_operands = 0 : i64, tpu.core_type = #tpu.core_type<tc>, window_params = [{transform_indices = @transform_0, window_bounds = array<i64: 400, 128>}, {transform_indices = @transform_1, window_bounds = array<i64: 2, 400, 1>}, {transform_indices = @transform_2, window_bounds = array<i64: 400, 128>}]} {
    %get3A = arith.constant 0 : index
    %get3A_0 = arith.constant 0 : index
    %get3A_1 = arith.constant 0 : index
    %get3A_2 = vector.load %arg2[%get3A, %get3A_0, %get3A_1] : memref<2x400x1xf32, #tpu.memory_space<vmem>>, vector<1x400x1xf32>
    %get3A_3 = vector.shape_cast %get3A_2 : vector<1x400x1xf32> to vector<400x1xf32>
    %add3A = arith.constant 1.000000e+00 : f32
    %add3A_4 = vector.broadcast %add3A : f32 to vector<400x1xf32>
    %add3A_5 = arith.addf %add3A_4, %get3A_3 : vector<400x1xf32>
    %get3A_6 = arith.constant 1 : index
    %get3A_7 = arith.constant 0 : index
    %get3A_8 = arith.constant 0 : index
    %get3A_9 = vector.load %arg2[%get3A_6, %get3A_7, %get3A_8] : memref<2x400x1xf32, #tpu.memory_space<vmem>>, vector<1x400x1xf32>
    %get3A_10 = vector.shape_cast %get3A_9 : vector<1x400x1xf32> to vector<400x1xf32>
    %add3A_11 = arith.addf %add3A_5, %get3A_10 : vector<400x1xf32>
    %rsqrt3A = math.rsqrt %add3A_11 : vector<400x1xf32>
    %get3A_12 = arith.constant 0 : index
    %get3A_13 = arith.constant 0 : index
    %get3A_14 = vector.load %arg1[%get3A_12, %get3A_13] : memref<400x128xf32, #tpu.memory_space<vmem>>, vector<400x128xf32>
    %mul3A = vector.broadcast %rsqrt3A : vector<400x1xf32> to vector<400x128xf32>
    %mul3A_15 = arith.mulf %mul3A, %get3A_14 : vector<400x128xf32>
    %swap3A = arith.constant 0 : index
    %swap3A_16 = arith.constant 0 : index
    %swap3A_17 = vector.load %arg3[%swap3A, %swap3A_16] : memref<400x128xf32, #tpu.memory_space<vmem>>, vector<400x128xf32>
    tpu.vector_store %arg3[%swap3A, %swap3A_16], %mul3A_15 {strides = array<i32>} : memref<400x128xf32, #tpu.memory_space<vmem>>, vector<400x128xf32>,
    return
  }
  func.func @transform_0(%arg0: i32) -> (i32, i32) {
    %c0_i32 = arith.constant 0 : i32
    %c0_i32_0 = arith.constant 0 : i32
    return %arg0, %c0_i32 : i32, i32
  }
  func.func @transform_1(%arg0: i32) -> (i32, i32, i32) {
    %c0_i32 = arith.constant 0 : i32
    %c0_i32_0 = arith.constant 0 : i32
    %c0_i32_1 = arith.constant 0 : i32
    return %c0_i32, %arg0, %c0_i32_0 : i32, i32, i32
  }
  func.func @transform_2(%arg0: i32) -> (i32, i32) {
    %c0_i32 = arith.constant 0 : i32
    %c0_i32_0 = arith.constant 0 : i32
    return %arg0, %c0_i32 : i32, i32
  }
}

</mosaic_0001>

<sc_bundles>
// kernel: kernel.10.cloned.1.call-start
scs
__scs_entry_jumppad:
0x0: {  	(pc) =	sbr.rel $0x88, $3  }
0x1: {  	(tag) =	ssettag $0x0;
	lr =	simm.s32 $0x1  }
0x2: {  	[smem:$0x3F9C] =	sst lr;
	_ =	strace $0xD0000000  }
0x3: {  	_ = 	snop  }
0x4: {  	_ = 	snop  }
0x5: {  	_ = 	snop  }
0x6: {  	_ = 	snop  }
0x7: {  	_ = 	snop  }
__scs_overlays_trampoline_lowered:
0x8: {  	[smem:$0x3FAB] =	sst s0  }
0x9: {  	[smem:$0x3FAC] =	sst s1  }
0xa: {  	[smem:$0x3FAD] =	sst s2  }
0xb: {  	[smem:$0x3FAE] =	sst s3  }
0xc: {  	[smem:$0x3FAF] =	sst s4  }
0xd: {  	[smem:$0x3FB0] =	sst s5  }
0xe: {  	[smem:$0x3FB1] =	sst s6  }
0xf: {  	[smem:$0x3FB2] =	sst s7  }
0x10: {  	[smem:$0x3FB3] =	sst s8  }
0x11: {  	[smem:$0x3FB4] =	sst s9;
	s0 =	simm.s32 @!p0 $0x0  }
0x12: {  	s1 =	sld [smem:$0x3F9A];
	s0 =	simm.s32 @p0 $0x1  }
0x13: {  	[smem:$0x3FB5] =	sst s0;
	s0 =	simm.s32 @!p1 $0x0  }
0x14: {  	s2 =	sld [smem:$0x3F99];
	s0 =	simm.s32 @p1 $0x1  }
0x15: {  	[smem:$0x3FB6] =	sst s0;
	s0 =	simm.s32 @!p2 $0x0  }
0x16: {  	s3 =	sld [smem:$0x3FDB];
	s0 =	simm.s32 @p2 $0x1  }
0x17: {  	s4 =	simm.s32 $0x1BF5;
	[smem:$0x3FB8] =	sst s0  }
0x18: {  	s0 =	sld [smem:$0x3F9B];
	_ =	swait.ge [sflag:s4], $0x0  }
0x19: {  	s7 =	sld [smem:$0x3F9C]  }
0x1a: {  	s8 =	sadd.s32 $0xFFFFE003, lr  }
0x1b: {  	s9 =	sadd.s32 $0xFFFFFEF7, lr;
	s5 =	simm.s32 $0xFFFFFFFF;
	p2 =	slt.u32 s8, $0xFFFFF086  }
0x1c: {  	p1 =	slt.u32 s9, $0xF7A;
	s5 =	simm.s32 @!p2 $0x0  }
0x1d: {  	s5 =	simm.s32 @p1 $0x1;
	p0 =	seq.s32 s7, s2  }
0x1e: {  	s7 =	smul.u32 @!p0 $0xF7A, s2;
	p2 =	seq.s32 @!p0 s5, $0x0  }
0x1f: {  	s9 =	smul.u32 $0xF7A, s1;
	s8 =	simm.s32 @!p0 $0x1BF5;
	p2 =	por !p2, p0  }
0x20: {  	[sflag:s8] =	ssyncset.s32 @!p0 $0xFFFFF086;
	s6 =	sadd.s32 @!p0 s3, s7;
	s7 =	simm.s32 @!p0 $0x108  }
0x21: {  	s3 =	sadd.s32 s3, s9;
	s6 =	sadd.s32 @!p0 $0x88, s6;
	s7 =	simm.s32 @p2 $0x1082  }
0x22: {  	[simem:s7], [sflag:s8] =	dma.local @!p0 [hbm:s6], $0xF7A  }
0x23: {  	s9 =	sor.u32 $0xD0000000, s2;
	s6 =	simm.s32 $0x108;
	_ =	swait.ge @!p0 [sflag:s8], $0x0  }
0x24: {  	s3 =	sadd.s32 $0x88, s3;
	s6 =	simm.s32 @!p1 $0x1082;
	[sflag:s4] =	ssyncset.s32 $0xFFFFF086  }
0x25: {  	[simem:s6], [sflag:s4] =	dma.local [hbm:s3], $0xF7A  }
0x26: {  	[smem:$0x3F9C] =	sst s1;
	(tag) =	ssettag s2;
	_ =	strace s9  }
0x27: {  	s1 =	sld [smem:$0x3FAC]  }
0x28: {  	s2 =	sld [smem:$0x3FAD]  }
0x29: {  	s4 =	sld [smem:$0x3FAF]  }
0x2a: {  	p0 =	seq.s32 s5, $0x0;
	s5 =	sld [smem:$0x3FB0]  }
0x2b: {  	s6 =	sld [smem:$0x3FB1]  }
0x2c: {  	s7 =	sld [smem:$0x3FB2]  }
0x2d: {  	s3 =	simm.s32 $0x108;
	s8 =	sld [smem:$0x3FB3]  }
0x2e: {  	s3 =	simm.s32 @!p0 $0x1082;
	s9 =	sld [smem:$0x3FB4]  }
0x2f: {  	lr =	sadd.s32 s0, s3;
	s0 =	sld [smem:$0x3FAB]  }
0x30: {  	s3 =	sld [smem:$0x3FAE]  }
0x31: {  	[smem:$0x3FB7] =	sst s10  }
0x32: {  	s10 =	sld [smem:$0x3FB5];
	_ =	sdelay $0x3  }
0x33: {  	p0 =	seq.s32 s10, $0x1;
	s10 =	sld [smem:$0x3FB7];
	_ =	sdelay $0x3  }
0x34: {  	[smem:$0x3FB7] =	sst s10  }
0x35: {  	s10 =	sld [smem:$0x3FB6];
	_ =	sdelay $0x3  }
0x36: {  	p1 =	seq.s32 s10, $0x1;
	s10 =	sld [smem:$0x3FB7];
	_ =	sdelay $0x3  }
0x37: {  	[smem:$0x3FB7] =	sst s10  }
0x38: {  	s10 =	sld [smem:$0x3FB8]  }
0x39: {  	_ = 	snop;
	(pc) =	sbr.ind lr, $3  }
0x3a: {  	_ = 	snop  }
0x3b: {  	_ = 	snop  }
0x3c: {  	p2 =	seq.s32 s10, $0x1;
	s10 =	sld [smem:$0x3FB7]  }
0x3d: {  	_ =	shalt  }
0x3e: {  	_ =	shalt  }
0x3f: {  	_ =	shalt  }
0x40: {  	_ =	shalt  }
0x41: {  	_ =	shalt  }
0x42: {  	_ =	shalt  }
0x43: {  	_ =	shalt  }
0x44: {  	_ =	shalt  }
0x45: {  	_ =	shalt  }
0x46: {  	_ =	shalt  }
0x47: {  	_ =	shalt  }
0x48: {  	_ =	shalt  }
0x49: {  	_ =	shalt  }
0x4a: {  	_ =	shalt  }
0x4b: {  	_ =	shalt  }
0x4c: {  	_ =	shalt  }
0x4d: {  	_ =	shalt  }
0x4e: {  	_ =	shalt  }
0x4f: {  	_ =	shalt  }
0x50: {  	_ =	shalt  }
0x51: {  	_ =	shalt  }
0x52: {  	_ =	shalt  }
0x53: {  	_ =	shalt  }
0x54: {  	_ =	shalt  }
0x55: {  	_ =	shalt  }
0x56: {  	_ =	shalt  }
0x57: {  	_ =	shalt  }
0x58: {  	_ =	shalt  }
0x59: {  	_ =	shalt  }
0x5a: {  	_ =	shalt  }
0x5b: {  	_ =	shalt  }
0x5c: {  	_ =	shalt  }
0x5d: {  	_ =	shalt  }
0x5e: {  	_ =	shalt  }
0x5f: {  	_ =	shalt  }
0x60: {  	_ =	shalt  }
0x61: {  	_ =	shalt  }
0x62: {  	_ =	shalt  }
0x63: {  	_ =	shalt  }
0x64: {  	_ =	shalt  }
0x65: {  	_ =	shalt  }
0x66: {  	_ =	shalt  }
0x67: {  	_ =	shalt  }
0x68: {  	_ =	shalt  }
0x69: {  	_ =	shalt  }
0x6a: {  	_ =	shalt  }
0x6b: {  	_ =	shalt  }
0x6c: {  	_ =	shalt  }
0x6d: {  	_ =	shalt  }
0x6e: {  	_ =	shalt  }
0x6f: {  	_ =	shalt  }
0x70: {  	_ =	shalt  }
0x71: {  	_ =	shalt  }
0x72: {  	_ =	shalt  }
0x73: {  	_ =	shalt  }
0x74: {  	_ =	shalt  }
0x75: {  	_ =	shalt  }
0x76: {  	_ =	shalt  }
0x77: {  	_ =	shalt  }
0x78: {  	_ =	shalt  }
0x79: {  	_ =	shalt  }
0x7a: {  	_ =	shalt  }
0x7b: {  	_ =	shalt  }
0x7c: {  	_ =	shalt  }
0x7d: {  	_ =	shalt  }
0x7e: {  	_ =	shalt  }
0x7f: {  	_ =	shalt  }
0x80: {  	_ =	shalt  }
0x81: {  	_ =	shalt  }
0x82: {  	_ =	shalt  }
0x83: {  	_ =	shalt  }
0x84: {  	_ =	shalt  }
0x85: {  	_ =	shalt  }
0x86: {  	_ =	shalt  }
0x87: {  	_ =	shalt  }
.Lfunc_end0:
.L_simem_size_0:
called_computation.1_lowered:
.L_overlay_start_0:
0x88: {  	s2 =	sld [smem:$0x3FD9]  }
0x89: {  	s3 =	sld [smem:$0x3FFE];
	_ =	sdelay $0x1  }
0x8a: {  	s1 =	srdreg.scid  }
0x8b: {  	s0 =	sand.u32 $0x1, s1  }
0x8c: {  	s17 =	sshll.u32 s0, $0xA;
	s2 =	sadd.s32 s3, s2  }
0x8d: {  	s2 =	sadd.s32 s2, s17  }
0x8e: {  	[smem:$0x3FC3] =	sst s2  }
0x8f: {  	_ = 	snop  }
0x90: {  	s2 =	sld [smem:$0x3FC8]  }
0x91: {  	s18 =	sld [smem:$0x3FC7]  }
0x92: {  	s4 =	sld [smem:$0x3FD0];
	(tm) =	ssettm $0x1  }
0x93: {  	s5 =	sld [smem:$0x3FFB];
	_ =	sdelay $0x3  }
0x94: {  	_ =	strace s5  }
0x95: {  	s5 =	sld [smem:$0x3FFC];
	_ =	sdelay $0x3  }
0x96: {  	_ =	strace s5  }
0x97: {  	s5 =	sld [smem:$0x3FFD];
	_ =	sdelay $0x3  }
0x98: {  	_ =	strace s5  }
0x99: {  	_ =	strace $0x8FFFFFFF  }
0x9a: {  	s19 =	sld [smem:$0x3FDB];
	_ =	sdelay $0x1  }
0x9b: {  	s6 =	simm.s32 $_scs_section_size  }
0x9c: {  	s7 =	simm.s32 $_size__tile_overlayer_lowered;
	s8 =	simm.s32 $_tile_overlayer_lowered  }
0x9d: {  	s22 =	simm.s32 $0x1BFF;
	s21 =	sshll.u32 s8, $0x1;
	s5 =	sadd.s32 s6, s19  }
0x9e: {  	s9 =	simm.s32 $0x0;
	s20 =	sshll.u32 s7, $0x1;
	s7 =	sadd.s32 s21, s5  }
0x9f: {  	[timem:s9], [sflag:s22] =	dma.local [hbm:s7], s20  }
0xa0: {  	_ =	swait.ge [sflag:s22], s20  }
0xa1: {  	s6 =	ssub.s32 $0x0, s20;
	[sflag:s22] =	ssyncset.done $0x0  }
0xa2: {  	[sflag:s22] =	ssyncadd.s32 s6;
	_ =	sdelay $0x1  }
0xa3: {  	s23 =	simm.s32 $0x1B8B  }
0xa4: {  	_ =	swait.ge [sflag:s23], $0x1  }
0xa5: {  	[sflag:s23] =	ssyncset.done $0x0  }
0xa6: {  	s25 =	simm.s32 $0x1B8E;
	s24 =	sld [smem:$0x3FFE];
	[sflag:s23] =	ssyncadd.s32 $0xFFFFFFFF  }
0xa7: {  	s26 =	simm.s32 $execute0_lowered;
	[smem:$0x3FD2] =	sst s25  }
0xa8: {  	s7 =	sshll.u32 s26, $0x1;
	_ =	strace $0x80000049;
	[dreg:$0x1] =	wrdreg $0xFFFFFFFF  }
0xa9: {  	s28 =	simm.s32 $_size_execute0_lowered;
	s5 =	sadd.s32 s5, s7;
	[dreg:$0x0] =	wrdreg $0x0  }
0xaa: {  	s7 =	sshll.u32 s28, $0x1;
	[dreg:$0x2] =	wrdreg s5  }
0xab: {  	[dreg:$0x3] =	wrdreg s7  }
0xac: {  	[dreg:$0x4] =	wrdreg $0xC0  }
0xad: {  	_ =	task [dreg:s9], $0x5FFFF  }
0xae: {  	[dreg:$0x1] =	wrdreg $0xFFFFFFFF  }
0xaf: {  	[dreg:$0x0] =	wrdreg $0x60  }
0xb0: {  	[dreg:$0x2] =	wrdreg s4  }
0xb1: {  	[dreg:$0x3] =	wrdreg s2  }
0xb2: {  	[dreg:$0x4] =	wrdreg s18  }
0xb3: {  	[dreg:$0x5] =	wrdreg s24  }
0xb4: {  	[dreg:$0x6] =	wrdreg $0x83000  }
0xb5: {  	[dreg:$0x7] =	wrdreg $0x9  }
0xb6: {  	_ =	task.clear_ibuf [dreg:s9], $0x8FFFF;
	_ =	strace $0x90000049  }
0xb7: {  	s29 =	simm.s32 $0x9;
	_ =	strace $0x8000004B  }
0xb8: {  	_ =	swait.ge [sflag:s29], $0x1  }
0xb9: {  	[sflag:s29] =	ssyncadd.s32 $0xFFFFFFFF  }
0xba: {  	_ =	strace $0x9000004B  }
0xbb: {  	_ =	sfence  }
0xbc: {  	s30 =	sld [smem:$0x0];
	_ =	sdelay $0x2  }
0xbd: {  	s31 =	sshll.u32 s1, $0xD;
	s1 =	sshrl.u32 s1, $0x2  }
0xbe: {  	s3 =	sand.u32 $0x4000, s31;
	s1 =	sadd.s32 s1, s30  }
0xbf: {  	s0 =	sor.u32 s3, s0;
	s1 =	sshll.u32 s1, $0x11  }
0xc0: {  	s0 =	sor.u32 s1, s0  }
0xc1: {  	s0 =	sadd.s32 $0x8F2B, s0  }
0xc2: {  	[sflag:s0] =	ssyncadd.remote.s32 $0x1  }
0xc3: {  	_ =	sfence.sel $0xFFFF  }
0xc4: {  	[dreg:$0x0] =	wrdreg $0xFFFFFFFF;
	(pc) =	sbr.abs _section_cstart, $3  }
0xc5: {  	[dreg:$0x1] =	wrdreg $0xFFFFFFFF  }
0xc6: {  	_ =	task.clear_ibuf [dreg:s9], $0x2FFFF;
	_ =	strace $0x9FFFFFFF  }
0xc7: {  	(tm) =	ssettm $0x7FFFFFFF  }
tec
execute0_lowered:
.L_overlay_start_1:
0x0: {  	(tag) =	ssettag $0x1  }
0x1: {  	s0 =	rddreg [dreg:$0x0]  }
0x2: {  	s1 =	rddreg [dreg:$0x1]  }
0x3: {  	s3 =	rddreg [dreg:$0x2]  }
0x4: {  	s2 =	srdreg.scid;
	s4 =	rddreg [dreg:$0x3]  }
0x5: {  	s11 =	stileid.u32;
	s5 =	rddreg [dreg:$0x4]  }
0x6: {  	s13 =	simm.s32 $0x0;
	s28 =	simm.s32 $0x9;
	s29 =	simm.s32 $0x200  }
0x7: {  	s30 =	simm.s32 $0x100;
	s2 =	sand.u32 $0x1, s2;
	s7 =	smul.u32 $0x14000, s11  }
0x8: {  	[smem:$0x7FF] =	sst s13;
	s9 =	sshll.u32 s11, $0x1;
	s10 =	smul.u32 $0x50000, s11  }
0x9: {  	p0 =	slt.u32 s11, $0x2;
	s6 =	smul.u32 $0x140000, s2;
	_ =	strace $0x8000004A  }
0xa: {  	s26 =	ssub.s32 $0x2, s2;
	s2 =	sor.u32 s2, s9;
	s9 =	simm.s32 $0x4F  }
0xb: {  	s8 =	sshrl.u32 s26, $0x1;
	s31 =	smul.u32 $0x4E, s2;
	s11 =	sshrl.u32 s10, $0x2  }
0xc: {  	s2 =	smin.u32 s2, $0x4;
	s9 =	simm.s32 @!p0 $0x4E;
	s10 =	simm.s32 $0x5  }
0xd: {  	s6 =	sadd.s32 s7, s6;
	s14 =	sadd.s32 s11, s5;
	s11 =	simm.s32 $0x2  }
0xe: {  	s6 =	sshrl.u32 s6, $0x3;
	s12 =	sadd.s32 $0x4000, s14;
	[dreg:$0x7] =	wrdreg s14  }
0xf: {  	s15 =	sadd.s32 $0x8000, s14;
	s16 =	sadd.s32 $0xC000, s14;
	[dreg:$0x8] =	wrdreg s12  }
0x10: {  	s17 =	sadd.s32 $0x10000, s14;
	s4 =	sadd.s32 s6, s4;
	[dreg:$0x9] =	wrdreg s15  }
0x11: {  	s6 =	ssub.s32 s26, s8;
	s8 =	sadd.s32 s2, s31;
	[dreg:$0xa] =	wrdreg s16  }
0x12: {  	[dreg:$0xb] =	wrdreg s17;
	s17 =	simm.s32 $0x28;
	s12 =	simm.s32 $0x6  }
0x13: {  	s18 =	sshll.u32 s8, $0x5;
	s7 =	sshll.u32 s8, $0x4;
	s19 =	sadd.s32 $0x1, s8  }
0x14: {  	s17 =	simm.s32 @!p0 $0x27;
	s26 =	sadd.s32 $0x51600, s4;
	s31 =	smax.u32 s6, $0x1  }
0x15: {  	s4 =	simm.s32 $0x80;
	s20 =	sadd.s32 s1, s18;
	[dreg:$0x11] =	wrdreg s26  }
0x16: {  	s21 =	sadd.s32 s3, s7;
	s22 =	sshll.u32 s19, $0x5;
	[dreg:$0x12] =	wrdreg s31  }
0x17: {  	s24 =	sshll.u32 s19, $0x4;
	s19 =	sadd.s32 $0xFFFFFFFF, s9;
	[dreg:$0xd] =	wrdreg s21  }
0x18: {  	s26 =	simm.s32 $0x300;
	[dreg:$0xc] =	wrdreg s20;
	s2 =	sand.u32 $0x1FFFFFE0, s22  }
.Ltmp0:
0x19: {  	s23 =	sadd.s32 $0x10, s20;
	s25 =	sand.u32 $0x1FFFFFF0, s24;
	(pc) =	sbr.rel .LBB2_1-.Ltmp0, $4  }
0x1a: {  	s20 =	sadd.s32 $0x2, s8;
	s21 =	sadd.s32 $0x3, s8;
	s24 =	sadd.s32 $0xFFFFFFFE, s9  }
0x1b: {  	s22 =	simm.s32 $0x0;
	[dreg:$0xe] =	wrdreg s23;
	s2 =	sadd.s32 s1, s2  }
0x1c: {  	[dreg:$0xf] =	wrdreg s2;
	s2 =	sadd.s32 s3, s25;
	s25 =	sadd.s32 $0xFFFFFFFD, s9  }
0x1d: {  	v0 =	vimm.f32 $0.0e+00;
	s9 =	simm.s32 $0x1;
	[dreg:$0x10] =	wrdreg s2;
	s2 =	simm.s32 $0x280  }
.LBB2_11:
0x1e: {  	s6 =	simm.s32 $0x7  }
0x1f: {  	_ =	swait.ge [sflag:s6], $0x4000  }
0x20: {  	[sflag:s6] =	ssyncset.done $0x0  }
0x21: {  	s16 =	simm.s32 $0x8;
	[sflag:s6] =	ssyncadd.s32 $0xFFFFC000  }
0x22: {  	_ =	swait.ge [sflag:s16], $0x4000  }
0x23: {  	[sflag:s16] =	ssyncset.done $0x0  }
0x24: {  	[sflag:s16] =	ssyncadd.s32 $0xFFFFC000  }
0x25: {  	s18 =	stileid.u32;
	[bflag:$0x0] =	sbarrier.arrive $0xFFFF  }
0x26: {  	s6 =	sshll.u32 s18, $0x6;
	s14 =	rddreg [dreg:$0x7]  }
0x27: {  	s6 =	sor.u32 $0x1C09, s6;
	s13 =	rddreg [dreg:$0x11];
	s7 =	sshrl.u32 s14, $0x3  }
0x28: {  	[hbm:s13], [sflag:s6] =	dma.local [spmem:s7], $0x2800  }
0x29: {  	_ =	swait.ge [sflag:s28], $0x2800  }
0x2a: {  	s23 =	rddreg [dreg:$0x6]  }
0x2b: {  	s31 =	rddreg [dreg:$0x12];
	s13 =	sadd.s32 $0x1, s23  }
0x2c: {  	p0 =	sne.s32 s13, s31  }
.Ltmp1:
0x2d: {  	_ = 	snop;
	(pc) =	sbr.rel @!p0 .LBB2_12-.Ltmp1, $3  }
0x2e: {  	_ =	sdelay $0x1  }
0x2f: {  	[sflag:s28] =	ssyncset.done $0x0  }
0x30: {  	[sflag:s28] =	ssyncadd.s32 $0xFFFFD800  }
.LBB2_1:
0x31: {  	[dreg:$0x6] =	wrdreg s13;
	s6 =	simm.s32 $0x0;
	s7 =	simm.s32 $0x200  }
.LBB2_2:
0x32: {  	p0 =	sne.s32 s7, $0xFE00;
	[tilespmem:s6+$0x370] =	vst v0  }
0x33: {  	[tilespmem:s6+$0x300] =	vst v0  }
0x34: {  	[tilespmem:s6+$0x310] =	vst v0  }
.Ltmp2:
0x35: {  	[tilespmem:s6+$0x320] =	vst v0;
	(pc) =	sbr.rel @p0 .LBB2_2-.Ltmp2, $4  }
0x36: {  	[tilespmem:s6+$0x330] =	vst v0  }
0x37: {  	[tilespmem:s6+$0x340] =	vst v0  }
0x38: {  	[tilespmem:s6+$0x350] =	vst v0  }
0x39: {  	[tilespmem:s6+$0x360] =	vst v0;
	s6 =	sshra.s32 s7, $0x2;
	s7 =	sadd.s32 $0x200, s7  }
0x3a: {  	[tilespmem:s6+$0x370] =	vst v0  }
0x3b: {  	[tilespmem:s6+$0x300] =	vst v0  }
0x3c: {  	[tilespmem:s6+$0x310] =	vst v0  }
0x3d: {  	[tilespmem:s6+$0x320] =	vst v0  }
0x3e: {  	[tilespmem:s6+$0x330] =	vst v0  }
0x3f: {  	[tilespmem:s6+$0x340] =	vst v0  }
0x40: {  	[tilespmem:s6+$0x350] =	vst v0  }
0x41: {  	[tilespmem:s6+$0x360] =	vst v0  }
0x42: {  	[spmem:s14] =	stream.linear.scatter [tilespmem:s26], [sflag:$0x9], $0x4000, $0x38;
	[tilespmem:$0x1C300] =	vst v63  }
0x43: {  	_ =	swait.ge [sflag:s28], $0x4000  }
0x44: {  	[sflag:s28] =	ssyncset.done $0x0  }
0x45: {  	s23 =	rddreg [dreg:$0x8];
	[sflag:s28] =	ssyncadd.s32 $0xFFFFC000  }
0x46: {  	[spmem:s23] =	stream.linear.scatter [tilespmem:s26], [sflag:$0x9], $0x4000, $0x38;
	[tilespmem:$0x1C300] =	vst v63  }
0x47: {  	_ =	swait.ge [sflag:s28], $0x4000  }
0x48: {  	[sflag:s28] =	ssyncset.done $0x0  }
0x49: {  	s31 =	rddreg [dreg:$0x9];
	[sflag:s28] =	ssyncadd.s32 $0xFFFFC000  }
0x4a: {  	[spmem:s31] =	stream.linear.scatter [tilespmem:s26], [sflag:$0x9], $0x4000, $0x38;
	[tilespmem:$0x1C300] =	vst v63  }
0x4b: {  	_ =	swait.ge [sflag:s28], $0x4000  }
0x4c: {  	[sflag:s28] =	ssyncset.done $0x0  }
0x4d: {  	s7 =	rddreg [dreg:$0xa];
	[sflag:s28] =	ssyncadd.s32 $0xFFFFC000  }
0x4e: {  	[spmem:s7] =	stream.linear.scatter [tilespmem:s26], [sflag:$0x9], $0x4000, $0x38;
	[tilespmem:$0x1C300] =	vst v63  }
0x4f: {  	_ =	swait.ge [sflag:s28], $0x4000  }
0x50: {  	[sflag:s28] =	ssyncset.done $0x0  }
0x51: {  	s13 =	rddreg [dreg:$0xb];
	[sflag:s28] =	ssyncadd.s32 $0xFFFFC000  }
0x52: {  	[spmem:s13] =	stream.linear.scatter [tilespmem:s26], [sflag:$0x9], $0x4000, $0x38;
	[tilespmem:$0x1C300] =	vst v63  }
0x53: {  	_ =	swait.ge [sflag:s28], $0x4000  }
0x54: {  	[sflag:s28] =	ssyncset.done $0x0  }
0x55: {  	[sflag:s28] =	ssyncadd.s32 $0xFFFFC000  }
0x56: {  	[bflag:$0x0] =	sbarrier.arrive $0xFFFF  }
0x57: {  	s14 =	rddreg [dreg:$0xc]  }
0x58: {  	[tilespmem:s22], [sflag:$0x3] =	stream.linear.gather [hbm4b:s14+s22], $0x80, $0x38;
	[tilespmem:$0x1C300] =	vst v63  }
0x59: {  	s15 =	rddreg [dreg:$0xd]  }
0x5a: {  	[tilespmem:s29], [sflag:$0x3] =	stream.linear.gather [hbm4b:s15+s22], $0x80, $0x38;
	[tilespmem:$0x1C300] =	vst v63  }
0x5b: {  	s18 =	simm.s32 $0x3;
	s16 =	rddreg [dreg:$0xe]  }
0x5c: {  	[tilespmem:s30], [sflag:$0x5] =	stream.linear.gather [hbm4b:s16+s22], $0x80, $0x38;
	[tilespmem:$0x1C300] =	vst v63  }
0x5d: {  	_ =	swait.ge [sflag:s18], $0x80  }
0x5e: {  	[sflag:s18] =	ssyncset.done $0x0  }
0x5f: {  	[sflag:s18] =	ssyncadd.s32 $0xFFFFFF80  }
0x60: {  	_ =	swait.ge [sflag:s18], $0x80  }
0x61: {  	[sflag:s18] =	ssyncset.done $0x0  }
0x62: {  	[sflag:s18] =	ssyncadd.s32 $0xFFFFFF80  }
0x63: {  	[tilespmem:s26], [sflag:$0x1] =	stream.indirect.gather [hbm4b:s0+s4], $0x80, s22, s4, $0xb8;
	[tilespmem:$0x1C300] =	vst v63  }
.Ltmp3:
0x64: {  	_ = 	snop;
	(pc) =	sbr.rel .LBB2_4-.Ltmp3, $4  }
0x65: {  	s23 =	rddreg [dreg:$0xf]  }
0x66: {  	[tilespmem:s4], [sflag:$0x4] =	stream.linear.gather [hbm4b:s23+s22], $0x80, $0x38;
	[tilespmem:$0x1C300] =	vst v63  }
0x67: {  	s31 =	rddreg [dreg:$0x10];
	s23 =	simm.s32 $0x0  }
0x68: {  	[tilespmem:s2], [sflag:$0x4] =	stream.linear.gather [hbm4b:s31+s22], $0x80, $0x38;
	[tilespmem:$0x1C300] =	vst v63  }
.LBB2_10:
0x69: {  	s6 =	sadd.s32 @!p0 s8, s13  }
0x6a: {  	s7 =	simm.s32 @!p0 $0x7;
	s6 =	sshll.u32 @!p0 s6, $0x5  }
0x6b: {  	_ =	swait.ge @!p0 [sflag:s7], $0x4000;
	s6 =	sand.u32 @!p0 $0x1FFFFFE0, s6  }
0x6c: {  	[sflag:s7] =	ssyncset.done @!p0 $0x0;
	s6 =	sadd.s32 @!p0 s1, s6  }
0x6d: {  	[sflag:s7] =	ssyncadd.s32 @!p0 $0xFFFFC000;
	s7 =	simm.s32 @!p0 $0x100;
	s6 =	sadd.s32 @!p0 $0x50, s6  }
0x6e: {  	[tilespmem:s7], [sflag:$0x5] =	stream.linear.gather @!p0 [hbm4b:s6+s16], $0x80, $0x38;
	[tilespmem:$0x1C300] =	vst v63  }
0x6f: {  	s6 =	simm.s32 @!p0 $0x3  }
0x70: {  	_ =	swait.ge @!p0 [sflag:s6], $0x80  }
0x71: {  	[sflag:s6] =	ssyncset.done @!p0 $0x0  }
0x72: {  	[sflag:s6] =	ssyncadd.s32 @!p0 $0xFFFFFF80  }
0x73: {  	_ =	swait.ge @!p0 [sflag:s6], $0x80  }
0x74: {  	s23 =	sadd.s32 $0x1, s23;
	[sflag:s6] =	ssyncset.done @!p0 $0x0  }
0x75: {  	s7 =	simm.s32 @!p0 $0x300;
	[sflag:s6] =	ssyncadd.s32 @!p0 $0xFFFFFF80;
	s6 =	simm.s32 @!p0 $0x80  }
0x76: {  	[tilespmem:s7], [sflag:$0x1] =	stream.indirect.gather @!p0 [hbm4b:s0+s6], $0x80, s16, s6, $0xb8;
	[tilespmem:$0x1C300] =	vst v63  }
0x77: {  	p0 =	sne.s32 s23, s17  }
.Ltmp4:
0x78: {  	_ = 	snop;
	(pc) =	sbr.rel @!p0 .LBB2_11-.Ltmp4, $1  }
0x79: {  	_ =	sdelay $0x3  }
.LBB2_4:
0x7a: {  	s13 =	sshll.u32 s23, $0x1;
	_ =	swait.ge [sflag:s9], $0x4000  }
0x7b: {  	[sflag:s9] =	ssyncset.done $0x0;
	p1 =	sge.u32 s13, s19  }
0x7c: {  	[sflag:s9] =	ssyncadd.s32 $0xFFFFC000;
	s6 =	simm.s32 @!p1 $0x4  }
0x7d: {  	_ =	swait.ge @!p1 [sflag:s6], $0x80  }
0x7e: {  	[sflag:s6] =	ssyncset.done @!p1 $0x0  }
0x7f: {  	[sflag:s6] =	ssyncadd.s32 @!p1 $0xFFFFFF80  }
0x80: {  	p0 =	seq.s32 @!p1 s23, $0x0;
	_ =	swait.ge @!p1 [sflag:s6], $0x80  }
0x81: {  	p0 =	por p0, p1;
	[sflag:s6] =	ssyncset.done @!p1 $0x0  }
0x82: {  	s7 =	sadd.s32 @!p1 s8, s13;
	[sflag:s6] =	ssyncadd.s32 @!p1 $0xFFFFFF80;
	s6 =	simm.s32 @!p0 $0x8  }
0x83: {  	v1 =	vmov s22;
	s7 =	sshll.u32 @!p1 s7, $0x5;
	_ =	swait.ge @!p0 [sflag:s6], $0x4000  }
0x84: {  	v1 =	vand.u32 $0xFFFFFFFC, v1;
	s7 =	sand.u32 @!p1 $0x1FFFFFE0, s7;
	[sflag:s6] =	ssyncset.done @!p0 $0x0  }
0x85: {  	v1 =	vbroadcast v1, $0x0;
	[sflag:s6] =	ssyncadd.s32 @!p0 $0xFFFFC000;
	s6 =	sadd.s32 @!p1 s1, s7  }
0x86: {  	s16 =	simm.s32 @!p1 $0x180;
	s7 =	simm.s32 @!p1 $0x0;
	s6 =	sadd.s32 @!p1 $0x30, s6  }
0x87: {  	[tilespmem:s16], [sflag:$0x6] =	stream.linear.gather @!p1 [hbm4b:s6+s7], $0x80, $0x38;
	[tilespmem:$0x1C300] =	vst v63  }
0x88: {  	s6 =	simm.s32 @!p1 $0x80;
	s7 =	simm.s32 @!p1 $0x4300;
	s16 =	simm.s32 $0x400  }
0x89: {  	[tilespmem:s7], [sflag:$0x2] =	stream.indirect.gather @!p1 [hbm4b:s0+s6], $0x80, s6, s6, $0xb8;
	[tilespmem:$0x1C300] =	vst v63  }
0x8a: {  	v2 =	vld [tilespmem:s16+$0xFFFFFF70]  }
0x8b: {  	v1 =	vld.idx.msk [tilespmem:v1+s29+$0x0], $0xffff  }
0x8c: {  	v3 =	vld [tilespmem:s16+$0xFFFFFF00]  }
0x8d: {  	v4 =	vld [tilespmem:s16+$0xFFFFFF20]  }
0x8e: {  	v5 =	vld [tilespmem:s16+$0xFFFFFF50]  }
0x8f: {  	v6 =	vld [tilespmem:s16+$0xFFFFFF40]  }
0x90: {  	v7 =	vld [tilespmem:s16+$0xFFFFFF60];
	v2 =	vmul.f32 v2, v1  }
0x91: {  	s15 =	simm.s32 $0x1;
	v8 =	vld [tilespmem:s16+$0xFFFFFF30];
	v3 =	vmul.f32 v3, v1  }
0x92: {  	v9 =	vld [tilespmem:s16+$0xFFFFFF10];
	v4 =	vmul.f32 v4, v1;
	[tilespmem:s16+$0xFFFFFF70] =	vst v2;
	v2 =	vmov s15  }
0x93: {  	v5 =	vmul.f32 v5, v1;
	[tilespmem:s16+$0xFFFFFF00] =	vst v3;
	v2 =	vand.u32 $0xFFFFFFFD, v2  }
0x94: {  	v3 =	vmul.f32 v6, v1;
	[tilespmem:s16+$0xFFFFFF20] =	vst v4;
	v2 =	vbroadcast v2, $0x0  }
0x95: {  	v4 =	vmul.f32 v7, v1;
	[tilespmem:s16+$0xFFFFFF50] =	vst v5  }
0x96: {  	v5 =	vmul.f32 v8, v1;
	[tilespmem:s16+$0xFFFFFF40] =	vst v3  }
0x97: {  	v1 =	vmul.f32 v9, v1;
	[tilespmem:s16+$0xFFFFFF60] =	vst v4  }
0x98: {  	[tilespmem:s16+$0xFFFFFF30] =	vst v5  }
0x99: {  	[tilespmem:s16+$0xFFFFFF10] =	vst v1;
	v1 =	vld [tilespmem:s16+$0xFFFFFF90]  }
0x9a: {  	v3 =	vld.idx.msk [tilespmem:v2+s29+$0x0], $0xffff  }
0x9b: {  	v2 =	vld [tilespmem:s16+$0xFFFFFFA0]  }
0x9c: {  	v4 =	vld [tilespmem:s16+$0xFFFFFF80]  }
0x9d: {  	v5 =	vld [tilespmem:s16+$0xFFFFFFB0]  }
0x9e: {  	v6 =	vld [tilespmem:s16+$0xFFFFFFC0]  }
0x9f: {  	v7 =	vld [tilespmem:s16+$0xFFFFFFD0];
	v1 =	vmul.f32 v1, v3  }
0xa0: {  	s18 =	simm.s32 $0x2;
	v8 =	vld [tilespmem:s16+$0xFFFFFFF0];
	v2 =	vmul.f32 v2, v3  }
0xa1: {  	v63 =	vld [tilespmem:s16+$0xFFFFFFE0];
	v4 =	vmul.f32 v4, v3;
	[tilespmem:s16+$0xFFFFFF90] =	vst v1;
	v1 =	vmov s18  }
0xa2: {  	v5 =	vmul.f32 v5, v3;
	[tilespmem:s16+$0xFFFFFFA0] =	vst v2;
	v1 =	vand.u32 $0xFFFFFFFE, v1  }
0xa3: {  	v2 =	vmul.f32 v6, v3;
	[tilespmem:s16+$0xFFFFFF80] =	vst v4;
	v6 =	vld [tilespmem:s16+$0x60];
	v10 =	vbroadcast v1, $0x0  }
0xa4: {  	v4 =	vmul.f32 v7, v3;
	[tilespmem:s16+$0xFFFFFFB0] =	vst v5;
	v7 =	vld [tilespmem:s16+$0x0]  }
0xa5: {  	v5 =	vmul.f32 v8, v3;
	v1 =	vld [tilespmem:s16+$0x20];
	[tilespmem:s16+$0xFFFFFFC0] =	vst v2  }
0xa6: {  	v3 =	vmul.f32 v63, v3;
	v2 =	vld [tilespmem:s16+$0x30];
	[tilespmem:s16+$0xFFFFFFD0] =	vst v4  }
0xa7: {  	[tilespmem:s16+$0xFFFFFFF0] =	vst v5;
	v4 =	vld [tilespmem:s16+$0x40]  }
0xa8: {  	[tilespmem:s16+$0xFFFFFFE0] =	vst v3;
	v5 =	vld [tilespmem:s16+$0x10]  }
0xa9: {  	s31 =	simm.s32 $0x400;
	s7 =	simm.s32 $0x0;
	s18 =	simm.s32 $0x4;
	v3 =	vld.idx.msk [tilespmem:v10+s29+$0x0], $0xffff  }
.LBB2_5:
0xaa: {  	p0 =	slt.u32 s18, $0x7C  }
0xab: {  	v8 =	vld [tilespmem:s16+$0x50];
	s31 =	sadd.s32 $0x200, s31;
	s6 =	smov.u32 s18;
	s18 =	sadd.s32 $0x4, s18  }
0xac: {  	v9 =	vld [tilespmem:s16+$0x70];
	_ =	sdelay $0x1  }
0xad: {  	v6 =	vmul.f32 v6, v3;
	v7 =	vmul.f32 v7, v3  }
0xae: {  	v4 =	vmul.f32 v4, v3;
	v5 =	vmul.f32 v5, v3  }
0xaf: {  	v1 =	vmul.f32 v1, v3;
	v2 =	vmul.f32 v2, v3;
	[tilespmem:s16+$0x60] =	vst v6  }
0xb0: {  	[tilespmem:s16+$0x40] =	vst v4;
	v4 =	vmul.f32 v8, v3;
	v3 =	vmul.f32 v9, v3  }
0xb1: {  	s14 =	sadd.s32 $0x3, s7;
	s7 =	smov.u32 s6;
	[tilespmem:s16+$0x20] =	vst v1;
	v6 =	vld [tilespmem:s16+$0x80]  }
0xb2: {  	v1 =	vld [tilespmem:s31+$0x20];
	[tilespmem:s16+$0x0] =	vst v7;
	v7 =	vmov s14  }
0xb3: {  	[tilespmem:s16+$0x50] =	vst v4;
	v4 =	vld [tilespmem:s16+$0xE0]  }
0xb4: {  	[tilespmem:s16+$0x30] =	vst v2;
	v8 =	vld [tilespmem:s16+$0xC0]  }
0xb5: {  	v2 =	vld [tilespmem:s31+$0x30];
	[tilespmem:s16+$0x10] =	vst v5  }
0xb6: {  	[tilespmem:s16+$0x70] =	vst v3;
	v3 =	vld [tilespmem:s16+$0xA0]  }
0xb7: {  	v5 =	vld.idx.msk [tilespmem:v7+s29+$0x0], $0xffff  }
0xb8: {  	v7 =	vld [tilespmem:s16+$0x90]  }
0xb9: {  	v9 =	vld [tilespmem:s16+$0xB0]  }
0xba: {  	v10 =	vld [tilespmem:s16+$0xD0]  }
0xbb: {  	v11 =	vld [tilespmem:s16+$0xF0];
	_ =	sdelay $0x1  }
0xbc: {  	v6 =	vmul.f32 v6, v5;
	v7 =	vmul.f32 v7, v5  }
0xbd: {  	v3 =	vmul.f32 v3, v5;
	v9 =	vmul.f32 v9, v5  }
0xbe: {  	v12 =	vmov s7;
	[tilespmem:s16+$0x80] =	vst v6;
	v6 =	vmul.f32 v8, v5;
	v8 =	vmul.f32 v10, v5  }
0xbf: {  	v10 =	vand.u32 $0xFFFFFFFC, v12;
	[tilespmem:s16+$0xA0] =	vst v3;
	v3 =	vmul.f32 v4, v5;
	v4 =	vmul.f32 v11, v5  }
0xc0: {  	v5 =	vbroadcast v10, $0x0;
	[tilespmem:s16+$0xC0] =	vst v6  }
0xc1: {  	[tilespmem:s16+$0xF0] =	vst v4  }
0xc2: {  	v4 =	vld [tilespmem:s31+$0xFFFFFF40];
	[tilespmem:s16+$0xE0] =	vst v3  }
0xc3: {  	v3 =	vld [tilespmem:s31+$0xFFFFFF50];
	[tilespmem:s16+$0x90] =	vst v7  }
0xc4: {  	v6 =	vld [tilespmem:s31+$0xFFFFFF60];
	[tilespmem:s16+$0xB0] =	vst v9  }
0xc5: {  	v7 =	vld [tilespmem:s31+$0xFFFFFF70];
	[tilespmem:s16+$0xD0] =	vst v8;
	s16 =	smov.u32 s31  }
0xc6: {  	v5 =	vld.idx.msk [tilespmem:v5+s29+$0x0], $0xffff  }
0xc7: {  	v8 =	vld [tilespmem:s31+$0xFFFFFF00]  }
0xc8: {  	v9 =	vld [tilespmem:s31+$0xFFFFFF20]  }
0xc9: {  	v10 =	vld [tilespmem:s31+$0xFFFFFF10]  }
0xca: {  	v11 =	vld [tilespmem:s31+$0xFFFFFF30];
	_ =	sdelay $0x1  }
0xcb: {  	v7 =	vmul.f32 v7, v5;
	v8 =	vmul.f32 v8, v5  }
0xcc: {  	s6 =	sadd.s32 $0x1, s7;
	v6 =	vmul.f32 v6, v5;
	v9 =	vmul.f32 v9, v5  }
0xcd: {  	v3 =	vmul.f32 v3, v5;
	v10 =	vmul.f32 v10, v5;
	[tilespmem:s31+$0xFFFFFF70] =	vst v7;
	v7 =	vmov s6  }
0xce: {  	v4 =	vmul.f32 v4, v5;
	[tilespmem:s31+$0xFFFFFF00] =	vst v8;
	v8 =	vmul.f32 v11, v5;
	v5 =	vand.u32 $0xFFFFFFFD, v7  }
0xcf: {  	[tilespmem:s31+$0xFFFFFF20] =	vst v9;
	v5 =	vbroadcast v5, $0x0  }
0xd0: {  	[tilespmem:s31+$0xFFFFFF50] =	vst v3  }
0xd1: {  	[tilespmem:s31+$0xFFFFFF40] =	vst v4;
	v3 =	vld [tilespmem:s31+$0xFFFFFFF0]  }
0xd2: {  	[tilespmem:s31+$0xFFFFFF60] =	vst v6;
	v4 =	vld [tilespmem:s31+$0xFFFFFFC0]  }
0xd3: {  	[tilespmem:s31+$0xFFFFFF30] =	vst v8;
	v6 =	vld [tilespmem:s31+$0xFFFFFFD0]  }
0xd4: {  	[tilespmem:s31+$0xFFFFFF10] =	vst v10;
	v7 =	vld [tilespmem:s31+$0xFFFFFF90]  }
0xd5: {  	v5 =	vld.idx.msk [tilespmem:v5+s29+$0x0], $0xffff  }
0xd6: {  	v8 =	vld [tilespmem:s31+$0xFFFFFF80]  }
0xd7: {  	v9 =	vld [tilespmem:s31+$0xFFFFFFA0]  }
0xd8: {  	v10 =	vld [tilespmem:s31+$0xFFFFFFB0]  }
0xd9: {  	v11 =	vld [tilespmem:s31+$0xFFFFFFE0];
	_ =	sdelay $0x1  }
0xda: {  	v7 =	vmul.f32 v7, v5;
	v8 =	vmul.f32 v8, v5  }
0xdb: {  	s6 =	sadd.s32 $0x2, s7;
	v6 =	vmul.f32 v6, v5;
	v9 =	vmul.f32 v9, v5  }
0xdc: {  	v4 =	vmul.f32 v4, v5;
	[tilespmem:s31+$0xFFFFFF90] =	vst v7;
	v7 =	vmul.f32 v10, v5;
	v10 =	vmov s6  }
0xdd: {  	v3 =	vmul.f32 v3, v5;
	[tilespmem:s31+$0xFFFFFFA0] =	vst v9;
	v9 =	vmul.f32 v11, v5;
	v5 =	vand.u32 $0xFFFFFFFE, v10  }
0xde: {  	[tilespmem:s31+$0xFFFFFF80] =	vst v8;
	v5 =	vbroadcast v5, $0x0  }
0xdf: {  	[tilespmem:s31+$0xFFFFFFB0] =	vst v7  }
0xe0: {  	[tilespmem:s31+$0xFFFFFFC0] =	vst v4  }
0xe1: {  	[tilespmem:s31+$0xFFFFFFD0] =	vst v6  }
.Ltmp5:
0xe2: {  	[tilespmem:s31+$0xFFFFFFF0] =	vst v3;
	v4 =	vld [tilespmem:s31+$0x40];
	(pc) =	sbr.rel @p0 .LBB2_5-.Ltmp5, $4  }
0xe3: {  	[tilespmem:s31+$0xFFFFFFE0] =	vst v9;
	v6 =	vld [tilespmem:s31+$0x60]  }
0xe4: {  	v3 =	vld.idx.msk [tilespmem:v5+s29+$0x0], $0xffff  }
0xe5: {  	v7 =	vld [tilespmem:s31+$0x0]  }
0xe6: {  	v5 =	vld [tilespmem:s31+$0x10]  }
0xe7: {  	_ =	sdelay $0x1  }
0xe8: {  	v6 =	vmul.f32 v6, v3  }
0xe9: {  	v8 =	vld [tilespmem:s16+$0x50];
	v4 =	vmul.f32 v4, v3  }
0xea: {  	v9 =	vld [tilespmem:s16+$0x70];
	v1 =	vmul.f32 v1, v3;
	[tilespmem:s16+$0x60] =	vst v6  }
0xeb: {  	v54 =	vmul.f32 v7, v3;
	[tilespmem:s16+$0x40] =	vst v4  }
0xec: {  	s6 =	sadd.s32 $0x3, s7;
	[tilespmem:s16+$0x20] =	vst v1;
	v1 =	vmul.f32 v2, v3  }
0xed: {  	v56 =	vmov s6;
	v5 =	vmul.f32 v5, v3;
	[tilespmem:s16+$0x0] =	vst v54  }
0xee: {  	v55 =	vmul.f32 v8, v3;
	[tilespmem:s16+$0x30] =	vst v1  }
0xef: {  	v3 =	vmul.f32 v9, v3;
	[tilespmem:s16+$0x10] =	vst v5  }
0xf0: {  	[tilespmem:s16+$0x50] =	vst v55  }
0xf1: {  	v2 =	vld [tilespmem:s16+$0x80];
	[tilespmem:s16+$0x70] =	vst v3  }
0xf2: {  	v1 =	vld.idx.msk [tilespmem:v56+s29+$0x0], $0xffff  }
0xf3: {  	v3 =	vld [tilespmem:s16+$0xA0]  }
0xf4: {  	v59 =	vld [tilespmem:s16+$0xE0]  }
0xf5: {  	v57 =	vld [tilespmem:s16+$0xC0]  }
0xf6: {  	v58 =	vld [tilespmem:s16+$0xF0]  }
0xf7: {  	v60 =	vld [tilespmem:s16+$0x90];
	v2 =	vmul.f32 v2, v1  }
0xf8: {  	v61 =	vld [tilespmem:s16+$0xB0];
	v3 =	vmul.f32 v3, v1  }
0xf9: {  	v62 =	vld [tilespmem:s16+$0xD0];
	v63 =	vmul.f32 v59, v1;
	[tilespmem:s16+$0x80] =	vst v2  }
0xfa: {  	v2 =	vmul.f32 v57, v1;
	[tilespmem:s16+$0xA0] =	vst v3  }
0xfb: {  	v3 =	vmul.f32 v58, v1;
	[tilespmem:s16+$0xE0] =	vst v63  }
0xfc: {  	[tilespmem:s16+$0xC0] =	vst v2;
	v2 =	vmul.f32 v60, v1  }
0xfd: {  	[tilespmem:s16+$0xF0] =	vst v3;
	v3 =	vmul.f32 v61, v1  }
0xfe: {  	v1 =	vmul.f32 v62, v1;
	[tilespmem:s16+$0x90] =	vst v2  }
0xff: {  	[tilespmem:s16+$0xB0] =	vst v3  }
0x100: {  	[tilespmem:s16+$0xD0] =	vst v1  }
0x101: {  	p0 =	sge.u32 s13, s24;
	_ =	swait.ge [sflag:s10], $0x80  }
0x102: {  	s6 =	sadd.s32 @!p0 s13, s20;
	[sflag:s10] =	ssyncset.done $0x0  }
0x103: {  	s7 =	sshll.u32 @!p0 s6, $0x5;
	[sflag:s10] =	ssyncadd.s32 $0xFFFFFF80  }
0x104: {  	[spmem:s5] =	stream.indirect.scatter.add.f32 [tilespmem:s26], [sflag:$0x7], $0x80, s30, s4, $0xb8;
	[tilespmem:$0x1C300] =	vst v63  }
.Ltmp6:
0x105: {  	s6 =	sshll.u32 @!p0 s6, $0x4;
	s7 =	sand.u32 @!p0 $0x1FFFFFE0, s7;
	(pc) =	sbr.rel @p1 .LBB2_10-.Ltmp6, $4  }
0x106: {  	s6 =	sand.u32 @!p0 $0x1FFFFFF0, s6;
	s7 =	sadd.s32 @!p0 s1, s7;
	s16 =	simm.s32 @!p0 $0x0  }
0x107: {  	[tilespmem:s16], [sflag:$0x3] =	stream.linear.gather @!p0 [hbm4b:s7+s16], $0x80, $0x38;
	[tilespmem:$0x1C300] =	vst v63  }
0x108: {  	s6 =	sadd.s32 @!p0 s3, s6;
	s7 =	simm.s32 @!p0 $0x200  }
0x109: {  	[tilespmem:s7], [sflag:$0x3] =	stream.linear.gather @!p0 [hbm4b:s6+s16], $0x80, $0x38;
	[tilespmem:$0x1C300] =	vst v63  }
0x10a: {  	s7 =	simm.s32 $0x0  }
0x10b: {  	v1 =	vmov s7  }
0x10c: {  	v1 =	vand.u32 $0xFFFFFFFC, v1  }
0x10d: {  	v1 =	vbroadcast v1, $0x0;
	_ =	sdelay $0x1  }
0x10e: {  	_ =	swait.ge [sflag:s11], $0x4000  }
0x10f: {  	[sflag:s11] =	ssyncset.done $0x0  }
0x110: {  	s18 =	simm.s32 $0x4400;
	[sflag:s11] =	ssyncadd.s32 $0xFFFFC000  }
0x111: {  	v2 =	vld [tilespmem:s18+$0xFFFFFF70]  }
0x112: {  	v1 =	vld.idx.msk [tilespmem:v1+s2+$0x0], $0xffff  }
0x113: {  	v3 =	vld [tilespmem:s18+$0xFFFFFF00]  }
0x114: {  	v4 =	vld [tilespmem:s18+$0xFFFFFF20]  }
0x115: {  	v5 =	vld [tilespmem:s18+$0xFFFFFF50]  }
0x116: {  	v6 =	vld [tilespmem:s18+$0xFFFFFF40]  }
0x117: {  	v7 =	vld [tilespmem:s18+$0xFFFFFF60];
	v2 =	vmul.f32 v2, v1  }
0x118: {  	s6 =	simm.s32 $0x1;
	v8 =	vld [tilespmem:s18+$0xFFFFFF30];
	v3 =	vmul.f32 v3, v1  }
0x119: {  	v9 =	vld [tilespmem:s18+$0xFFFFFF10];
	v4 =	vmul.f32 v4, v1;
	[tilespmem:s18+$0xFFFFFF70] =	vst v2;
	v2 =	vmov s6  }
0x11a: {  	v5 =	vmul.f32 v5, v1;
	[tilespmem:s18+$0xFFFFFF00] =	vst v3;
	v2 =	vand.u32 $0xFFFFFFFD, v2  }
0x11b: {  	v3 =	vmul.f32 v6, v1;
	[tilespmem:s18+$0xFFFFFF20] =	vst v4;
	v2 =	vbroadcast v2, $0x0  }
0x11c: {  	v4 =	vmul.f32 v7, v1;
	[tilespmem:s18+$0xFFFFFF50] =	vst v5  }
0x11d: {  	v5 =	vmul.f32 v8, v1;
	[tilespmem:s18+$0xFFFFFF40] =	vst v3  }
0x11e: {  	v1 =	vmul.f32 v9, v1;
	[tilespmem:s18+$0xFFFFFF60] =	vst v4  }
0x11f: {  	[tilespmem:s18+$0xFFFFFF30] =	vst v5  }
0x120: {  	[tilespmem:s18+$0xFFFFFF10] =	vst v1;
	v1 =	vld [tilespmem:s18+$0xFFFFFF90]  }
0x121: {  	v3 =	vld.idx.msk [tilespmem:v2+s2+$0x0], $0xffff  }
0x122: {  	v2 =	vld [tilespmem:s18+$0xFFFFFFA0]  }
0x123: {  	v4 =	vld [tilespmem:s18+$0xFFFFFF80]  }
0x124: {  	v5 =	vld [tilespmem:s18+$0xFFFFFFB0]  }
0x125: {  	v6 =	vld [tilespmem:s18+$0xFFFFFFC0]  }
0x126: {  	v7 =	vld [tilespmem:s18+$0xFFFFFFD0];
	v1 =	vmul.f32 v1, v3  }
0x127: {  	s15 =	simm.s32 $0x2;
	v8 =	vld [tilespmem:s18+$0xFFFFFFF0];
	v2 =	vmul.f32 v2, v3  }
0x128: {  	v63 =	vld [tilespmem:s18+$0xFFFFFFE0];
	v4 =	vmul.f32 v4, v3;
	[tilespmem:s18+$0xFFFFFF90] =	vst v1;
	v1 =	vmov s15  }
0x129: {  	v5 =	vmul.f32 v5, v3;
	[tilespmem:s18+$0xFFFFFFA0] =	vst v2;
	v1 =	vand.u32 $0xFFFFFFFE, v1  }
0x12a: {  	v2 =	vmul.f32 v6, v3;
	[tilespmem:s18+$0xFFFFFF80] =	vst v4;
	v6 =	vld [tilespmem:s18+$0x60];
	v10 =	vbroadcast v1, $0x0  }
0x12b: {  	v4 =	vmul.f32 v7, v3;
	[tilespmem:s18+$0xFFFFFFB0] =	vst v5;
	v7 =	vld [tilespmem:s18+$0x0]  }
0x12c: {  	v5 =	vmul.f32 v8, v3;
	v1 =	vld [tilespmem:s18+$0x20];
	[tilespmem:s18+$0xFFFFFFC0] =	vst v2  }
0x12d: {  	v3 =	vmul.f32 v63, v3;
	v2 =	vld [tilespmem:s18+$0x30];
	[tilespmem:s18+$0xFFFFFFD0] =	vst v4  }
0x12e: {  	[tilespmem:s18+$0xFFFFFFF0] =	vst v5;
	v4 =	vld [tilespmem:s18+$0x40]  }
0x12f: {  	[tilespmem:s18+$0xFFFFFFE0] =	vst v3;
	v5 =	vld [tilespmem:s18+$0x10]  }
0x130: {  	s31 =	simm.s32 $0x4;
	s6 =	simm.s32 $0x4400;
	v3 =	vld.idx.msk [tilespmem:v10+s2+$0x0], $0xffff  }
.LBB2_8:
0x131: {  	p1 =	slt.u32 s31, $0x7C  }
0x132: {  	v8 =	vld [tilespmem:s18+$0x50];
	s6 =	sadd.s32 $0x200, s6;
	s14 =	smov.u32 s31;
	s31 =	sadd.s32 $0x4, s31  }
0x133: {  	v9 =	vld [tilespmem:s18+$0x70];
	_ =	sdelay $0x1  }
0x134: {  	v6 =	vmul.f32 v6, v3;
	v7 =	vmul.f32 v7, v3  }
0x135: {  	v4 =	vmul.f32 v4, v3;
	v5 =	vmul.f32 v5, v3  }
0x136: {  	v1 =	vmul.f32 v1, v3;
	v2 =	vmul.f32 v2, v3;
	[tilespmem:s18+$0x60] =	vst v6  }
0x137: {  	[tilespmem:s18+$0x40] =	vst v4;
	v4 =	vmul.f32 v8, v3;
	v3 =	vmul.f32 v9, v3  }
0x138: {  	s15 =	sadd.s32 $0x3, s7;
	s7 =	smov.u32 s14;
	[tilespmem:s18+$0x20] =	vst v1;
	v6 =	vld [tilespmem:s18+$0x80]  }
0x139: {  	v1 =	vld [tilespmem:s6+$0x20];
	[tilespmem:s18+$0x0] =	vst v7;
	v7 =	vmov s15  }
0x13a: {  	[tilespmem:s18+$0x50] =	vst v4;
	v4 =	vld [tilespmem:s18+$0xE0]  }
0x13b: {  	[tilespmem:s18+$0x30] =	vst v2;
	v8 =	vld [tilespmem:s18+$0xC0]  }
0x13c: {  	v2 =	vld [tilespmem:s6+$0x30];
	[tilespmem:s18+$0x10] =	vst v5  }
0x13d: {  	[tilespmem:s18+$0x70] =	vst v3;
	v3 =	vld [tilespmem:s18+$0xA0]  }
0x13e: {  	v5 =	vld.idx.msk [tilespmem:v7+s2+$0x0], $0xffff  }
0x13f: {  	v7 =	vld [tilespmem:s18+$0x90]  }
0x140: {  	v9 =	vld [tilespmem:s18+$0xB0]  }
0x141: {  	v10 =	vld [tilespmem:s18+$0xD0]  }
0x142: {  	v11 =	vld [tilespmem:s18+$0xF0];
	_ =	sdelay $0x1  }
0x143: {  	v6 =	vmul.f32 v6, v5;
	v7 =	vmul.f32 v7, v5  }
0x144: {  	v3 =	vmul.f32 v3, v5;
	v9 =	vmul.f32 v9, v5  }
0x145: {  	v12 =	vmov s7;
	[tilespmem:s18+$0x80] =	vst v6;
	v6 =	vmul.f32 v8, v5;
	v8 =	vmul.f32 v10, v5  }
0x146: {  	v10 =	vand.u32 $0xFFFFFFFC, v12;
	[tilespmem:s18+$0xA0] =	vst v3;
	v3 =	vmul.f32 v4, v5;
	v4 =	vmul.f32 v11, v5  }
0x147: {  	v5 =	vbroadcast v10, $0x0;
	[tilespmem:s18+$0xC0] =	vst v6  }
0x148: {  	[tilespmem:s18+$0xF0] =	vst v4  }
0x149: {  	v4 =	vld [tilespmem:s6+$0xFFFFFF40];
	[tilespmem:s18+$0xE0] =	vst v3  }
0x14a: {  	v3 =	vld [tilespmem:s6+$0xFFFFFF50];
	[tilespmem:s18+$0x90] =	vst v7  }
0x14b: {  	v6 =	vld [tilespmem:s6+$0xFFFFFF60];
	[tilespmem:s18+$0xB0] =	vst v9  }
0x14c: {  	v7 =	vld [tilespmem:s6+$0xFFFFFF70];
	[tilespmem:s18+$0xD0] =	vst v8;
	s18 =	smov.u32 s6  }
0x14d: {  	v5 =	vld.idx.msk [tilespmem:v5+s2+$0x0], $0xffff  }
0x14e: {  	v8 =	vld [tilespmem:s6+$0xFFFFFF00]  }
0x14f: {  	v9 =	vld [tilespmem:s6+$0xFFFFFF20]  }
0x150: {  	v10 =	vld [tilespmem:s6+$0xFFFFFF10]  }
0x151: {  	v11 =	vld [tilespmem:s6+$0xFFFFFF30];
	_ =	sdelay $0x1  }
0x152: {  	v7 =	vmul.f32 v7, v5;
	v8 =	vmul.f32 v8, v5  }
0x153: {  	s14 =	sadd.s32 $0x1, s7;
	v6 =	vmul.f32 v6, v5;
	v9 =	vmul.f32 v9, v5  }
0x154: {  	v3 =	vmul.f32 v3, v5;
	v10 =	vmul.f32 v10, v5;
	[tilespmem:s6+$0xFFFFFF70] =	vst v7;
	v7 =	vmov s14  }
0x155: {  	v4 =	vmul.f32 v4, v5;
	[tilespmem:s6+$0xFFFFFF00] =	vst v8;
	v8 =	vmul.f32 v11, v5;
	v5 =	vand.u32 $0xFFFFFFFD, v7  }
0x156: {  	[tilespmem:s6+$0xFFFFFF20] =	vst v9;
	v5 =	vbroadcast v5, $0x0  }
0x157: {  	[tilespmem:s6+$0xFFFFFF50] =	vst v3  }
0x158: {  	[tilespmem:s6+$0xFFFFFF40] =	vst v4;
	v3 =	vld [tilespmem:s6+$0xFFFFFFF0]  }
0x159: {  	[tilespmem:s6+$0xFFFFFF60] =	vst v6;
	v4 =	vld [tilespmem:s6+$0xFFFFFFC0]  }
0x15a: {  	[tilespmem:s6+$0xFFFFFF30] =	vst v8;
	v6 =	vld [tilespmem:s6+$0xFFFFFFD0]  }
0x15b: {  	[tilespmem:s6+$0xFFFFFF10] =	vst v10;
	v7 =	vld [tilespmem:s6+$0xFFFFFF90]  }
0x15c: {  	v5 =	vld.idx.msk [tilespmem:v5+s2+$0x0], $0xffff  }
0x15d: {  	v8 =	vld [tilespmem:s6+$0xFFFFFF80]  }
0x15e: {  	v9 =	vld [tilespmem:s6+$0xFFFFFFA0]  }
0x15f: {  	v10 =	vld [tilespmem:s6+$0xFFFFFFB0]  }
0x160: {  	v11 =	vld [tilespmem:s6+$0xFFFFFFE0];
	_ =	sdelay $0x1  }
0x161: {  	v7 =	vmul.f32 v7, v5;
	v8 =	vmul.f32 v8, v5  }
0x162: {  	s14 =	sadd.s32 $0x2, s7;
	v6 =	vmul.f32 v6, v5;
	v9 =	vmul.f32 v9, v5  }
0x163: {  	v4 =	vmul.f32 v4, v5;
	[tilespmem:s6+$0xFFFFFF90] =	vst v7;
	v7 =	vmul.f32 v10, v5;
	v10 =	vmov s14  }
0x164: {  	v3 =	vmul.f32 v3, v5;
	[tilespmem:s6+$0xFFFFFFA0] =	vst v9;
	v9 =	vmul.f32 v11, v5;
	v5 =	vand.u32 $0xFFFFFFFE, v10  }
0x165: {  	[tilespmem:s6+$0xFFFFFF80] =	vst v8;
	v5 =	vbroadcast v5, $0x0  }
0x166: {  	[tilespmem:s6+$0xFFFFFFB0] =	vst v7  }
0x167: {  	[tilespmem:s6+$0xFFFFFFC0] =	vst v4  }
0x168: {  	[tilespmem:s6+$0xFFFFFFD0] =	vst v6  }
.Ltmp7:
0x169: {  	[tilespmem:s6+$0xFFFFFFF0] =	vst v3;
	v4 =	vld [tilespmem:s6+$0x40];
	(pc) =	sbr.rel @p1 .LBB2_8-.Ltmp7, $4  }
0x16a: {  	[tilespmem:s6+$0xFFFFFFE0] =	vst v9;
	v6 =	vld [tilespmem:s6+$0x60]  }
0x16b: {  	v3 =	vld.idx.msk [tilespmem:v5+s2+$0x0], $0xffff  }
0x16c: {  	v7 =	vld [tilespmem:s6+$0x0]  }
0x16d: {  	v5 =	vld [tilespmem:s6+$0x10]  }
0x16e: {  	_ =	sdelay $0x1  }
0x16f: {  	v6 =	vmul.f32 v6, v3  }
0x170: {  	v8 =	vld [tilespmem:s18+$0x50];
	v4 =	vmul.f32 v4, v3  }
0x171: {  	v9 =	vld [tilespmem:s18+$0x70];
	v1 =	vmul.f32 v1, v3;
	[tilespmem:s18+$0x60] =	vst v6  }
0x172: {  	v54 =	vmul.f32 v7, v3;
	[tilespmem:s18+$0x40] =	vst v4  }
0x173: {  	s6 =	sadd.s32 $0x3, s7;
	[tilespmem:s18+$0x20] =	vst v1;
	v1 =	vmul.f32 v2, v3  }
0x174: {  	v56 =	vmov s6;
	v5 =	vmul.f32 v5, v3;
	[tilespmem:s18+$0x0] =	vst v54  }
0x175: {  	v55 =	vmul.f32 v8, v3;
	[tilespmem:s18+$0x30] =	vst v1  }
0x176: {  	v3 =	vmul.f32 v9, v3;
	[tilespmem:s18+$0x10] =	vst v5  }
0x177: {  	[tilespmem:s18+$0x50] =	vst v55  }
0x178: {  	v2 =	vld [tilespmem:s18+$0x80];
	[tilespmem:s18+$0x70] =	vst v3  }
0x179: {  	v1 =	vld.idx.msk [tilespmem:v56+s2+$0x0], $0xffff  }
0x17a: {  	v3 =	vld [tilespmem:s18+$0xA0]  }
0x17b: {  	v59 =	vld [tilespmem:s18+$0xE0]  }
0x17c: {  	v57 =	vld [tilespmem:s18+$0xC0]  }
0x17d: {  	v58 =	vld [tilespmem:s18+$0xF0]  }
0x17e: {  	v60 =	vld [tilespmem:s18+$0x90];
	v2 =	vmul.f32 v2, v1  }
0x17f: {  	v61 =	vld [tilespmem:s18+$0xB0];
	v3 =	vmul.f32 v3, v1  }
0x180: {  	v62 =	vld [tilespmem:s18+$0xD0];
	v63 =	vmul.f32 v59, v1;
	[tilespmem:s18+$0x80] =	vst v2  }
0x181: {  	v2 =	vmul.f32 v57, v1;
	[tilespmem:s18+$0xA0] =	vst v3  }
0x182: {  	v3 =	vmul.f32 v58, v1;
	[tilespmem:s18+$0xE0] =	vst v63  }
0x183: {  	[tilespmem:s18+$0xC0] =	vst v2;
	v2 =	vmul.f32 v60, v1  }
0x184: {  	[tilespmem:s18+$0xF0] =	vst v3;
	v3 =	vmul.f32 v61, v1  }
0x185: {  	v1 =	vmul.f32 v62, v1;
	[tilespmem:s18+$0x90] =	vst v2  }
0x186: {  	[tilespmem:s18+$0xB0] =	vst v3  }
0x187: {  	[tilespmem:s18+$0xD0] =	vst v1  }
0x188: {  	s31 =	simm.s32 $0x4300;
	p1 =	sge.u32 s13, s25;
	_ =	swait.ge [sflag:s12], $0x80  }
0x189: {  	s6 =	sadd.s32 @!p1 s13, s21;
	s14 =	simm.s32 @!p1 $0x0;
	[sflag:s12] =	ssyncset.done $0x0  }
0x18a: {  	s7 =	sshll.u32 @!p1 s6, $0x5;
	s18 =	simm.s32 $0x180;
	[sflag:s12] =	ssyncadd.s32 $0xFFFFFF80  }
0x18b: {  	[spmem:s5] =	stream.indirect.scatter.add.f32 [tilespmem:s31], [sflag:$0x8], $0x80, s18, s4, $0xb8;
	[tilespmem:$0x1C300] =	vst v63  }
.Ltmp8:
0x18c: {  	s6 =	sshll.u32 @!p1 s6, $0x4;
	s7 =	sand.u32 @!p1 $0x1FFFFFE0, s7;
	(pc) =	sbr.rel .LBB2_10-.Ltmp8, $4  }
0x18d: {  	s15 =	simm.s32 @!p1 $0x80;
	s6 =	sand.u32 @!p1 $0x1FFFFFF0, s6;
	s7 =	sadd.s32 @!p1 s1, s7  }
0x18e: {  	[tilespmem:s15], [sflag:$0x4] =	stream.linear.gather @!p1 [hbm4b:s7+s14], $0x80, $0x38;
	[tilespmem:$0x1C300] =	vst v63  }
0x18f: {  	s6 =	sadd.s32 @!p1 s3, s6;
	s7 =	simm.s32 @!p1 $0x280  }
0x190: {  	[tilespmem:s7], [sflag:$0x4] =	stream.linear.gather @!p1 [hbm4b:s6+s14], $0x80, $0x38;
	[tilespmem:$0x1C300] =	vst v63  }
.LBB2_12:
0x191: {  	_ =	sfence.sel $0x180000  }
0x192: {  	[bflag:$0x0] =	sbarrier.arrive $0xFFFF  }
0x193: {  	_ =	strace $0x9000004A  }
0x194: {  	s0 =	stileid.u32;
	[bflag:$0x2] =	sbarrier.arrive $0xFFFF  }
0x195: {  	p0 =	sne.s32 s0, $0x0;
	s0 =	rddreg [dreg:$0x5]  }
0x196: {  	s0 =	sadd.s32 @!p0 $0x100000, s0  }
0x197: {  	[sflag:s0] =	ssyncadd.tile.s32 @!p0 $0x1;
	_ =	shalt  }
.Lfunc_end2:
_tile_overlayer_lowered:
.L_overlay_start_2:
0x198: {  	(tag) =	ssettag $0x2  }
0x199: {  	s0 =	rddreg [dreg:$0x0];
	s2 =	stileid.u32  }
0x19a: {  	s1 =	rddreg [dreg:$0x1];
	p0 =	sne.s32 s2, $0x0  }
0x19b: {  	s3 =	rddreg [dreg:$0x2];
	[bflag:$0x3] =	sbarrier.arrive $0xFFFF;
	s2 =	simm.s32 @!p0 $0x1C09  }
0x19c: {  	[timem:s3], [sflag:s2] =	dma.local @!p0 [hbm:s0], s1  }
0x19d: {  	s0 =	simm.s32 @!p0 $0x9  }
0x19e: {  	_ =	swait.ge @!p0 [sflag:s0], s1  }
0x19f: {  	s1 =	ssub.s32 @!p0 $0x0, s1;
	[sflag:s0] =	ssyncset.done @!p0 $0x0  }
0x1a0: {  	[sflag:s0] =	ssyncadd.s32 @!p0 s1  }
0x1a1: {  	[bflag:$0x3] =	sbarrier.arrive $0xFFFF  }
0x1a2: {  	_ =	shalt  }

// kernel: kernel.7.cloned.1.call-start
scs
__scs_entry_jumppad:
0x0: {  	(pc) =	sbr.rel $0x88, $3  }
0x1: {  	(tag) =	ssettag $0x0;
	lr =	simm.s32 $0x1  }
0x2: {  	[smem:$0x3F9C] =	sst lr;
	_ =	strace $0xD0000000  }
0x3: {  	_ = 	snop  }
0x4: {  	_ = 	snop  }
0x5: {  	_ = 	snop  }
0x6: {  	_ = 	snop  }
0x7: {  	_ = 	snop  }
__scs_overlays_trampoline_lowered:
0x8: {  	[smem:$0x3FAB] =	sst s0  }
0x9: {  	[smem:$0x3FAC] =	sst s1  }
0xa: {  	[smem:$0x3FAD] =	sst s2  }
0xb: {  	[smem:$0x3FAE] =	sst s3  }
0xc: {  	[smem:$0x3FAF] =	sst s4  }
0xd: {  	[smem:$0x3FB0] =	sst s5  }
0xe: {  	[smem:$0x3FB1] =	sst s6  }
0xf: {  	[smem:$0x3FB2] =	sst s7  }
0x10: {  	[smem:$0x3FB3] =	sst s8  }
0x11: {  	[smem:$0x3FB4] =	sst s9;
	s0 =	simm.s32 @!p0 $0x0  }
0x12: {  	s1 =	sld [smem:$0x3F9A];
	s0 =	simm.s32 @p0 $0x1  }
0x13: {  	[smem:$0x3FB5] =	sst s0;
	s0 =	simm.s32 @!p1 $0x0  }
0x14: {  	s2 =	sld [smem:$0x3F99];
	s0 =	simm.s32 @p1 $0x1  }
0x15: {  	[smem:$0x3FB6] =	sst s0;
	s0 =	simm.s32 @!p2 $0x0  }
0x16: {  	s3 =	sld [smem:$0x3FDB];
	s0 =	simm.s32 @p2 $0x1  }
0x17: {  	s4 =	simm.s32 $0x1BF5;
	[smem:$0x3FB8] =	sst s0  }
0x18: {  	s0 =	sld [smem:$0x3F9B];
	_ =	swait.ge [sflag:s4], $0x0  }
0x19: {  	s7 =	sld [smem:$0x3F9C]  }
0x1a: {  	s8 =	sadd.s32 $0xFFFFE003, lr  }
0x1b: {  	s9 =	sadd.s32 $0xFFFFFEF7, lr;
	s5 =	simm.s32 $0xFFFFFFFF;
	p2 =	slt.u32 s8, $0xFFFFF086  }
0x1c: {  	p1 =	slt.u32 s9, $0xF7A;
	s5 =	simm.s32 @!p2 $0x0  }
0x1d: {  	s5 =	simm.s32 @p1 $0x1;
	p0 =	seq.s32 s7, s2  }
0x1e: {  	s7 =	smul.u32 @!p0 $0xF7A, s2;
	p2 =	seq.s32 @!p0 s5, $0x0  }
0x1f: {  	s9 =	smul.u32 $0xF7A, s1;
	s8 =	simm.s32 @!p0 $0x1BF5;
	p2 =	por !p2, p0  }
0x20: {  	[sflag:s8] =	ssyncset.s32 @!p0 $0xFFFFF086;
	s6 =	sadd.s32 @!p0 s3, s7;
	s7 =	simm.s32 @!p0 $0x108  }
0x21: {  	s3 =	sadd.s32 s3, s9;
	s6 =	sadd.s32 @!p0 $0x88, s6;
	s7 =	simm.s32 @p2 $0x1082  }
0x22: {  	[simem:s7], [sflag:s8] =	dma.local @!p0 [hbm:s6], $0xF7A  }
0x23: {  	s9 =	sor.u32 $0xD0000000, s2;
	s6 =	simm.s32 $0x108;
	_ =	swait.ge @!p0 [sflag:s8], $0x0  }
0x24: {  	s3 =	sadd.s32 $0x88, s3;
	s6 =	simm.s32 @!p1 $0x1082;
	[sflag:s4] =	ssyncset.s32 $0xFFFFF086  }
0x25: {  	[simem:s6], [sflag:s4] =	dma.local [hbm:s3], $0xF7A  }
0x26: {  	[smem:$0x3F9C] =	sst s1;
	(tag) =	ssettag s2;
	_ =	strace s9  }
0x27: {  	s1 =	sld [smem:$0x3FAC]  }
0x28: {  	s2 =	sld [smem:$0x3FAD]  }
0x29: {  	s4 =	sld [smem:$0x3FAF]  }
0x2a: {  	p0 =	seq.s32 s5, $0x0;
	s5 =	sld [smem:$0x3FB0]  }
0x2b: {  	s6 =	sld [smem:$0x3FB1]  }
0x2c: {  	s7 =	sld [smem:$0x3FB2]  }
0x2d: {  	s3 =	simm.s32 $0x108;
	s8 =	sld [smem:$0x3FB3]  }
0x2e: {  	s3 =	simm.s32 @!p0 $0x1082;
	s9 =	sld [smem:$0x3FB4]  }
0x2f: {  	lr =	sadd.s32 s0, s3;
	s0 =	sld [smem:$0x3FAB]  }
0x30: {  	s3 =	sld [smem:$0x3FAE]  }
0x31: {  	[smem:$0x3FB7] =	sst s10  }
0x32: {  	s10 =	sld [smem:$0x3FB5];
	_ =	sdelay $0x3  }
0x33: {  	p0 =	seq.s32 s10, $0x1;
	s10 =	sld [smem:$0x3FB7];
	_ =	sdelay $0x3  }
0x34: {  	[smem:$0x3FB7] =	sst s10  }
0x35: {  	s10 =	sld [smem:$0x3FB6];
	_ =	sdelay $0x3  }
0x36: {  	p1 =	seq.s32 s10, $0x1;
	s10 =	sld [smem:$0x3FB7];
	_ =	sdelay $0x3  }
0x37: {  	[smem:$0x3FB7] =	sst s10  }
0x38: {  	s10 =	sld [smem:$0x3FB8]  }
0x39: {  	_ = 	snop;
	(pc) =	sbr.ind lr, $3  }
0x3a: {  	_ = 	snop  }
0x3b: {  	_ = 	snop  }
0x3c: {  	p2 =	seq.s32 s10, $0x1;
	s10 =	sld [smem:$0x3FB7]  }
0x3d: {  	_ =	shalt  }
0x3e: {  	_ =	shalt  }
0x3f: {  	_ =	shalt  }
0x40: {  	_ =	shalt  }
0x41: {  	_ =	shalt  }
0x42: {  	_ =	shalt  }
0x43: {  	_ =	shalt  }
0x44: {  	_ =	shalt  }
0x45: {  	_ =	shalt  }
0x46: {  	_ =	shalt  }
0x47: {  	_ =	shalt  }
0x48: {  	_ =	shalt  }
0x49: {  	_ =	shalt  }
0x4a: {  	_ =	shalt  }
0x4b: {  	_ =	shalt  }
0x4c: {  	_ =	shalt  }
0x4d: {  	_ =	shalt  }
0x4e: {  	_ =	shalt  }
0x4f: {  	_ =	shalt  }
0x50: {  	_ =	shalt  }
0x51: {  	_ =	shalt  }
0x52: {  	_ =	shalt  }
0x53: {  	_ =	shalt  }
0x54: {  	_ =	shalt  }
0x55: {  	_ =	shalt  }
0x56: {  	_ =	shalt  }
0x57: {  	_ =	shalt  }
0x58: {  	_ =	shalt  }
0x59: {  	_ =	shalt  }
0x5a: {  	_ =	shalt  }
0x5b: {  	_ =	shalt  }
0x5c: {  	_ =	shalt  }
0x5d: {  	_ =	shalt  }
0x5e: {  	_ =	shalt  }
0x5f: {  	_ =	shalt  }
0x60: {  	_ =	shalt  }
0x61: {  	_ =	shalt  }
0x62: {  	_ =	shalt  }
0x63: {  	_ =	shalt  }
0x64: {  	_ =	shalt  }
0x65: {  	_ =	shalt  }
0x66: {  	_ =	shalt  }
0x67: {  	_ =	shalt  }
0x68: {  	_ =	shalt  }
0x69: {  	_ =	shalt  }
0x6a: {  	_ =	shalt  }
0x6b: {  	_ =	shalt  }
0x6c: {  	_ =	shalt  }
0x6d: {  	_ =	shalt  }
0x6e: {  	_ =	shalt  }
0x6f: {  	_ =	shalt  }
0x70: {  	_ =	shalt  }
0x71: {  	_ =	shalt  }
0x72: {  	_ =	shalt  }
0x73: {  	_ =	shalt  }
0x74: {  	_ =	shalt  }
0x75: {  	_ =	shalt  }
0x76: {  	_ =	shalt  }
0x77: {  	_ =	shalt  }
0x78: {  	_ =	shalt  }
0x79: {  	_ =	shalt  }
0x7a: {  	_ =	shalt  }
0x7b: {  	_ =	shalt  }
0x7c: {  	_ =	shalt  }
0x7d: {  	_ =	shalt  }
0x7e: {  	_ =	shalt  }
0x7f: {  	_ =	shalt  }
0x80: {  	_ =	shalt  }
0x81: {  	_ =	shalt  }
0x82: {  	_ =	shalt  }
0x83: {  	_ =	shalt  }
0x84: {  	_ =	shalt  }
0x85: {  	_ =	shalt  }
0x86: {  	_ =	shalt  }
0x87: {  	_ =	shalt  }
.Lfunc_end0:
.L_simem_size_0:
called_computation_lowered:
.L_overlay_start_0:
0x88: {  	s2 =	sld [smem:$0x3FD9]  }
0x89: {  	s3 =	sld [smem:$0x3FFE];
	_ =	sdelay $0x1  }
0x8a: {  	s1 =	srdreg.scid  }
0x8b: {  	s0 =	sand.u32 $0x1, s1  }
0x8c: {  	s18 =	sshll.u32 s0, $0xA;
	s2 =	sadd.s32 s3, s2  }
0x8d: {  	s2 =	sadd.s32 s2, s18  }
0x8e: {  	[smem:$0x3FC3] =	sst s2  }
0x8f: {  	_ = 	snop  }
0x90: {  	s2 =	sld [smem:$0x3FC8]  }
0x91: {  	s19 =	sld [smem:$0x3FC7]  }
0x92: {  	s4 =	sld [smem:$0x3FD0];
	(tm) =	ssettm $0x1  }
0x93: {  	s5 =	sld [smem:$0x3FFB];
	_ =	sdelay $0x3  }
0x94: {  	_ =	strace s5  }
0x95: {  	s5 =	sld [smem:$0x3FFC];
	_ =	sdelay $0x3  }
0x96: {  	_ =	strace s5  }
0x97: {  	s5 =	sld [smem:$0x3FFD];
	_ =	sdelay $0x3  }
0x98: {  	_ =	strace s5  }
0x99: {  	_ =	strace $0x8FFFFFFF  }
0x9a: {  	s20 =	sld [smem:$0x3FDB];
	_ =	sdelay $0x1  }
0x9b: {  	s6 =	simm.s32 $_scs_section_size  }
0x9c: {  	s7 =	simm.s32 $_size__tile_overlayer_lowered;
	s8 =	simm.s32 $_tile_overlayer_lowered  }
0x9d: {  	s23 =	simm.s32 $0x1BFF;
	s22 =	sshll.u32 s8, $0x1;
	s5 =	sadd.s32 s6, s20  }
0x9e: {  	s9 =	simm.s32 $0x0;
	s21 =	sshll.u32 s7, $0x1;
	s7 =	sadd.s32 s22, s5  }
0x9f: {  	[timem:s9], [sflag:s23] =	dma.local [hbm:s7], s21  }
0xa0: {  	_ =	swait.ge [sflag:s23], s21  }
0xa1: {  	s6 =	ssub.s32 $0x0, s21;
	[sflag:s23] =	ssyncset.done $0x0  }
0xa2: {  	[sflag:s23] =	ssyncadd.s32 s6;
	_ =	sdelay $0x1  }
0xa3: {  	s24 =	simm.s32 $0x1B8B  }
0xa4: {  	_ =	swait.ge [sflag:s24], $0x1  }
0xa5: {  	[sflag:s24] =	ssyncset.done $0x0  }
0xa6: {  	s25 =	simm.s32 $0x1B8E;
	[sflag:s24] =	ssyncadd.s32 $0xFFFFFFFF  }
0xa7: {  	s26 =	simm.s32 $execute0_lowered;
	[smem:$0x3FD2] =	sst s25  }
0xa8: {  	s6 =	sshll.u32 s26, $0x1;
	_ =	strace $0x80000046;
	[dreg:$0x1] =	wrdreg $0xFFFFFFFF  }
0xa9: {  	s28 =	simm.s32 $_size_execute0_lowered;
	s5 =	sadd.s32 s5, s6;
	[dreg:$0x0] =	wrdreg $0x0  }
0xaa: {  	s6 =	sshll.u32 s28, $0x1;
	[dreg:$0x2] =	wrdreg s5  }
0xab: {  	[dreg:$0x3] =	wrdreg s6  }
0xac: {  	[dreg:$0x4] =	wrdreg $0xC0  }
0xad: {  	_ =	task [dreg:s9], $0x5FFFF  }
0xae: {  	[dreg:$0x1] =	wrdreg $0xFFFFFFFF  }
0xaf: {  	[dreg:$0x0] =	wrdreg $0x60  }
0xb0: {  	[dreg:$0x2] =	wrdreg s2  }
0xb1: {  	[dreg:$0x3] =	wrdreg s19  }
0xb2: {  	[dreg:$0x4] =	wrdreg s4  }
0xb3: {  	[dreg:$0x5] =	wrdreg $0x4800  }
0xb4: {  	[dreg:$0x6] =	wrdreg $0x9  }
0xb5: {  	_ =	task.clear_ibuf [dreg:s9], $0x7FFFF;
	_ =	strace $0x90000046  }
0xb6: {  	s29 =	simm.s32 $0x9;
	_ =	strace $0x80000048  }
0xb7: {  	_ =	swait.ge [sflag:s29], $0x1  }
0xb8: {  	[sflag:s29] =	ssyncadd.s32 $0xFFFFFFFF  }
0xb9: {  	_ =	strace $0x90000048  }
0xba: {  	_ =	sfence  }
0xbb: {  	s30 =	sld [smem:$0x0];
	_ =	sdelay $0x2  }
0xbc: {  	s31 =	sshll.u32 s1, $0xD;
	s1 =	sshrl.u32 s1, $0x2  }
0xbd: {  	s3 =	sand.u32 $0x4000, s31;
	s1 =	sadd.s32 s1, s30  }
0xbe: {  	s0 =	sor.u32 s3, s0;
	s1 =	sshll.u32 s1, $0x11  }
0xbf: {  	s0 =	sor.u32 s1, s0  }
0xc0: {  	s0 =	sadd.s32 $0x8F2B, s0  }
0xc1: {  	[sflag:s0] =	ssyncadd.remote.s32 $0x1  }
0xc2: {  	_ =	sfence.sel $0xFFFF  }
0xc3: {  	[dreg:$0x0] =	wrdreg $0xFFFFFFFF;
	(pc) =	sbr.abs _section_cstart, $3  }
0xc4: {  	[dreg:$0x1] =	wrdreg $0xFFFFFFFF  }
0xc5: {  	_ =	task.clear_ibuf [dreg:s9], $0x2FFFF;
	_ =	strace $0x9FFFFFFF  }
0xc6: {  	(tm) =	ssettm $0x7FFFFFFF  }
0xc7: {  	_ =	shalt  }
tec
execute0_lowered:
.L_overlay_start_1:
0x0: {  	(tag) =	ssettag $0x1  }
0x1: {  	s0 =	rddreg [dreg:$0x0]  }
0x2: {  	s2 =	rddreg [dreg:$0x1]  }
0x3: {  	s11 =	rddreg [dreg:$0x2]  }
0x4: {  	s1 =	rddreg [dreg:$0x3];
	s3 =	simm.s32 $0x0;
	s4 =	srdreg.scid  }
0x5: {  	s16 =	stileid.u32;
	s14 =	simm.s32 $0x4F;
	s20 =	simm.s32 $0x3  }
0x6: {  	s21 =	simm.s32 $0x100;
	s22 =	simm.s32 $0x80;
	s28 =	simm.s32 $0x0  }
0x7: {  	[smem:$0x7FF] =	sst s3;
	s8 =	sand.u32 $0x1, s4;
	s7 =	smul.u32 $0xA00, s16  }
0x8: {  	s5 =	sshll.u32 s16, $0x1;
	p0 =	slt.u32 s16, $0x2;
	s10 =	smul.u32 $0x500, s16  }
0x9: {  	s15 =	sadd.s32 $0x10, s0;
	s16 =	smul.u32 $0x9C, s16;
	_ =	strace $0x80000047  }
0xa: {  	s4 =	ssub.s32 $0x2, s8;
	s5 =	sor.u32 s8, s5;
	s14 =	simm.s32 @!p0 $0x4E  }
0xb: {  	s17 =	sshll.u32 s8, $0x7;
	s18 =	smul.u32 $0x4E, s8;
	s6 =	sshrl.u32 s4, $0x1  }
0xc: {  	s23 =	smul.u32 $0x4E, s5;
	s13 =	smin.u32 s5, $0x4;
	s24 =	sshrl.u32 s7, $0x2  }
0xd: {  	s10 =	sor.u32 s17, s10;
	s12 =	ssub.s32 s4, s6;
	s4 =	sadd.s32 s24, s1  }
0xe: {  	s17 =	sshrl.u32 s10, $0x3;
	s16 =	sadd.s32 s18, s16;
	s10 =	sadd.s32 $0xFFFFFFFF, s14  }
0xf: {  	s24 =	simm.s32 $0x1;
	s25 =	sadd.s32 s13, s23;
	s11 =	sadd.s32 s11, s17  }
0x10: {  	s16 =	sadd.s32 s13, s16;
	s12 =	smax.u32 s12, $0x1;
	s13 =	sadd.s32 $0xFFFFFFFE, s14  }
0x11: {  	s14 =	sadd.s32 $0xFFFFFFFD, s14;
	s26 =	sshll.u32 s25, $0x5;
	s9 =	sadd.s32 $0x1, s25  }
0x12: {  	s6 =	sshll.u32 s25, $0x4;
	s30 =	sshll.u32 s16, $0x4;
	s31 =	sshll.u32 s16, $0x5  }
0x13: {  	s5 =	sadd.s32 s26, s15;
	s29 =	sshll.u32 s9, $0x5;
	s6 =	sadd.s32 s2, s6  }
0x14: {  	s9 =	sshll.u32 s9, $0x4;
	s17 =	sadd.s32 s30, s2;
	s0 =	sadd.s32 s31, s0  }
0x15: {  	[dreg:$0x5] =	wrdreg s5;
	s7 =	sand.u32 $0x1FFFFFE0, s29;
	s9 =	sand.u32 $0x1FFFFFF0, s9  }
0x16: {  	s19 =	sadd.s32 $0x30, s17;
	s17 =	sadd.s32 $0x20, s17;
	s7 =	sadd.s32 s7, s15  }
0x17: {  	s8 =	sadd.s32 s2, s9;
	s9 =	simm.s32 $0x50;
	s15 =	sadd.s32 s15, s31  }
0x18: {  	v0 =	vimm.f32 $0.0e+00;
	s18 =	sadd.s32 $0x50, s0;
	s9 =	simm.s32 @!p0 $0x4E;
	s2 =	sadd.s32 $0x60, s15  }
.LBB2_1:
0x19: {  	[tilespmem:$0x200] =	vst v0  }
0x1a: {  	[tilespmem:$0x210] =	vst v0  }
0x1b: {  	[tilespmem:$0x220] =	vst v0  }
0x1c: {  	[tilespmem:$0x230] =	vst v0  }
0x1d: {  	[tilespmem:$0x240] =	vst v0  }
0x1e: {  	[tilespmem:$0x250] =	vst v0  }
0x1f: {  	[tilespmem:$0x260] =	vst v0  }
0x20: {  	[tilespmem:$0x270] =	vst v0  }
0x21: {  	[tilespmem:$0x280] =	vst v0  }
0x22: {  	[tilespmem:$0x290] =	vst v0  }
0x23: {  	[tilespmem:$0x2A0] =	vst v0  }
0x24: {  	[tilespmem:$0x2B0] =	vst v0  }
0x25: {  	[tilespmem:$0x2C0] =	vst v0  }
0x26: {  	[tilespmem:$0x2D0] =	vst v0  }
0x27: {  	[tilespmem:$0x2E0] =	vst v0  }
0x28: {  	[tilespmem:$0x2F0] =	vst v0  }
0x29: {  	[tilespmem:$0x300] =	vst v0  }
0x2a: {  	[tilespmem:$0x310] =	vst v0  }
0x2b: {  	[tilespmem:$0x320] =	vst v0  }
0x2c: {  	[tilespmem:$0x330] =	vst v0  }
0x2d: {  	[tilespmem:$0x340] =	vst v0  }
0x2e: {  	[tilespmem:$0x350] =	vst v0  }
0x2f: {  	[tilespmem:$0x360] =	vst v0  }
0x30: {  	[tilespmem:$0x370] =	vst v0  }
0x31: {  	[tilespmem:$0x380] =	vst v0  }
0x32: {  	[tilespmem:$0x390] =	vst v0  }
0x33: {  	[tilespmem:$0x3A0] =	vst v0  }
0x34: {  	[tilespmem:$0x3B0] =	vst v0  }
0x35: {  	[tilespmem:$0x3C0] =	vst v0  }
0x36: {  	[tilespmem:$0x3D0] =	vst v0  }
0x37: {  	[tilespmem:$0x3E0] =	vst v0  }
0x38: {  	[tilespmem:$0x3F0] =	vst v0  }
0x39: {  	[tilespmem:$0x400] =	vst v0  }
0x3a: {  	[tilespmem:$0x410] =	vst v0  }
0x3b: {  	[tilespmem:$0x420] =	vst v0  }
0x3c: {  	[tilespmem:$0x430] =	vst v0  }
0x3d: {  	[tilespmem:$0x440] =	vst v0  }
0x3e: {  	[tilespmem:$0x450] =	vst v0  }
0x3f: {  	[tilespmem:$0x460] =	vst v0  }
0x40: {  	[tilespmem:$0x470] =	vst v0;
	s0 =	simm.s32 $0x200  }
0x41: {  	[spmem:s4] =	stream.linear.scatter [tilespmem:s0], [sflag:$0x3], $0x280, $0x38;
	[tilespmem:$0x700] =	vst v63  }
0x42: {  	_ =	swait.ge [sflag:s20], $0x280  }
0x43: {  	[sflag:s20] =	ssyncset.done $0x0  }
0x44: {  	[sflag:s20] =	ssyncadd.s32 $0xFFFFFD80  }
0x45: {  	[bflag:$0x0] =	sbarrier.arrive $0xFFFF  }
0x46: {  	s25 =	rddreg [dreg:$0x5]  }
0x47: {  	[tilespmem:s3], [sflag:$0x1] =	stream.linear.gather [hbm4b:s25+s3], $0x80, $0x38;
	[tilespmem:$0x700] =	vst v63  }
0x48: {  	_ = 	snop  }
0x49: {  	[tilespmem:s21], [sflag:$0x1] =	stream.linear.gather [hbm4b:s6+s3], $0x80, $0x38;
	[tilespmem:$0x700] =	vst v63  }
0x4a: {  	_ = 	snop  }
0x4b: {  	[tilespmem:s22], [sflag:$0x2] =	stream.linear.gather [hbm4b:s7+s3], $0x80, $0x38;
	[tilespmem:$0x700] =	vst v63  }
0x4c: {  	s26 =	simm.s32 $0x180  }
0x4d: {  	[tilespmem:s26], [sflag:$0x2] =	stream.linear.gather [hbm4b:s8+s3], $0x80, $0x38;
	[tilespmem:$0x700] =	vst v63  }
0x4e: {  	_ =	swait.ge [sflag:s24], $0x80  }
0x4f: {  	[sflag:s24] =	ssyncset.done $0x0  }
0x50: {  	[sflag:s24] =	ssyncadd.s32 $0xFFFFFF80  }
0x51: {  	_ =	swait.ge [sflag:s24], $0x80  }
0x52: {  	[sflag:s24] =	ssyncset.done $0x0  }
0x53: {  	[sflag:s24] =	ssyncadd.s32 $0xFFFFFF80  }
0x54: {  	[spmem:s1] =	stream.indirect.scatter.add.f32 [tilespmem:s21], [sflag:$0x3], $0x1, s3, s22, $0xb8;
	[tilespmem:$0x700] =	vst v63  }
0x55: {  	_ =	swait.ge [sflag:s20], $0x80  }
0x56: {  	p1 =	sle.u32 s13, $0x0;
	[sflag:s20] =	ssyncset.done $0x0  }
0x57: {  	s0 =	simm.s32 @!p1 $0x0;
	[sflag:s20] =	ssyncadd.s32 $0xFFFFFF80  }
0x58: {  	[tilespmem:s0], [sflag:$0x1] =	stream.linear.gather @!p1 [hbm4b:s18+s0], $0x80, $0x38;
	[tilespmem:$0x700] =	vst v63  }
0x59: {  	p0 =	sle.u32 s10, $0x0;
	s15 =	simm.s32 @!p1 $0x100  }
0x5a: {  	[tilespmem:s15], [sflag:$0x1] =	stream.linear.gather @!p1 [hbm4b:s17+s0], $0x80, $0x38;
	[tilespmem:$0x700] =	vst v63  }
0x5b: {  	s0 =	simm.s32 @!p0 $0x2  }
0x5c: {  	_ =	swait.ge @!p0 [sflag:s0], $0x80  }
0x5d: {  	[sflag:s0] =	ssyncset.done @!p0 $0x0  }
0x5e: {  	[sflag:s0] =	ssyncadd.s32 @!p0 $0xFFFFFF80  }
0x5f: {  	_ =	swait.ge @!p0 [sflag:s0], $0x80  }
0x60: {  	s16 =	simm.s32 @!p0 $0x180;
	[sflag:s0] =	ssyncset.done @!p0 $0x0  }
0x61: {  	s15 =	simm.s32 @!p0 $0x80;
	[sflag:s0] =	ssyncadd.s32 @!p0 $0xFFFFFF80;
	s0 =	simm.s32 @!p0 $0x3  }
0x62: {  	[spmem:s1] =	stream.indirect.scatter.add.f32 @!p0 [tilespmem:s16], [sflag:$0x3], $0x1, s15, s15, $0xb8;
	[tilespmem:$0x700] =	vst v63  }
0x63: {  	_ =	swait.ge @!p0 [sflag:s0], $0x80  }
0x64: {  	p1 =	sle.u32 @!p0 s14, $0x0;
	[sflag:s0] =	ssyncset.done @!p0 $0x0  }
0x65: {  	p1 =	por p1, p0;
	[sflag:s0] =	ssyncadd.s32 @!p0 $0xFFFFFF80;
	p0 =	sne.s32 s9, $0x2  }
.Ltmp0:
0x66: {  	_ = 	snop;
	(pc) =	sbr.rel @!p0 .LBB2_3-.Ltmp0, $4  }
0x67: {  	s29 =	simm.s32 $0x2;
	s30 =	sadd.s32 $0x40, s18;
	s31 =	sadd.s32 $0x20, s17  }
0x68: {  	s23 =	simm.s32 @!p1 $0x0;
	s25 =	simm.s32 @!p1 $0x180;
	s15 =	simm.s32 @!p1 $0x80  }
0x69: {  	[tilespmem:s15], [sflag:$0x2] =	stream.linear.gather @!p1 [hbm4b:s2+s23], $0x80, $0x38;
	[tilespmem:$0x700] =	vst v63  }
0x6a: {  	s16 =	smov.u32 s2;
	s0 =	smov.u32 s19;
	s15 =	smov.u32 s19  }
.LBB2_2:
0x6b: {  	s15 =	sadd.s32 $0x20, s15  }
0x6c: {  	s16 =	sadd.s32 $0x40, s16;
	s26 =	smov.u32 s29;
	s29 =	sadd.s32 $0x2, s29  }
0x6d: {  	[tilespmem:s25], [sflag:$0x2] =	stream.linear.gather @!p1 [hbm4b:s0+s23], $0x80, $0x38;
	[tilespmem:$0x700] =	vst v63  }
0x6e: {  	p0 =	sne.s32 s9, s29;
	s0 =	smov.u32 s15;
	_ =	swait.ge [sflag:s24], $0x80  }
0x6f: {  	[sflag:s24] =	ssyncset.done $0x0  }
0x70: {  	[sflag:s24] =	ssyncadd.s32 $0xFFFFFF80  }
0x71: {  	_ =	swait.ge [sflag:s24], $0x80  }
0x72: {  	[sflag:s24] =	ssyncset.done $0x0  }
0x73: {  	[sflag:s24] =	ssyncadd.s32 $0xFFFFFF80  }
0x74: {  	[spmem:s1] =	stream.indirect.scatter.add.f32 [tilespmem:s21], [sflag:$0x3], $0x1, s3, s22, $0xb8;
	[tilespmem:$0x700] =	vst v63  }
0x75: {  	_ =	swait.ge [sflag:s20], $0x80  }
0x76: {  	p1 =	sge.u32 s26, s13;
	[sflag:s20] =	ssyncset.done $0x0  }
0x77: {  	s23 =	simm.s32 @!p1 $0x0;
	[sflag:s20] =	ssyncadd.s32 $0xFFFFFF80  }
0x78: {  	[tilespmem:s23], [sflag:$0x1] =	stream.linear.gather @!p1 [hbm4b:s30+s23], $0x80, $0x38;
	[tilespmem:$0x700] =	vst v63  }
0x79: {  	p2 =	sge.u32 s26, s10;
	s25 =	simm.s32 @!p1 $0x100  }
0x7a: {  	[tilespmem:s25], [sflag:$0x1] =	stream.linear.gather @!p1 [hbm4b:s31+s23], $0x80, $0x38;
	[tilespmem:$0x700] =	vst v63  }
0x7b: {  	s23 =	simm.s32 @!p2 $0x2;
	p1 =	sge.u32 @!p2 s26, s14  }
0x7c: {  	_ =	swait.ge @!p2 [sflag:s23], $0x80  }
0x7d: {  	[sflag:s23] =	ssyncset.done @!p2 $0x0  }
0x7e: {  	[sflag:s23] =	ssyncadd.s32 @!p2 $0xFFFFFF80  }
0x7f: {  	_ =	swait.ge @!p2 [sflag:s23], $0x80  }
0x80: {  	s25 =	simm.s32 @!p2 $0x80;
	s26 =	simm.s32 @!p2 $0x180;
	[sflag:s23] =	ssyncset.done @!p2 $0x0  }
0x81: {  	s5 =	simm.s32 @!p2 $0x3;
	[sflag:s23] =	ssyncadd.s32 @!p2 $0xFFFFFF80  }
0x82: {  	[spmem:s1] =	stream.indirect.scatter.add.f32 @!p2 [tilespmem:s26], [sflag:$0x3], $0x1, s25, s25, $0xb8;
	[tilespmem:$0x700] =	vst v63  }
.Ltmp1:
0x83: {  	_ = 	snop;
	(pc) =	sbr.rel @p0 .LBB2_2-.Ltmp1, $4  }
0x84: {  	s30 =	sadd.s32 $0x40, s30;
	p1 =	por p1, p2;
	_ =	swait.ge @!p2 [sflag:s5], $0x80  }
0x85: {  	s23 =	simm.s32 @!p1 $0x0;
	s26 =	simm.s32 @!p1 $0x80;
	[sflag:s5] =	ssyncset.done @!p2 $0x0  }
0x86: {  	s31 =	sadd.s32 $0x20, s31;
	s25 =	simm.s32 @!p1 $0x180;
	[sflag:s5] =	ssyncadd.s32 @!p2 $0xFFFFFF80  }
0x87: {  	[tilespmem:s26], [sflag:$0x2] =	stream.linear.gather @!p1 [hbm4b:s16+s23], $0x80, $0x38;
	[tilespmem:$0x700] =	vst v63  }
.LBB2_3:
0x88: {  	[tilespmem:s25], [sflag:$0x2] =	stream.linear.gather @!p1 [hbm4b:s0+s23], $0x80, $0x38;
	[tilespmem:$0x700] =	vst v63  }
0x89: {  	s31 =	stileid.u32  }
0x8a: {  	s5 =	sshrl.u32 s4, $0x3;
	s15 =	simm.s32 $0x20;
	s28 =	sadd.s32 $0x1, s28  }
0x8b: {  	s16 =	simm.s32 $0x10;
	s0 =	sshll.u32 s31, $0x6;
	p0 =	sne.s32 s28, s12  }
.Ltmp2:
0x8c: {  	[bflag:$0x0] =	sbarrier.arrive $0xFFFF;
	s0 =	sor.u32 $0x1C03, s0;
	(pc) =	sbr.rel @p0 .LBB2_1-.Ltmp2, $4  }
0x8d: {  	[hbm:s11@s15], [sflag:s0] =	dma.strided [spmem:s5@s16], $0x50, s24, $0x10   }
0x8e: {  	_ =	swait.ge [sflag:s20], $0x50  }
0x8f: {  	[sflag:s20] =	ssyncset.done $0x0  }
0x90: {  	[sflag:s20] =	ssyncadd.s32 $0xFFFFFFB0  }
0x91: {  	_ =	sfence.sel $0x180000  }
0x92: {  	[bflag:$0x0] =	sbarrier.arrive $0xFFFF  }
0x93: {  	_ =	strace $0x90000047  }
0x94: {  	s0 =	stileid.u32;
	[bflag:$0x2] =	sbarrier.arrive $0xFFFF  }
0x95: {  	p0 =	sne.s32 s0, $0x0;
	s0 =	rddreg [dreg:$0x4]  }
0x96: {  	s0 =	sadd.s32 @!p0 $0x100000, s0  }
0x97: {  	[sflag:s0] =	ssyncadd.tile.s32 @!p0 $0x1;
	_ =	shalt  }
.Lfunc_end2:
_tile_overlayer_lowered:
.L_overlay_start_2:
0x98: {  	(tag) =	ssettag $0x2  }
0x99: {  	s0 =	rddreg [dreg:$0x0];
	s2 =	stileid.u32  }
0x9a: {  	s1 =	rddreg [dreg:$0x1];
	p0 =	sne.s32 s2, $0x0  }
0x9b: {  	s3 =	rddreg [dreg:$0x2];
	[bflag:$0x3] =	sbarrier.arrive $0xFFFF;
	s2 =	simm.s32 @!p0 $0x1C03  }
0x9c: {  	[timem:s3], [sflag:s2] =	dma.local @!p0 [hbm:s0], s1  }
0x9d: {  	s0 =	simm.s32 @!p0 $0x3  }
0x9e: {  	_ =	swait.ge @!p0 [sflag:s0], s1  }
0x9f: {  	s1 =	ssub.s32 @!p0 $0x0, s1;
	[sflag:s0] =	ssyncset.done @!p0 $0x0  }
0xa0: {  	[sflag:s0] =	ssyncadd.s32 @!p0 s1  }
0xa1: {  	[bflag:$0x3] =	sbarrier.arrive $0xFFFF  }
0xa2: {  	_ =	shalt  }

</sc_bundles>
